<compile_context>
chip_gen: v7x
topology: tpu7x:2x2x1
jax: 0.10.2.dev20260603
libtpu: 0.0.44.dev20260713+nightly
codegen_flags: <defaults>
</compile_context>

<pallas_src>
import functools

import jax
import jax.numpy as jnp
from jax import lax
from jax.experimental import pallas as pl
from jax.experimental.pallas import tpu as pltpu
from jax.experimental.pallas import tpu_sc as plsc

N = 10000
IN_CH = 256
HID = 512
OUT_CH = 256
E_RAW = 160000

N_PAD = 10240
DUMMY = N
NC, NS, L = 2, 16, 16
NW = NC * NS
CB = 128
E_TOT = E_RAW + N
EPT_CHUNKS = -(-E_TOT // (NW * CB))
EPT = EPT_CHUNKS * CB
E_PAD = NW * EPT
RPT = N_PAD // NS
RB = 512

NB0, NB1 = 64, 20
E0 = NS * NB0 * CB

@functools.cache
def _mesh():
    return plsc.VectorSubcoreMesh(core_axis_name="c", subcore_axis_name="s",
                                  num_cores=NC, num_subcores=NS)


def _deg_body(dst_hbm, ones_hbm, zeros_hbm, deg_out, dst_v, ones_v, acc):
    c = lax.axis_index("c")
    s = lax.axis_index("s")
    wid = c * NS + s
    pltpu.sync_copy(dst_hbm.at[wid], dst_v)
    pltpu.sync_copy(ones_hbm, ones_v)
    pltpu.sync_copy(zeros_hbm, acc.at[pl.ds(s * RPT, RPT)])
    plsc.subcore_barrier()

    def body(j, carry):
        pltpu.sync_copy(ones_v, acc.at[dst_v.at[j]], add=True)
        return carry

    lax.fori_loop(0, EPT_CHUNKS, body, 0)
    plsc.subcore_barrier()
    pltpu.sync_copy(acc.at[pl.ds(s * RPT, RPT)], deg_out.at[c, pl.ds(s * RPT, RPT)])


@functools.cache
def _deg_call():
    return pl.kernel(
        _deg_body,
        out_type=jax.ShapeDtypeStruct((NC, N_PAD, 128), jnp.float32),
        mesh=_mesh(),
        scratch_types=[
            pltpu.VMEM((EPT_CHUNKS, CB), jnp.int32),
            pltpu.VMEM((CB, 128), jnp.float32),
            pltpu.VMEM_SHARED((N_PAD, 128), jnp.float32),
        ],
    )


KG = 1


def _agg_body(nch, nb0, nb1, table_hbm, src0_hbm, dst0_hbm, src1_hbm,
              dst1_hbm, zeros_hbm, out_hbm, src_v, dst_v,
              off0, r0, acc, sem0):
    offs = (off0,)
    rows = (r0,)
    sems = (sem0,)
    c = lax.axis_index("c")
    s = lax.axis_index("s")
    nbg = jnp.where(c == 0, nb0 // KG, nb1 // KG)

    @pl.when(c == 0)
    def _():
        pltpu.sync_copy(src0_hbm.at[s], src_v.at[pl.ds(0, nb0)])
        pltpu.sync_copy(dst0_hbm.at[s], dst_v.at[pl.ds(0, nb0)])

    @pl.when(c == 1)
    def _():
        pltpu.sync_copy(src1_hbm.at[s], src_v.at[pl.ds(0, nb1)])
        pltpu.sync_copy(dst1_hbm.at[s], dst_v.at[pl.ds(0, nb1)])

    for ch in range(nch):
        pltpu.sync_copy(zeros_hbm, acc.at[pl.ds(s * RPT, RPT)])
        plsc.subcore_barrier()
        base = jnp.int32(ch * N_PAD)

        def body(g, carry):
            descs = []
            for b in range(KG):
                j = g * KG + b
                for k in range(CB // L):
                    offs[b][pl.ds(k * L, L)] = (
                        src_v[j, pl.ds(k * L, L)] + base)
                descs.append(
                    pltpu.async_copy(table_hbm.at[offs[b]], rows[b], sems[b]))
            for b in range(KG):
                descs[b].wait()
            for b in range(KG):
                pltpu.sync_copy(rows[b], acc.at[dst_v.at[g * KG + b]],
                                add=True)
            return carry

        lax.fori_loop(0, nbg, body, 0)
        plsc.subcore_barrier()
        pltpu.sync_copy(acc.at[pl.ds(s * RPT, RPT)],
                        out_hbm.at[c, ch, pl.ds(s * RPT, RPT)])


@functools.cache
def _make_agg(nch, nb0, nb1):
    nbmax = max(nb0, nb1)
    return pl.kernel(
        functools.partial(_agg_body, nch, nb0, nb1),
        out_type=jax.ShapeDtypeStruct((NC, nch, N_PAD, 128), jnp.float32),
        mesh=_mesh(),
        scratch_types=[
            pltpu.VMEM((nbmax, CB), jnp.int32),
            pltpu.VMEM((nbmax, CB), jnp.int32),
            pltpu.VMEM((CB,), jnp.int32),
            pltpu.VMEM((CB, 128), jnp.float32),
            pltpu.VMEM_SHARED((N_PAD, 128), jnp.float32),
            pltpu.SemaphoreType.DMA,
        ],
    )


def _dinv_of(degp):
    deg = degp[0, :, :1] + degp[1, :, :1]
    return jnp.where(deg > 0, lax.rsqrt(jnp.maximum(deg, 1e-12)), 0.0)


def _mm1_body(x_ref, w_ref, degp_ref, out_ref):
    dinv = _dinv_of(degp_ref[...])
    xw = jnp.dot(x_ref[...], w_ref[...], preferred_element_type=jnp.float32)
    out_ref[0] = xw * dinv


def _mm2_body(p_ref, degp_ref, b1_ref, w2_ref, out_ref):
    dinv = _dinv_of(degp_ref[...])
    p = p_ref[...]
    h = jnp.concatenate([p[0, cc] + p[1, cc] for cc in range(HID // 128)],
                        axis=1)
    h = jnp.maximum(h * dinv + b1_ref[...], 0.0)
    out_ref[0] = jnp.dot(h, w2_ref[...],
                         preferred_element_type=jnp.float32) * dinv


def _fin_body(p_ref, degp_ref, b2_ref, out_ref):
    dinv = _dinv_of(degp_ref[...])
    p = p_ref[...]
    o = jnp.concatenate([p[0, cc] + p[1, cc] for cc in range(OUT_CH // 128)],
                        axis=1)
    out_ref[...] = jnp.maximum(o * dinv + b2_ref[...], 0.0)


_mm1_call = pl.pallas_call(
    _mm1_body,
    grid=(HID // 128, N_PAD // RB),
    in_specs=[
        pl.BlockSpec((RB, IN_CH), lambda ci, ri: (ri, 0)),
        pl.BlockSpec((IN_CH, 128), lambda ci, ri: (0, ci)),
        pl.BlockSpec((2, RB, 128), lambda ci, ri: (0, ri, 0)),
    ],
    out_specs=pl.BlockSpec((1, RB, 128), lambda ci, ri: (ci, ri, 0)),
    out_shape=jax.ShapeDtypeStruct((HID // 128, N_PAD, 128), jnp.float32),
)

_mm2_call = pl.pallas_call(
    _mm2_body,
    grid=(OUT_CH // 128, N_PAD // RB),
    in_specs=[
        pl.BlockSpec((2, HID // 128, RB, 128), lambda ci, ri: (0, 0, ri, 0)),
        pl.BlockSpec((2, RB, 128), lambda ci, ri: (0, ri, 0)),
        pl.BlockSpec((1, HID), lambda ci, ri: (0, 0)),
        pl.BlockSpec((HID, 128), lambda ci, ri: (0, ci)),
    ],
    out_specs=pl.BlockSpec((1, RB, 128), lambda ci, ri: (ci, ri, 0)),
    out_shape=jax.ShapeDtypeStruct((OUT_CH // 128, N_PAD, 128), jnp.float32),
)

_fin_call = pl.pallas_call(
    _fin_body,
    grid=(N_PAD // RB,),
    in_specs=[
        pl.BlockSpec((2, OUT_CH // 128, RB, 128), lambda ri: (0, 0, ri, 0)),
        pl.BlockSpec((2, RB, 128), lambda ri: (0, ri, 0)),
        pl.BlockSpec((1, OUT_CH), lambda ri: (0, 0)),
    ],
    out_specs=pl.BlockSpec((RB, OUT_CH), lambda ri: (ri, 0)),
    out_shape=jax.ShapeDtypeStruct((N_PAD, OUT_CH), jnp.float32),
)


def kernel(x, edge_index, W1, b1, W2, b2):
    loops = jnp.arange(N, dtype=edge_index.dtype)
    pad = jnp.full((E_PAD - E_TOT,), DUMMY, dtype=jnp.int32)
    flat_src = jnp.concatenate(
        [edge_index[0].astype(jnp.int32), loops.astype(jnp.int32), pad])
    flat_dst = jnp.concatenate(
        [edge_index[1].astype(jnp.int32), loops.astype(jnp.int32), pad])
    dstr = flat_dst.reshape(NW, EPT_CHUNKS, CB)
    src0 = flat_src[:E0].reshape(NS, NB0, CB)
    dst0 = flat_dst[:E0].reshape(NS, NB0, CB)
    src1 = flat_src[E0:].reshape(NS, NB1, CB)
    dst1 = flat_dst[E0:].reshape(NS, NB1, CB)

    ones_r = jnp.ones((CB, 128), jnp.float32)
    zerosr = jnp.zeros((RPT, 128), jnp.float32)

    degp = _deg_call()(dstr, ones_r, zerosr)
    x_pad = jnp.pad(x, ((0, N_PAD - N), (0, 0)))
    t1 = _mm1_call(x_pad, W1, degp)
    p1 = _make_agg(HID // 128, NB0, NB1)(
        t1.reshape(HID // 128 * N_PAD, 128),
        src0, dst0, src1, dst1, zerosr)
    t2 = _mm2_call(p1, degp, b1.reshape(1, HID), W2)
    p2 = _make_agg(OUT_CH // 128, NB0, NB1)(
        t2.reshape(OUT_CH // 128 * N_PAD, 128),
        src0, dst0, src1, dst1, zerosr)
    outp = _fin_call(p2, degp, b2.reshape(1, OUT_CH))
    return outp[:N]

# --- scband reference (transcript-rebuilt; emitter-appended) ---
"""Pipeline reference for scband-encoder-25185688224512 (READ-ONLY COPY).

The authoritative reference and input builder live on the scoring server;
editing this copy changes nothing except your own understanding.
"""

import jax, jax.numpy as jnp
import numpy as np

N_NODES = 10000
IN_CH = 256
HID = 512  # coder_hid_num(2) * out_channels(256)
OUT_CH = 256
N_EDGES = 160000


def glorot(key, shape):
    lim = float(np.sqrt(6.0 / (shape[0] + shape[1])))
    return jax.random.uniform(key, shape, dtype=jnp.float32, minval=-lim, maxval=lim)


def setup_inputs(seed: int = 0) -> dict:
    key = jax.random.key(seed)
    k1, k2, k3, k4 = jax.random.split(key, 4)
    x = jax.random.normal(k1, (N_NODES, IN_CH), dtype=jnp.float32)
    edge_index = jax.random.randint(k2, (2, N_EDGES), 0, N_NODES, dtype=jnp.int64)
    W1 = glorot(k3, (IN_CH, HID))
    b1 = jnp.zeros((HID,), dtype=jnp.float32)
    W2 = glorot(k4, (HID, OUT_CH))
    b2 = jnp.zeros((OUT_CH,), dtype=jnp.float32)
    return {"x": x, "edge_index": edge_index, "W1": W1, "b1": b1, "W2": W2, "b2": b2}


def _gcn_conv(x, src, dst, W, b):
    # GCNConv: D^{-1/2} (A + I) D^{-1/2} X W + b, with self-loops already appended
    deg = jnp.zeros((N_NODES,), dtype=x.dtype).at[dst].add(1.0)
    deg_inv_sqrt = jnp.where(deg > 0, jax.lax.rsqrt(jnp.maximum(deg, 1e-12)), 0.0)
    norm = deg_inv_sqrt[src] * deg_inv_sqrt[dst]
    xw = x @ W
    msg = xw[src] * norm[:, None]
    out = jax.ops.segment_sum(msg, dst, num_segments=N_NODES)
    return out + b


def reference(x, edge_index, W1, b1, W2, b2):
    loops = jnp.arange(N_NODES, dtype=edge_index.dtype)
    src = jnp.concatenate([edge_index[0], loops])
    dst = jnp.concatenate([edge_index[1], loops])
    h = jax.nn.relu(_gcn_conv(x, src, dst, W1, b1))
    out = jax.nn.relu(_gcn_conv(h, src, dst, W2, b2))
    return out

if __name__ == "__main__":
    import jax
    _d = setup_inputs()
    print(jax.jit(kernel)(*tuple(_d.values())))

</pallas_src>

<mosaic_0001>
#map = affine_map<(d0, d1) -> (0, 0)>
#map1 = affine_map<(d0, d1) -> (0, 0, 0)>
#map2 = affine_map<(d0, d1) -> (0, 0, 0, 0)>
module attributes {stable_mosaic.version = 14 : i64} {
  func.func @_agg_body(%arg0: i32, %arg1: i32, %arg2: memref<20480x128xf32, #tpu.memory_space<hbm>>, %arg3: memref<16x64x128xi32, #tpu.memory_space<hbm>>, %arg4: memref<16x64x128xi32, #tpu.memory_space<hbm>>, %arg5: memref<16x20x128xi32, #tpu.memory_space<hbm>>, %arg6: memref<16x20x128xi32, #tpu.memory_space<hbm>>, %arg7: memref<640x128xf32, #tpu.memory_space<hbm>>, %arg8: memref<2x2x10240x128xf32, #tpu.memory_space<hbm>>, %arg9: memref<64x128xi32, #tpu.memory_space<vmem>>, %arg10: memref<64x128xi32, #tpu.memory_space<vmem>>, %arg11: memref<128xi32, #tpu.memory_space<vmem>>, %arg12: memref<128x128xf32, #tpu.memory_space<vmem>>, %arg13: memref<10240x128xf32, #tpu.memory_space<vmem_shared>>, %arg14: memref<!tpu.dma_semaphore, #tpu.memory_space<semaphore_mem>>) attributes {dimension_semantics = [#tpu.dimension_semantics<core_parallel>, #tpu.dimension_semantics<subcore_parallel>], iteration_bounds = array<i64: 2, 16>, scalar_prefetch = 0 : i64, scratch_operands = 6 : i64, tpu.core_type = #tpu.core_type<sc_vector_subcore>, window_params = [{transform_indices = #map}, {transform_indices = #map1}, {transform_indices = #map1}, {transform_indices = #map1}, {transform_indices = #map1}, {transform_indices = #map}, {transform_indices = #map2}]} {
    %eq3A = arith.constant 0 : i32
    %eq3A_0 = arith.cmpi eq, %arg0, %eq3A : i32
    %jit3A = arith.constant 64 : i32
    %jit3A_1 = arith.constant 20 : i32
    %select_n3A = arith.select %eq3A_0, %jit3A, %jit3A_1 : i32
    %eq3A_2 = arith.constant 0 : i32
    %eq3A_3 = arith.cmpi eq, %arg0, %eq3A_2 : i32
    %convert_element_type3A = arith.extui %eq3A_3 : i1 to i32
    %cond3A = arith.constant 0 : i32
    %cond3A_4 = arith.cmpi ne, %convert_element_type3A, %cond3A : i32
    scf.if %cond3A_4 {
      "tpu.region"() ({
        %run_scoped3A_46 = tpu.sem_alloc : memref<!tpu.dma_semaphore, #tpu.memory_space<semaphore_mem>>
        %dma_start3A = arith.constant 0 : i32
        %dma_start3A_47 = arith.constant 0 : i32
        %dma_start3A_48 = tpu.memref_slice %arg9[%dma_start3A, %dma_start3A_47] : memref<64x128xi32, #tpu.memory_space<vmem>> -> memref<64x128xi32, #tpu.memory_space<vmem>>
        %dma_start3A_49 = arith.constant 0 : i32
        %dma_start3A_50 = arith.constant 0 : i32
        %dma_start3A_51 = tpu.memref_slice %arg3[%arg1, %dma_start3A_49, %dma_start3A_50] : memref<16x64x128xi32, #tpu.memory_space<hbm>> -> memref<1x64x128xi32, #tpu.memory_space<hbm>>
        %dma_start3A_52 = tpu.memref_squeeze %dma_start3A_51 : memref<1x64x128xi32, #tpu.memory_space<hbm>> -> memref<64x128xi32, #tpu.memory_space<hbm>>
        %dma_start3A_53 = arith.constant 0 : i32
        %dma_start3A_54 = arith.constant 0 : i32
        %dma_start3A_55 = tpu.memref_slice %arg9[%dma_start3A_53, %dma_start3A_54] : memref<64x128xi32, #tpu.memory_space<vmem>> -> memref<64x128xi32, #tpu.memory_space<vmem>>
        %dma_start3A_56 = arith.constant 0 : i32
        %dma_start3A_57 = arith.constant 0 : i32
        %dma_start3A_58 = tpu.memref_slice %arg3[%arg1, %dma_start3A_56, %dma_start3A_57] : memref<16x64x128xi32, #tpu.memory_space<hbm>> -> memref<1x64x128xi32, #tpu.memory_space<hbm>>
        %dma_start3A_59 = tpu.memref_squeeze %dma_start3A_58 : memref<1x64x128xi32, #tpu.memory_space<hbm>> -> memref<64x128xi32, #tpu.memory_space<hbm>>
        tpu.enqueue_dma source(%dma_start3A_59 : memref<64x128xi32, #tpu.memory_space<hbm>>) target(%dma_start3A_55 : memref<64x128xi32, #tpu.memory_space<vmem>>) target_semaphore(%run_scoped3A_46 : memref<!tpu.dma_semaphore, #tpu.memory_space<semaphore_mem>>)
        %dma_wait3A = arith.constant 0 : i32
        %dma_wait3A_60 = arith.constant 0 : i32
        %dma_wait3A_61 = tpu.memref_slice %arg9[%dma_wait3A, %dma_wait3A_60] : memref<64x128xi32, #tpu.memory_space<vmem>> -> memref<64x128xi32, #tpu.memory_space<vmem>>
        %dma_wait3A_62 = arith.constant 0 : i32
        %dma_wait3A_63 = arith.constant 0 : i32
        %dma_wait3A_64 = tpu.memref_slice %arg3[%arg1, %dma_wait3A_62, %dma_wait3A_63] : memref<16x64x128xi32, #tpu.memory_space<hbm>> -> memref<1x64x128xi32, #tpu.memory_space<hbm>>
        %dma_wait3A_65 = tpu.memref_squeeze %dma_wait3A_64 : memref<1x64x128xi32, #tpu.memory_space<hbm>> -> memref<64x128xi32, #tpu.memory_space<hbm>>
        %dma_wait3A_66 = arith.constant 0 : i32
        %dma_wait3A_67 = arith.constant 0 : i32
        %dma_wait3A_68 = tpu.memref_slice %arg9[%dma_wait3A_66, %dma_wait3A_67] : memref<64x128xi32, #tpu.memory_space<vmem>> -> memref<64x128xi32, #tpu.memory_space<vmem>>
        %dma_wait3A_69 = arith.constant 0 : i32
        %dma_wait3A_70 = arith.constant 0 : i32
        %dma_wait3A_71 = tpu.memref_slice %arg3[%arg1, %dma_wait3A_69, %dma_wait3A_70] : memref<16x64x128xi32, #tpu.memory_space<hbm>> -> memref<1x64x128xi32, #tpu.memory_space<hbm>>
        %dma_wait3A_72 = tpu.memref_squeeze %dma_wait3A_71 : memref<1x64x128xi32, #tpu.memory_space<hbm>> -> memref<64x128xi32, #tpu.memory_space<hbm>>
        tpu.wait_dma2 semaphore(%run_scoped3A_46 : memref<!tpu.dma_semaphore, #tpu.memory_space<semaphore_mem>>) src(%dma_wait3A_72 : memref<64x128xi32, #tpu.memory_space<hbm>>) dst(%dma_wait3A_68 : memref<64x128xi32, #tpu.memory_space<vmem>>)
        tpu.yield
      }) : () -> ()
      "tpu.region"() ({
        %run_scoped3A_46 = tpu.sem_alloc : memref<!tpu.dma_semaphore, #tpu.memory_space<semaphore_mem>>
        %dma_start3A = arith.constant 0 : i32
        %dma_start3A_47 = arith.constant 0 : i32
        %dma_start3A_48 = tpu.memref_slice %arg10[%dma_start3A, %dma_start3A_47] : memref<64x128xi32, #tpu.memory_space<vmem>> -> memref<64x128xi32, #tpu.memory_space<vmem>>
        %dma_start3A_49 = arith.constant 0 : i32
        %dma_start3A_50 = arith.constant 0 : i32
        %dma_start3A_51 = tpu.memref_slice %arg4[%arg1, %dma_start3A_49, %dma_start3A_50] : memref<16x64x128xi32, #tpu.memory_space<hbm>> -> memref<1x64x128xi32, #tpu.memory_space<hbm>>
        %dma_start3A_52 = tpu.memref_squeeze %dma_start3A_51 : memref<1x64x128xi32, #tpu.memory_space<hbm>> -> memref<64x128xi32, #tpu.memory_space<hbm>>
        %dma_start3A_53 = arith.constant 0 : i32
        %dma_start3A_54 = arith.constant 0 : i32
        %dma_start3A_55 = tpu.memref_slice %arg10[%dma_start3A_53, %dma_start3A_54] : memref<64x128xi32, #tpu.memory_space<vmem>> -> memref<64x128xi32, #tpu.memory_space<vmem>>
        %dma_start3A_56 = arith.constant 0 : i32
        %dma_start3A_57 = arith.constant 0 : i32
        %dma_start3A_58 = tpu.memref_slice %arg4[%arg1, %dma_start3A_56, %dma_start3A_57] : memref<16x64x128xi32, #tpu.memory_space<hbm>> -> memref<1x64x128xi32, #tpu.memory_space<hbm>>
        %dma_start3A_59 = tpu.memref_squeeze %dma_start3A_58 : memref<1x64x128xi32, #tpu.memory_space<hbm>> -> memref<64x128xi32, #tpu.memory_space<hbm>>
        tpu.enqueue_dma source(%dma_start3A_59 : memref<64x128xi32, #tpu.memory_space<hbm>>) target(%dma_start3A_55 : memref<64x128xi32, #tpu.memory_space<vmem>>) target_semaphore(%run_scoped3A_46 : memref<!tpu.dma_semaphore, #tpu.memory_space<semaphore_mem>>)
        %dma_wait3A = arith.constant 0 : i32
        %dma_wait3A_60 = arith.constant 0 : i32
        %dma_wait3A_61 = tpu.memref_slice %arg10[%dma_wait3A, %dma_wait3A_60] : memref<64x128xi32, #tpu.memory_space<vmem>> -> memref<64x128xi32, #tpu.memory_space<vmem>>
        %dma_wait3A_62 = arith.constant 0 : i32
        %dma_wait3A_63 = arith.constant 0 : i32
        %dma_wait3A_64 = tpu.memref_slice %arg4[%arg1, %dma_wait3A_62, %dma_wait3A_63] : memref<16x64x128xi32, #tpu.memory_space<hbm>> -> memref<1x64x128xi32, #tpu.memory_space<hbm>>
        %dma_wait3A_65 = tpu.memref_squeeze %dma_wait3A_64 : memref<1x64x128xi32, #tpu.memory_space<hbm>> -> memref<64x128xi32, #tpu.memory_space<hbm>>
        %dma_wait3A_66 = arith.constant 0 : i32
        %dma_wait3A_67 = arith.constant 0 : i32
        %dma_wait3A_68 = tpu.memref_slice %arg10[%dma_wait3A_66, %dma_wait3A_67] : memref<64x128xi32, #tpu.memory_space<vmem>> -> memref<64x128xi32, #tpu.memory_space<vmem>>
        %dma_wait3A_69 = arith.constant 0 : i32
        %dma_wait3A_70 = arith.constant 0 : i32
        %dma_wait3A_71 = tpu.memref_slice %arg4[%arg1, %dma_wait3A_69, %dma_wait3A_70] : memref<16x64x128xi32, #tpu.memory_space<hbm>> -> memref<1x64x128xi32, #tpu.memory_space<hbm>>
        %dma_wait3A_72 = tpu.memref_squeeze %dma_wait3A_71 : memref<1x64x128xi32, #tpu.memory_space<hbm>> -> memref<64x128xi32, #tpu.memory_space<hbm>>
        tpu.wait_dma2 semaphore(%run_scoped3A_46 : memref<!tpu.dma_semaphore, #tpu.memory_space<semaphore_mem>>) src(%dma_wait3A_72 : memref<64x128xi32, #tpu.memory_space<hbm>>) dst(%dma_wait3A_68 : memref<64x128xi32, #tpu.memory_space<vmem>>)
        tpu.yield
      }) : () -> ()
    } else {
    }
    %eq3A_5 = arith.constant 1 : i32
    %eq3A_6 = arith.cmpi eq, %arg0, %eq3A_5 : i32
    %convert_element_type3A_7 = arith.extui %eq3A_6 : i1 to i32
    %cond3A_8 = arith.constant 0 : i32
    %cond3A_9 = arith.cmpi ne, %convert_element_type3A_7, %cond3A_8 : i32
    scf.if %cond3A_9 {
      "tpu.region"() ({
        %run_scoped3A_46 = tpu.sem_alloc : memref<!tpu.dma_semaphore, #tpu.memory_space<semaphore_mem>>
        %dma_start3A = arith.constant 0 : i32
        %dma_start3A_47 = arith.constant 0 : i32
        %dma_start3A_48 = tpu.memref_slice %arg9[%dma_start3A, %dma_start3A_47] : memref<64x128xi32, #tpu.memory_space<vmem>> -> memref<20x128xi32, #tpu.memory_space<vmem>>
        %dma_start3A_49 = arith.constant 0 : i32
        %dma_start3A_50 = arith.constant 0 : i32
        %dma_start3A_51 = tpu.memref_slice %arg5[%arg1, %dma_start3A_49, %dma_start3A_50] : memref<16x20x128xi32, #tpu.memory_space<hbm>> -> memref<1x20x128xi32, #tpu.memory_space<hbm>>
        %dma_start3A_52 = tpu.memref_squeeze %dma_start3A_51 : memref<1x20x128xi32, #tpu.memory_space<hbm>> -> memref<20x128xi32, #tpu.memory_space<hbm>>
        %dma_start3A_53 = arith.constant 0 : i32
        %dma_start3A_54 = arith.constant 0 : i32
        %dma_start3A_55 = tpu.memref_slice %arg9[%dma_start3A_53, %dma_start3A_54] : memref<64x128xi32, #tpu.memory_space<vmem>> -> memref<20x128xi32, #tpu.memory_space<vmem>>
        %dma_start3A_56 = arith.constant 0 : i32
        %dma_start3A_57 = arith.constant 0 : i32
        %dma_start3A_58 = tpu.memref_slice %arg5[%arg1, %dma_start3A_56, %dma_start3A_57] : memref<16x20x128xi32, #tpu.memory_space<hbm>> -> memref<1x20x128xi32, #tpu.memory_space<hbm>>
        %dma_start3A_59 = tpu.memref_squeeze %dma_start3A_58 : memref<1x20x128xi32, #tpu.memory_space<hbm>> -> memref<20x128xi32, #tpu.memory_space<hbm>>
        tpu.enqueue_dma source(%dma_start3A_59 : memref<20x128xi32, #tpu.memory_space<hbm>>) target(%dma_start3A_55 : memref<20x128xi32, #tpu.memory_space<vmem>>) target_semaphore(%run_scoped3A_46 : memref<!tpu.dma_semaphore, #tpu.memory_space<semaphore_mem>>)
        %dma_wait3A = arith.constant 0 : i32
        %dma_wait3A_60 = arith.constant 0 : i32
        %dma_wait3A_61 = tpu.memref_slice %arg9[%dma_wait3A, %dma_wait3A_60] : memref<64x128xi32, #tpu.memory_space<vmem>> -> memref<20x128xi32, #tpu.memory_space<vmem>>
        %dma_wait3A_62 = arith.constant 0 : i32
        %dma_wait3A_63 = arith.constant 0 : i32
        %dma_wait3A_64 = tpu.memref_slice %arg5[%arg1, %dma_wait3A_62, %dma_wait3A_63] : memref<16x20x128xi32, #tpu.memory_space<hbm>> -> memref<1x20x128xi32, #tpu.memory_space<hbm>>
        %dma_wait3A_65 = tpu.memref_squeeze %dma_wait3A_64 : memref<1x20x128xi32, #tpu.memory_space<hbm>> -> memref<20x128xi32, #tpu.memory_space<hbm>>
        %dma_wait3A_66 = arith.constant 0 : i32
        %dma_wait3A_67 = arith.constant 0 : i32
        %dma_wait3A_68 = tpu.memref_slice %arg9[%dma_wait3A_66, %dma_wait3A_67] : memref<64x128xi32, #tpu.memory_space<vmem>> -> memref<20x128xi32, #tpu.memory_space<vmem>>
        %dma_wait3A_69 = arith.constant 0 : i32
        %dma_wait3A_70 = arith.constant 0 : i32
        %dma_wait3A_71 = tpu.memref_slice %arg5[%arg1, %dma_wait3A_69, %dma_wait3A_70] : memref<16x20x128xi32, #tpu.memory_space<hbm>> -> memref<1x20x128xi32, #tpu.memory_space<hbm>>
        %dma_wait3A_72 = tpu.memref_squeeze %dma_wait3A_71 : memref<1x20x128xi32, #tpu.memory_space<hbm>> -> memref<20x128xi32, #tpu.memory_space<hbm>>
        tpu.wait_dma2 semaphore(%run_scoped3A_46 : memref<!tpu.dma_semaphore, #tpu.memory_space<semaphore_mem>>) src(%dma_wait3A_72 : memref<20x128xi32, #tpu.memory_space<hbm>>) dst(%dma_wait3A_68 : memref<20x128xi32, #tpu.memory_space<vmem>>)
        tpu.yield
      }) : () -> ()
      "tpu.region"() ({
        %run_scoped3A_46 = tpu.sem_alloc : memref<!tpu.dma_semaphore, #tpu.memory_space<semaphore_mem>>
        %dma_start3A = arith.constant 0 : i32
        %dma_start3A_47 = arith.constant 0 : i32
        %dma_start3A_48 = tpu.memref_slice %arg10[%dma_start3A, %dma_start3A_47] : memref<64x128xi32, #tpu.memory_space<vmem>> -> memref<20x128xi32, #tpu.memory_space<vmem>>
        %dma_start3A_49 = arith.constant 0 : i32
        %dma_start3A_50 = arith.constant 0 : i32
        %dma_start3A_51 = tpu.memref_slice %arg6[%arg1, %dma_start3A_49, %dma_start3A_50] : memref<16x20x128xi32, #tpu.memory_space<hbm>> -> memref<1x20x128xi32, #tpu.memory_space<hbm>>
        %dma_start3A_52 = tpu.memref_squeeze %dma_start3A_51 : memref<1x20x128xi32, #tpu.memory_space<hbm>> -> memref<20x128xi32, #tpu.memory_space<hbm>>
        %dma_start3A_53 = arith.constant 0 : i32
        %dma_start3A_54 = arith.constant 0 : i32
        %dma_start3A_55 = tpu.memref_slice %arg10[%dma_start3A_53, %dma_start3A_54] : memref<64x128xi32, #tpu.memory_space<vmem>> -> memref<20x128xi32, #tpu.memory_space<vmem>>
        %dma_start3A_56 = arith.constant 0 : i32
        %dma_start3A_57 = arith.constant 0 : i32
        %dma_start3A_58 = tpu.memref_slice %arg6[%arg1, %dma_start3A_56, %dma_start3A_57] : memref<16x20x128xi32, #tpu.memory_space<hbm>> -> memref<1x20x128xi32, #tpu.memory_space<hbm>>
        %dma_start3A_59 = tpu.memref_squeeze %dma_start3A_58 : memref<1x20x128xi32, #tpu.memory_space<hbm>> -> memref<20x128xi32, #tpu.memory_space<hbm>>
        tpu.enqueue_dma source(%dma_start3A_59 : memref<20x128xi32, #tpu.memory_space<hbm>>) target(%dma_start3A_55 : memref<20x128xi32, #tpu.memory_space<vmem>>) target_semaphore(%run_scoped3A_46 : memref<!tpu.dma_semaphore, #tpu.memory_space<semaphore_mem>>)
        %dma_wait3A = arith.constant 0 : i32
        %dma_wait3A_60 = arith.constant 0 : i32
        %dma_wait3A_61 = tpu.memref_slice %arg10[%dma_wait3A, %dma_wait3A_60] : memref<64x128xi32, #tpu.memory_space<vmem>> -> memref<20x128xi32, #tpu.memory_space<vmem>>
        %dma_wait3A_62 = arith.constant 0 : i32
        %dma_wait3A_63 = arith.constant 0 : i32
        %dma_wait3A_64 = tpu.memref_slice %arg6[%arg1, %dma_wait3A_62, %dma_wait3A_63] : memref<16x20x128xi32, #tpu.memory_space<hbm>> -> memref<1x20x128xi32, #tpu.memory_space<hbm>>
        %dma_wait3A_65 = tpu.memref_squeeze %dma_wait3A_64 : memref<1x20x128xi32, #tpu.memory_space<hbm>> -> memref<20x128xi32, #tpu.memory_space<hbm>>
        %dma_wait3A_66 = arith.constant 0 : i32
        %dma_wait3A_67 = arith.constant 0 : i32
        %dma_wait3A_68 = tpu.memref_slice %arg10[%dma_wait3A_66, %dma_wait3A_67] : memref<64x128xi32, #tpu.memory_space<vmem>> -> memref<20x128xi32, #tpu.memory_space<vmem>>
        %dma_wait3A_69 = arith.constant 0 : i32
        %dma_wait3A_70 = arith.constant 0 : i32
        %dma_wait3A_71 = tpu.memref_slice %arg6[%arg1, %dma_wait3A_69, %dma_wait3A_70] : memref<16x20x128xi32, #tpu.memory_space<hbm>> -> memref<1x20x128xi32, #tpu.memory_space<hbm>>
        %dma_wait3A_72 = tpu.memref_squeeze %dma_wait3A_71 : memref<1x20x128xi32, #tpu.memory_space<hbm>> -> memref<20x128xi32, #tpu.memory_space<hbm>>
        tpu.wait_dma2 semaphore(%run_scoped3A_46 : memref<!tpu.dma_semaphore, #tpu.memory_space<semaphore_mem>>) src(%dma_wait3A_72 : memref<20x128xi32, #tpu.memory_space<hbm>>) dst(%dma_wait3A_68 : memref<20x128xi32, #tpu.memory_space<vmem>>)
        tpu.yield
      }) : () -> ()
    } else {
    }
    %mul3A = arith.constant 640 : i32
    %mul3A_10 = arith.muli %arg1, %mul3A : i32
    "tpu.region"() ({
      %run_scoped3A_46 = tpu.sem_alloc : memref<!tpu.dma_semaphore, #tpu.memory_space<semaphore_mem>>
      %dma_start3A = arith.constant 0 : i32
      %dma_start3A_47 = tpu.memref_slice %arg13[%mul3A_10, %dma_start3A] : memref<10240x128xf32, #tpu.memory_space<vmem_shared>> -> memref<640x128xf32, #tpu.memory_space<vmem_shared>>
      tpu.enqueue_dma source(%arg7 : memref<640x128xf32, #tpu.memory_space<hbm>>) target(%dma_start3A_47 : memref<640x128xf32, #tpu.memory_space<vmem_shared>>) target_semaphore(%run_scoped3A_46 : memref<!tpu.dma_semaphore, #tpu.memory_space<semaphore_mem>>)
      %dma_wait3A = arith.constant 0 : i32
      %dma_wait3A_48 = tpu.memref_slice %arg13[%mul3A_10, %dma_wait3A] : memref<10240x128xf32, #tpu.memory_space<vmem_shared>> -> memref<640x128xf32, #tpu.memory_space<vmem_shared>>
      tpu.wait_dma2 semaphore(%run_scoped3A_46 : memref<!tpu.dma_semaphore, #tpu.memory_space<semaphore_mem>>) src(%arg7 : memref<640x128xf32, #tpu.memory_space<hbm>>) dst(%dma_wait3A_48 : memref<640x128xf32, #tpu.memory_space<vmem_shared>>)
      tpu.yield
    }) : () -> ()
    %barrier3A = arith.constant 0 : index
    tpu.barrier barrier_id(%barrier3A)
    %while3A = arith.constant 0 : i32
    %while3A_11 = arith.constant 0 : i32
    %while3A_12 = arith.constant 0 : i32
    %while3A_13 = arith.subi %select_n3A, %while3A_12 : i32
    %while3A_14 = arith.addi %while3A_12, %while3A_13 : i32
    %while3A_15 = arith.constant 1 : i32
    %while3A_16 = arith.divsi %while3A_13, %while3A_15 : i32
    %while3A_17 = arith.muli %while3A_16, %while3A_15 : i32
    %while3A_18 = arith.addi %while3A_12, %while3A_17 : i32
    %while3A_19 = arith.constant 1 : i32
    scf.for %while3A_46 = %while3A_12 to %while3A_18 step %while3A_19  : i32 {
      %mul3A_47 = arith.constant 1 : i32
      %mul3A_48 = arith.muli %while3A_46, %mul3A_47 : i32
      %add3A = arith.constant 0 : i32
      %add3A_49 = arith.addi %mul3A_48, %add3A : i32
      %get3A = arith.index_cast %add3A_49 : i32 to index
      %get3A_50 = arith.constant 0 : index
      %get3A_51 = tpu.vector_load %arg9[%get3A, %get3A_50] {strides = array<i32>} : memref<64x128xi32, #tpu.memory_space<vmem>>, vector<1x16xi32>,
      %get3A_52 = vector.shape_cast %get3A_51 : vector<1x16xi32> to vector<16xi32>
      %add3A_53 = vector.broadcast %while3A_11 : i32 to vector<16xi32>
      %add3A_54 = arith.addi %get3A_52, %add3A_53 : vector<16xi32>
      %swap3A = arith.constant 0 : index
      %swap3A_55 = tpu.vector_load %arg11[%swap3A] {strides = array<i32>} : memref<128xi32, #tpu.memory_space<vmem>>, vector<16xi32>,
      %swap3A_56 = vector.shape_cast %swap3A_55 : vector<16xi32> to vector<16xi32>
      %swap3A_57 = vector.shape_cast %add3A_54 : vector<16xi32> to vector<16xi32>
      tpu.vector_store %arg11[%swap3A], %swap3A_57 {strides = array<i32>} : memref<128xi32, #tpu.memory_space<vmem>>, vector<16xi32>,
      %get3A_58 = arith.index_cast %add3A_49 : i32 to index
      %get3A_59 = arith.constant 16 : index
      %get3A_60 = tpu.vector_load %arg9[%get3A_58, %get3A_59] {strides = array<i32>} : memref<64x128xi32, #tpu.memory_space<vmem>>, vector<1x16xi32>,
      %get3A_61 = vector.shape_cast %get3A_60 : vector<1x16xi32> to vector<16xi32>
      %add3A_62 = vector.broadcast %while3A_11 : i32 to vector<16xi32>
      %add3A_63 = arith.addi %get3A_61, %add3A_62 : vector<16xi32>
      %swap3A_64 = arith.constant 16 : index
      %swap3A_65 = tpu.vector_load %arg11[%swap3A_64] {strides = array<i32>} : memref<128xi32, #tpu.memory_space<vmem>>, vector<16xi32>,
      %swap3A_66 = vector.shape_cast %swap3A_65 : vector<16xi32> to vector<16xi32>
      %swap3A_67 = vector.shape_cast %add3A_63 : vector<16xi32> to vector<16xi32>
      tpu.vector_store %arg11[%swap3A_64], %swap3A_67 {strides = array<i32>} : memref<128xi32, #tpu.memory_space<vmem>>, vector<16xi32>,
      %get3A_68 = arith.index_cast %add3A_49 : i32 to index
      %get3A_69 = arith.constant 32 : index
      %get3A_70 = tpu.vector_load %arg9[%get3A_68, %get3A_69] {strides = array<i32>} : memref<64x128xi32, #tpu.memory_space<vmem>>, vector<1x16xi32>,
      %get3A_71 = vector.shape_cast %get3A_70 : vector<1x16xi32> to vector<16xi32>
      %add3A_72 = vector.broadcast %while3A_11 : i32 to vector<16xi32>
      %add3A_73 = arith.addi %get3A_71, %add3A_72 : vector<16xi32>
      %swap3A_74 = arith.constant 32 : index
      %swap3A_75 = tpu.vector_load %arg11[%swap3A_74] {strides = array<i32>} : memref<128xi32, #tpu.memory_space<vmem>>, vector<16xi32>,
      %swap3A_76 = vector.shape_cast %swap3A_75 : vector<16xi32> to vector<16xi32>
      %swap3A_77 = vector.shape_cast %add3A_73 : vector<16xi32> to vector<16xi32>
      tpu.vector_store %arg11[%swap3A_74], %swap3A_77 {strides = array<i32>} : memref<128xi32, #tpu.memory_space<vmem>>, vector<16xi32>,
      %get3A_78 = arith.index_cast %add3A_49 : i32 to index
      %get3A_79 = arith.constant 48 : index
      %get3A_80 = tpu.vector_load %arg9[%get3A_78, %get3A_79] {strides = array<i32>} : memref<64x128xi32, #tpu.memory_space<vmem>>, vector<1x16xi32>,
      %get3A_81 = vector.shape_cast %get3A_80 : vector<1x16xi32> to vector<16xi32>
      %add3A_82 = vector.broadcast %while3A_11 : i32 to vector<16xi32>
      %add3A_83 = arith.addi %get3A_81, %add3A_82 : vector<16xi32>
      %swap3A_84 = arith.constant 48 : index
      %swap3A_85 = tpu.vector_load %arg11[%swap3A_84] {strides = array<i32>} : memref<128xi32, #tpu.memory_space<vmem>>, vector<16xi32>,
      %swap3A_86 = vector.shape_cast %swap3A_85 : vector<16xi32> to vector<16xi32>
      %swap3A_87 = vector.shape_cast %add3A_83 : vector<16xi32> to vector<16xi32>
      tpu.vector_store %arg11[%swap3A_84], %swap3A_87 {strides = array<i32>} : memref<128xi32, #tpu.memory_space<vmem>>, vector<16xi32>,
      %get3A_88 = arith.index_cast %add3A_49 : i32 to index
      %get3A_89 = arith.constant 64 : index
      %get3A_90 = tpu.vector_load %arg9[%get3A_88, %get3A_89] {strides = array<i32>} : memref<64x128xi32, #tpu.memory_space<vmem>>, vector<1x16xi32>,
      %get3A_91 = vector.shape_cast %get3A_90 : vector<1x16xi32> to vector<16xi32>
      %add3A_92 = vector.broadcast %while3A_11 : i32 to vector<16xi32>
      %add3A_93 = arith.addi %get3A_91, %add3A_92 : vector<16xi32>
      %swap3A_94 = arith.constant 64 : index
      %swap3A_95 = tpu.vector_load %arg11[%swap3A_94] {strides = array<i32>} : memref<128xi32, #tpu.memory_space<vmem>>, vector<16xi32>,
      %swap3A_96 = vector.shape_cast %swap3A_95 : vector<16xi32> to vector<16xi32>
      %swap3A_97 = vector.shape_cast %add3A_93 : vector<16xi32> to vector<16xi32>
      tpu.vector_store %arg11[%swap3A_94], %swap3A_97 {strides = array<i32>} : memref<128xi32, #tpu.memory_space<vmem>>, vector<16xi32>,
      %get3A_98 = arith.index_cast %add3A_49 : i32 to index
      %get3A_99 = arith.constant 80 : index
      %get3A_100 = tpu.vector_load %arg9[%get3A_98, %get3A_99] {strides = array<i32>} : memref<64x128xi32, #tpu.memory_space<vmem>>, vector<1x16xi32>,
      %get3A_101 = vector.shape_cast %get3A_100 : vector<1x16xi32> to vector<16xi32>
      %add3A_102 = vector.broadcast %while3A_11 : i32 to vector<16xi32>
      %add3A_103 = arith.addi %get3A_101, %add3A_102 : vector<16xi32>
      %swap3A_104 = arith.constant 80 : index
      %swap3A_105 = tpu.vector_load %arg11[%swap3A_104] {strides = array<i32>} : memref<128xi32, #tpu.memory_space<vmem>>, vector<16xi32>,
      %swap3A_106 = vector.shape_cast %swap3A_105 : vector<16xi32> to vector<16xi32>
      %swap3A_107 = vector.shape_cast %add3A_103 : vector<16xi32> to vector<16xi32>
      tpu.vector_store %arg11[%swap3A_104], %swap3A_107 {strides = array<i32>} : memref<128xi32, #tpu.memory_space<vmem>>, vector<16xi32>,
      %get3A_108 = arith.index_cast %add3A_49 : i32 to index
      %get3A_109 = arith.constant 96 : index
      %get3A_110 = tpu.vector_load %arg9[%get3A_108, %get3A_109] {strides = array<i32>} : memref<64x128xi32, #tpu.memory_space<vmem>>, vector<1x16xi32>,
      %get3A_111 = vector.shape_cast %get3A_110 : vector<1x16xi32> to vector<16xi32>
      %add3A_112 = vector.broadcast %while3A_11 : i32 to vector<16xi32>
      %add3A_113 = arith.addi %get3A_111, %add3A_112 : vector<16xi32>
      %swap3A_114 = arith.constant 96 : index
      %swap3A_115 = tpu.vector_load %arg11[%swap3A_114] {strides = array<i32>} : memref<128xi32, #tpu.memory_space<vmem>>, vector<16xi32>,
      %swap3A_116 = vector.shape_cast %swap3A_115 : vector<16xi32> to vector<16xi32>
      %swap3A_117 = vector.shape_cast %add3A_113 : vector<16xi32> to vector<16xi32>
      tpu.vector_store %arg11[%swap3A_114], %swap3A_117 {strides = array<i32>} : memref<128xi32, #tpu.memory_space<vmem>>, vector<16xi32>,
      %get3A_118 = arith.index_cast %add3A_49 : i32 to index
      %get3A_119 = arith.constant 112 : index
      %get3A_120 = tpu.vector_load %arg9[%get3A_118, %get3A_119] {strides = array<i32>} : memref<64x128xi32, #tpu.memory_space<vmem>>, vector<1x16xi32>,
      %get3A_121 = vector.shape_cast %get3A_120 : vector<1x16xi32> to vector<16xi32>
      %add3A_122 = vector.broadcast %while3A_11 : i32 to vector<16xi32>
      %add3A_123 = arith.addi %get3A_121, %add3A_122 : vector<16xi32>
      %swap3A_124 = arith.constant 112 : index
      %swap3A_125 = tpu.vector_load %arg11[%swap3A_124] {strides = array<i32>} : memref<128xi32, #tpu.memory_space<vmem>>, vector<16xi32>,
      %swap3A_126 = vector.shape_cast %swap3A_125 : vector<16xi32> to vector<16xi32>
      %swap3A_127 = vector.shape_cast %add3A_123 : vector<16xi32> to vector<16xi32>
      tpu.vector_store %arg11[%swap3A_124], %swap3A_127 {strides = array<i32>} : memref<128xi32, #tpu.memory_space<vmem>>, vector<16xi32>,
      %dma_start3A = arith.constant 0 : i32
      %dma_start3A_128 = arith.constant 0 : i32
      %dma_start3A_129 = tpu.memref_slice %arg2[%dma_start3A, %dma_start3A_128] : memref<20480x128xf32, #tpu.memory_space<hbm>> -> memref<20480x128xf32, #tpu.memory_space<hbm>>
      tpu.enqueue_indirect_dma source(%dma_start3A_129 : memref<20480x128xf32, #tpu.memory_space<hbm>>) target(%arg12 : memref<128x128xf32, #tpu.memory_space<vmem>>) offsets(%arg11 : memref<128xi32, #tpu.memory_space<vmem>>) semaphore(%arg14 : memref<!tpu.dma_semaphore, #tpu.memory_space<semaphore_mem>>)
      %dma_wait3A = arith.constant 0 : i32
      %dma_wait3A_130 = arith.constant 0 : i32
      %dma_wait3A_131 = tpu.memref_slice %arg2[%dma_wait3A, %dma_wait3A_130] : memref<20480x128xf32, #tpu.memory_space<hbm>> -> memref<20480x128xf32, #tpu.memory_space<hbm>>
      tpu.wait_indirect_dma semaphore(%arg14 : memref<!tpu.dma_semaphore, #tpu.memory_space<semaphore_mem>>) src(%dma_wait3A_131 : memref<20480x128xf32, #tpu.memory_space<hbm>>) dst(%arg12 : memref<128x128xf32, #tpu.memory_space<vmem>>)
      %mul3A_132 = arith.constant 1 : i32
      %mul3A_133 = arith.muli %while3A_46, %mul3A_132 : i32
      %add3A_134 = arith.constant 0 : i32
      %add3A_135 = arith.addi %mul3A_133, %add3A_134 : i32
      "tpu.region"() ({
        %run_scoped3A_136 = tpu.sem_alloc : memref<!tpu.dma_semaphore, #tpu.memory_space<semaphore_mem>>
        %dma_start3A_137 = arith.constant 0 : i32
        %dma_start3A_138 = tpu.memref_slice %arg10[%add3A_135, %dma_start3A_137] : memref<64x128xi32, #tpu.memory_space<vmem>> -> memref<1x128xi32, #tpu.memory_space<vmem>>
        %dma_start3A_139 = tpu.memref_squeeze %dma_start3A_138 : memref<1x128xi32, #tpu.memory_space<vmem>> -> memref<128xi32, #tpu.memory_space<vmem>>
        %dma_start3A_140 = arith.constant 0 : i32
        %dma_start3A_141 = arith.constant 0 : i32
        %dma_start3A_142 = tpu.memref_slice %arg13[%dma_start3A_140, %dma_start3A_141] : memref<10240x128xf32, #tpu.memory_space<vmem_shared>> -> memref<10240x128xf32, #tpu.memory_space<vmem_shared>>
        tpu.enqueue_indirect_dma source(%arg12 : memref<128x128xf32, #tpu.memory_space<vmem>>) target(%dma_start3A_142 : memref<10240x128xf32, #tpu.memory_space<vmem_shared>>) offsets(%dma_start3A_139 : memref<128xi32, #tpu.memory_space<vmem>>) semaphore(%run_scoped3A_136 : memref<!tpu.dma_semaphore, #tpu.memory_space<semaphore_mem>>) {add = true}
        %dma_wait3A_143 = arith.constant 0 : i32
        %dma_wait3A_144 = tpu.memref_slice %arg10[%add3A_135, %dma_wait3A_143] : memref<64x128xi32, #tpu.memory_space<vmem>> -> memref<1x128xi32, #tpu.memory_space<vmem>>
        %dma_wait3A_145 = tpu.memref_squeeze %dma_wait3A_144 : memref<1x128xi32, #tpu.memory_space<vmem>> -> memref<128xi32, #tpu.memory_space<vmem>>
        %dma_wait3A_146 = arith.constant 0 : i32
        %dma_wait3A_147 = arith.constant 0 : i32
        %dma_wait3A_148 = tpu.memref_slice %arg13[%dma_wait3A_146, %dma_wait3A_147] : memref<10240x128xf32, #tpu.memory_space<vmem_shared>> -> memref<10240x128xf32, #tpu.memory_space<vmem_shared>>
        tpu.wait_indirect_dma semaphore(%run_scoped3A_136 : memref<!tpu.dma_semaphore, #tpu.memory_space<semaphore_mem>>) src(%arg12 : memref<128x128xf32, #tpu.memory_space<vmem>>) dst(%dma_wait3A_148 : memref<10240x128xf32, #tpu.memory_space<vmem_shared>>)
        tpu.yield
      }) : () -> ()
    }
    %while3A_20 = arith.constant 1 : i32
    scf.for %while3A_46 = %while3A_18 to %while3A_14 step %while3A_20  : i32 {
      %mul3A_47 = arith.constant 1 : i32
      %mul3A_48 = arith.muli %while3A_46, %mul3A_47 : i32
      %add3A = arith.constant 0 : i32
      %add3A_49 = arith.addi %mul3A_48, %add3A : i32
      %get3A = arith.index_cast %add3A_49 : i32 to index
      %get3A_50 = arith.constant 0 : index
      %get3A_51 = tpu.vector_load %arg9[%get3A, %get3A_50] {strides = array<i32>} : memref<64x128xi32, #tpu.memory_space<vmem>>, vector<1x16xi32>,
      %get3A_52 = vector.shape_cast %get3A_51 : vector<1x16xi32> to vector<16xi32>
      %add3A_53 = vector.broadcast %while3A_11 : i32 to vector<16xi32>
      %add3A_54 = arith.addi %get3A_52, %add3A_53 : vector<16xi32>
      %swap3A = arith.constant 0 : index
      %swap3A_55 = tpu.vector_load %arg11[%swap3A] {strides = array<i32>} : memref<128xi32, #tpu.memory_space<vmem>>, vector<16xi32>,
      %swap3A_56 = vector.shape_cast %swap3A_55 : vector<16xi32> to vector<16xi32>
      %swap3A_57 = vector.shape_cast %add3A_54 : vector<16xi32> to vector<16xi32>
      tpu.vector_store %arg11[%swap3A], %swap3A_57 {strides = array<i32>} : memref<128xi32, #tpu.memory_space<vmem>>, vector<16xi32>,
      %get3A_58 = arith.index_cast %add3A_49 : i32 to index
      %get3A_59 = arith.constant 16 : index
      %get3A_60 = tpu.vector_load %arg9[%get3A_58, %get3A_59] {strides = array<i32>} : memref<64x128xi32, #tpu.memory_space<vmem>>, vector<1x16xi32>,
      %get3A_61 = vector.shape_cast %get3A_60 : vector<1x16xi32> to vector<16xi32>
      %add3A_62 = vector.broadcast %while3A_11 : i32 to vector<16xi32>
      %add3A_63 = arith.addi %get3A_61, %add3A_62 : vector<16xi32>
      %swap3A_64 = arith.constant 16 : index
      %swap3A_65 = tpu.vector_load %arg11[%swap3A_64] {strides = array<i32>} : memref<128xi32, #tpu.memory_space<vmem>>, vector<16xi32>,
      %swap3A_66 = vector.shape_cast %swap3A_65 : vector<16xi32> to vector<16xi32>
      %swap3A_67 = vector.shape_cast %add3A_63 : vector<16xi32> to vector<16xi32>
      tpu.vector_store %arg11[%swap3A_64], %swap3A_67 {strides = array<i32>} : memref<128xi32, #tpu.memory_space<vmem>>, vector<16xi32>,
      %get3A_68 = arith.index_cast %add3A_49 : i32 to index
      %get3A_69 = arith.constant 32 : index
      %get3A_70 = tpu.vector_load %arg9[%get3A_68, %get3A_69] {strides = array<i32>} : memref<64x128xi32, #tpu.memory_space<vmem>>, vector<1x16xi32>,
      %get3A_71 = vector.shape_cast %get3A_70 : vector<1x16xi32> to vector<16xi32>
      %add3A_72 = vector.broadcast %while3A_11 : i32 to vector<16xi32>
      %add3A_73 = arith.addi %get3A_71, %add3A_72 : vector<16xi32>
      %swap3A_74 = arith.constant 32 : index
      %swap3A_75 = tpu.vector_load %arg11[%swap3A_74] {strides = array<i32>} : memref<128xi32, #tpu.memory_space<vmem>>, vector<16xi32>,
      %swap3A_76 = vector.shape_cast %swap3A_75 : vector<16xi32> to vector<16xi32>
      %swap3A_77 = vector.shape_cast %add3A_73 : vector<16xi32> to vector<16xi32>
      tpu.vector_store %arg11[%swap3A_74], %swap3A_77 {strides = array<i32>} : memref<128xi32, #tpu.memory_space<vmem>>, vector<16xi32>,
      %get3A_78 = arith.index_cast %add3A_49 : i32 to index
      %get3A_79 = arith.constant 48 : index
      %get3A_80 = tpu.vector_load %arg9[%get3A_78, %get3A_79] {strides = array<i32>} : memref<64x128xi32, #tpu.memory_space<vmem>>, vector<1x16xi32>,
      %get3A_81 = vector.shape_cast %get3A_80 : vector<1x16xi32> to vector<16xi32>
      %add3A_82 = vector.broadcast %while3A_11 : i32 to vector<16xi32>
      %add3A_83 = arith.addi %get3A_81, %add3A_82 : vector<16xi32>
      %swap3A_84 = arith.constant 48 : index
      %swap3A_85 = tpu.vector_load %arg11[%swap3A_84] {strides = array<i32>} : memref<128xi32, #tpu.memory_space<vmem>>, vector<16xi32>,
      %swap3A_86 = vector.shape_cast %swap3A_85 : vector<16xi32> to vector<16xi32>
      %swap3A_87 = vector.shape_cast %add3A_83 : vector<16xi32> to vector<16xi32>
      tpu.vector_store %arg11[%swap3A_84], %swap3A_87 {strides = array<i32>} : memref<128xi32, #tpu.memory_space<vmem>>, vector<16xi32>,
      %get3A_88 = arith.index_cast %add3A_49 : i32 to index
      %get3A_89 = arith.constant 64 : index
      %get3A_90 = tpu.vector_load %arg9[%get3A_88, %get3A_89] {strides = array<i32>} : memref<64x128xi32, #tpu.memory_space<vmem>>, vector<1x16xi32>,
      %get3A_91 = vector.shape_cast %get3A_90 : vector<1x16xi32> to vector<16xi32>
      %add3A_92 = vector.broadcast %while3A_11 : i32 to vector<16xi32>
      %add3A_93 = arith.addi %get3A_91, %add3A_92 : vector<16xi32>
      %swap3A_94 = arith.constant 64 : index
      %swap3A_95 = tpu.vector_load %arg11[%swap3A_94] {strides = array<i32>} : memref<128xi32, #tpu.memory_space<vmem>>, vector<16xi32>,
      %swap3A_96 = vector.shape_cast %swap3A_95 : vector<16xi32> to vector<16xi32>
      %swap3A_97 = vector.shape_cast %add3A_93 : vector<16xi32> to vector<16xi32>
      tpu.vector_store %arg11[%swap3A_94], %swap3A_97 {strides = array<i32>} : memref<128xi32, #tpu.memory_space<vmem>>, vector<16xi32>,
      %get3A_98 = arith.index_cast %add3A_49 : i32 to index
      %get3A_99 = arith.constant 80 : index
      %get3A_100 = tpu.vector_load %arg9[%get3A_98, %get3A_99] {strides = array<i32>} : memref<64x128xi32, #tpu.memory_space<vmem>>, vector<1x16xi32>,
      %get3A_101 = vector.shape_cast %get3A_100 : vector<1x16xi32> to vector<16xi32>
      %add3A_102 = vector.broadcast %while3A_11 : i32 to vector<16xi32>
      %add3A_103 = arith.addi %get3A_101, %add3A_102 : vector<16xi32>
      %swap3A_104 = arith.constant 80 : index
      %swap3A_105 = tpu.vector_load %arg11[%swap3A_104] {strides = array<i32>} : memref<128xi32, #tpu.memory_space<vmem>>, vector<16xi32>,
      %swap3A_106 = vector.shape_cast %swap3A_105 : vector<16xi32> to vector<16xi32>
      %swap3A_107 = vector.shape_cast %add3A_103 : vector<16xi32> to vector<16xi32>
      tpu.vector_store %arg11[%swap3A_104], %swap3A_107 {strides = array<i32>} : memref<128xi32, #tpu.memory_space<vmem>>, vector<16xi32>,
      %get3A_108 = arith.index_cast %add3A_49 : i32 to index
      %get3A_109 = arith.constant 96 : index
      %get3A_110 = tpu.vector_load %arg9[%get3A_108, %get3A_109] {strides = array<i32>} : memref<64x128xi32, #tpu.memory_space<vmem>>, vector<1x16xi32>,
      %get3A_111 = vector.shape_cast %get3A_110 : vector<1x16xi32> to vector<16xi32>
      %add3A_112 = vector.broadcast %while3A_11 : i32 to vector<16xi32>
      %add3A_113 = arith.addi %get3A_111, %add3A_112 : vector<16xi32>
      %swap3A_114 = arith.constant 96 : index
      %swap3A_115 = tpu.vector_load %arg11[%swap3A_114] {strides = array<i32>} : memref<128xi32, #tpu.memory_space<vmem>>, vector<16xi32>,
      %swap3A_116 = vector.shape_cast %swap3A_115 : vector<16xi32> to vector<16xi32>
      %swap3A_117 = vector.shape_cast %add3A_113 : vector<16xi32> to vector<16xi32>
      tpu.vector_store %arg11[%swap3A_114], %swap3A_117 {strides = array<i32>} : memref<128xi32, #tpu.memory_space<vmem>>, vector<16xi32>,
      %get3A_118 = arith.index_cast %add3A_49 : i32 to index
      %get3A_119 = arith.constant 112 : index
      %get3A_120 = tpu.vector_load %arg9[%get3A_118, %get3A_119] {strides = array<i32>} : memref<64x128xi32, #tpu.memory_space<vmem>>, vector<1x16xi32>,
      %get3A_121 = vector.shape_cast %get3A_120 : vector<1x16xi32> to vector<16xi32>
      %add3A_122 = vector.broadcast %while3A_11 : i32 to vector<16xi32>
      %add3A_123 = arith.addi %get3A_121, %add3A_122 : vector<16xi32>
      %swap3A_124 = arith.constant 112 : index
      %swap3A_125 = tpu.vector_load %arg11[%swap3A_124] {strides = array<i32>} : memref<128xi32, #tpu.memory_space<vmem>>, vector<16xi32>,
      %swap3A_126 = vector.shape_cast %swap3A_125 : vector<16xi32> to vector<16xi32>
      %swap3A_127 = vector.shape_cast %add3A_123 : vector<16xi32> to vector<16xi32>
      tpu.vector_store %arg11[%swap3A_124], %swap3A_127 {strides = array<i32>} : memref<128xi32, #tpu.memory_space<vmem>>, vector<16xi32>,
      %dma_start3A = arith.constant 0 : i32
      %dma_start3A_128 = arith.constant 0 : i32
      %dma_start3A_129 = tpu.memref_slice %arg2[%dma_start3A, %dma_start3A_128] : memref<20480x128xf32, #tpu.memory_space<hbm>> -> memref<20480x128xf32, #tpu.memory_space<hbm>>
      tpu.enqueue_indirect_dma source(%dma_start3A_129 : memref<20480x128xf32, #tpu.memory_space<hbm>>) target(%arg12 : memref<128x128xf32, #tpu.memory_space<vmem>>) offsets(%arg11 : memref<128xi32, #tpu.memory_space<vmem>>) semaphore(%arg14 : memref<!tpu.dma_semaphore, #tpu.memory_space<semaphore_mem>>)
      %dma_wait3A = arith.constant 0 : i32
      %dma_wait3A_130 = arith.constant 0 : i32
      %dma_wait3A_131 = tpu.memref_slice %arg2[%dma_wait3A, %dma_wait3A_130] : memref<20480x128xf32, #tpu.memory_space<hbm>> -> memref<20480x128xf32, #tpu.memory_space<hbm>>
      tpu.wait_indirect_dma semaphore(%arg14 : memref<!tpu.dma_semaphore, #tpu.memory_space<semaphore_mem>>) src(%dma_wait3A_131 : memref<20480x128xf32, #tpu.memory_space<hbm>>) dst(%arg12 : memref<128x128xf32, #tpu.memory_space<vmem>>)
      %mul3A_132 = arith.constant 1 : i32
      %mul3A_133 = arith.muli %while3A_46, %mul3A_132 : i32
      %add3A_134 = arith.constant 0 : i32
      %add3A_135 = arith.addi %mul3A_133, %add3A_134 : i32
      "tpu.region"() ({
        %run_scoped3A_136 = tpu.sem_alloc : memref<!tpu.dma_semaphore, #tpu.memory_space<semaphore_mem>>
        %dma_start3A_137 = arith.constant 0 : i32
        %dma_start3A_138 = tpu.memref_slice %arg10[%add3A_135, %dma_start3A_137] : memref<64x128xi32, #tpu.memory_space<vmem>> -> memref<1x128xi32, #tpu.memory_space<vmem>>
        %dma_start3A_139 = tpu.memref_squeeze %dma_start3A_138 : memref<1x128xi32, #tpu.memory_space<vmem>> -> memref<128xi32, #tpu.memory_space<vmem>>
        %dma_start3A_140 = arith.constant 0 : i32
        %dma_start3A_141 = arith.constant 0 : i32
        %dma_start3A_142 = tpu.memref_slice %arg13[%dma_start3A_140, %dma_start3A_141] : memref<10240x128xf32, #tpu.memory_space<vmem_shared>> -> memref<10240x128xf32, #tpu.memory_space<vmem_shared>>
        tpu.enqueue_indirect_dma source(%arg12 : memref<128x128xf32, #tpu.memory_space<vmem>>) target(%dma_start3A_142 : memref<10240x128xf32, #tpu.memory_space<vmem_shared>>) offsets(%dma_start3A_139 : memref<128xi32, #tpu.memory_space<vmem>>) semaphore(%run_scoped3A_136 : memref<!tpu.dma_semaphore, #tpu.memory_space<semaphore_mem>>) {add = true}
        %dma_wait3A_143 = arith.constant 0 : i32
        %dma_wait3A_144 = tpu.memref_slice %arg10[%add3A_135, %dma_wait3A_143] : memref<64x128xi32, #tpu.memory_space<vmem>> -> memref<1x128xi32, #tpu.memory_space<vmem>>
        %dma_wait3A_145 = tpu.memref_squeeze %dma_wait3A_144 : memref<1x128xi32, #tpu.memory_space<vmem>> -> memref<128xi32, #tpu.memory_space<vmem>>
        %dma_wait3A_146 = arith.constant 0 : i32
        %dma_wait3A_147 = arith.constant 0 : i32
        %dma_wait3A_148 = tpu.memref_slice %arg13[%dma_wait3A_146, %dma_wait3A_147] : memref<10240x128xf32, #tpu.memory_space<vmem_shared>> -> memref<10240x128xf32, #tpu.memory_space<vmem_shared>>
        tpu.wait_indirect_dma semaphore(%run_scoped3A_136 : memref<!tpu.dma_semaphore, #tpu.memory_space<semaphore_mem>>) src(%arg12 : memref<128x128xf32, #tpu.memory_space<vmem>>) dst(%dma_wait3A_148 : memref<10240x128xf32, #tpu.memory_space<vmem_shared>>)
        tpu.yield
      }) : () -> ()
    }
    %barrier3A_21 = arith.constant 0 : index
    tpu.barrier barrier_id(%barrier3A_21)
    %mul3A_22 = arith.constant 640 : i32
    %mul3A_23 = arith.muli %arg1, %mul3A_22 : i32
    %mul3A_24 = arith.constant 640 : i32
    %mul3A_25 = arith.muli %arg1, %mul3A_24 : i32
    %run_scoped3A = arith.constant 0 : i32
    "tpu.region"() ({
      %run_scoped3A_46 = tpu.sem_alloc : memref<!tpu.dma_semaphore, #tpu.memory_space<semaphore_mem>>
      %dma_start3A = arith.constant 0 : i32
      %dma_start3A_47 = tpu.memref_slice %arg8[%arg0, %run_scoped3A, %mul3A_25, %dma_start3A] : memref<2x2x10240x128xf32, #tpu.memory_space<hbm>> -> memref<1x1x640x128xf32, #tpu.memory_space<hbm>>
      %dma_start3A_48 = tpu.memref_squeeze %dma_start3A_47 : memref<1x1x640x128xf32, #tpu.memory_space<hbm>> -> memref<640x128xf32, #tpu.memory_space<hbm>>
      %dma_start3A_49 = arith.constant 0 : i32
      %dma_start3A_50 = tpu.memref_slice %arg13[%mul3A_23, %dma_start3A_49] : memref<10240x128xf32, #tpu.memory_space<vmem_shared>> -> memref<640x128xf32, #tpu.memory_space<vmem_shared>>
      tpu.enqueue_dma source(%dma_start3A_50 : memref<640x128xf32, #tpu.memory_space<vmem_shared>>) target(%dma_start3A_48 : memref<640x128xf32, #tpu.memory_space<hbm>>) target_semaphore(%run_scoped3A_46 : memref<!tpu.dma_semaphore, #tpu.memory_space<semaphore_mem>>)
      %dma_wait3A = arith.constant 0 : i32
      %dma_wait3A_51 = tpu.memref_slice %arg8[%arg0, %run_scoped3A, %mul3A_25, %dma_wait3A] : memref<2x2x10240x128xf32, #tpu.memory_space<hbm>> -> memref<1x1x640x128xf32, #tpu.memory_space<hbm>>
      %dma_wait3A_52 = tpu.memref_squeeze %dma_wait3A_51 : memref<1x1x640x128xf32, #tpu.memory_space<hbm>> -> memref<640x128xf32, #tpu.memory_space<hbm>>
      %dma_wait3A_53 = arith.constant 0 : i32
      %dma_wait3A_54 = tpu.memref_slice %arg13[%mul3A_23, %dma_wait3A_53] : memref<10240x128xf32, #tpu.memory_space<vmem_shared>> -> memref<640x128xf32, #tpu.memory_space<vmem_shared>>
      tpu.wait_dma2 semaphore(%run_scoped3A_46 : memref<!tpu.dma_semaphore, #tpu.memory_space<semaphore_mem>>) src(%dma_wait3A_54 : memref<640x128xf32, #tpu.memory_space<vmem_shared>>) dst(%dma_wait3A_52 : memref<640x128xf32, #tpu.memory_space<hbm>>)
      tpu.yield
    }) : () -> ()
    %mul3A_26 = arith.constant 640 : i32
    %mul3A_27 = arith.muli %arg1, %mul3A_26 : i32
    "tpu.region"() ({
      %run_scoped3A_46 = tpu.sem_alloc : memref<!tpu.dma_semaphore, #tpu.memory_space<semaphore_mem>>
      %dma_start3A = arith.constant 0 : i32
      %dma_start3A_47 = tpu.memref_slice %arg13[%mul3A_27, %dma_start3A] : memref<10240x128xf32, #tpu.memory_space<vmem_shared>> -> memref<640x128xf32, #tpu.memory_space<vmem_shared>>
      tpu.enqueue_dma source(%arg7 : memref<640x128xf32, #tpu.memory_space<hbm>>) target(%dma_start3A_47 : memref<640x128xf32, #tpu.memory_space<vmem_shared>>) target_semaphore(%run_scoped3A_46 : memref<!tpu.dma_semaphore, #tpu.memory_space<semaphore_mem>>)
      %dma_wait3A = arith.constant 0 : i32
      %dma_wait3A_48 = tpu.memref_slice %arg13[%mul3A_27, %dma_wait3A] : memref<10240x128xf32, #tpu.memory_space<vmem_shared>> -> memref<640x128xf32, #tpu.memory_space<vmem_shared>>
      tpu.wait_dma2 semaphore(%run_scoped3A_46 : memref<!tpu.dma_semaphore, #tpu.memory_space<semaphore_mem>>) src(%arg7 : memref<640x128xf32, #tpu.memory_space<hbm>>) dst(%dma_wait3A_48 : memref<640x128xf32, #tpu.memory_space<vmem_shared>>)
      tpu.yield
    }) : () -> ()
    %barrier3A_28 = arith.constant 0 : index
    tpu.barrier barrier_id(%barrier3A_28)
    %while3A_29 = arith.constant 0 : i32
    %while3A_30 = arith.constant 10240 : i32
    %while3A_31 = arith.constant 0 : i32
    %while3A_32 = arith.subi %select_n3A, %while3A_31 : i32
    %while3A_33 = arith.addi %while3A_31, %while3A_32 : i32
    %while3A_34 = arith.constant 1 : i32
    %while3A_35 = arith.divsi %while3A_32, %while3A_34 : i32
    %while3A_36 = arith.muli %while3A_35, %while3A_34 : i32
    %while3A_37 = arith.addi %while3A_31, %while3A_36 : i32
    %while3A_38 = arith.constant 1 : i32
    scf.for %while3A_46 = %while3A_31 to %while3A_37 step %while3A_38  : i32 {
      %mul3A_47 = arith.constant 1 : i32
      %mul3A_48 = arith.muli %while3A_46, %mul3A_47 : i32
      %add3A = arith.constant 0 : i32
      %add3A_49 = arith.addi %mul3A_48, %add3A : i32
      %get3A = arith.index_cast %add3A_49 : i32 to index
      %get3A_50 = arith.constant 0 : index
      %get3A_51 = tpu.vector_load %arg9[%get3A, %get3A_50] {strides = array<i32>} : memref<64x128xi32, #tpu.memory_space<vmem>>, vector<1x16xi32>,
      %get3A_52 = vector.shape_cast %get3A_51 : vector<1x16xi32> to vector<16xi32>
      %add3A_53 = vector.broadcast %while3A_30 : i32 to vector<16xi32>
      %add3A_54 = arith.addi %get3A_52, %add3A_53 : vector<16xi32>
      %swap3A = arith.constant 0 : index
      %swap3A_55 = tpu.vector_load %arg11[%swap3A] {strides = array<i32>} : memref<128xi32, #tpu.memory_space<vmem>>, vector<16xi32>,
      %swap3A_56 = vector.shape_cast %swap3A_55 : vector<16xi32> to vector<16xi32>
      %swap3A_57 = vector.shape_cast %add3A_54 : vector<16xi32> to vector<16xi32>
      tpu.vector_store %arg11[%swap3A], %swap3A_57 {strides = array<i32>} : memref<128xi32, #tpu.memory_space<vmem>>, vector<16xi32>,
      %get3A_58 = arith.index_cast %add3A_49 : i32 to index
      %get3A_59 = arith.constant 16 : index
      %get3A_60 = tpu.vector_load %arg9[%get3A_58, %get3A_59] {strides = array<i32>} : memref<64x128xi32, #tpu.memory_space<vmem>>, vector<1x16xi32>,
      %get3A_61 = vector.shape_cast %get3A_60 : vector<1x16xi32> to vector<16xi32>
      %add3A_62 = vector.broadcast %while3A_30 : i32 to vector<16xi32>
      %add3A_63 = arith.addi %get3A_61, %add3A_62 : vector<16xi32>
      %swap3A_64 = arith.constant 16 : index
      %swap3A_65 = tpu.vector_load %arg11[%swap3A_64] {strides = array<i32>} : memref<128xi32, #tpu.memory_space<vmem>>, vector<16xi32>,
      %swap3A_66 = vector.shape_cast %swap3A_65 : vector<16xi32> to vector<16xi32>
      %swap3A_67 = vector.shape_cast %add3A_63 : vector<16xi32> to vector<16xi32>
      tpu.vector_store %arg11[%swap3A_64], %swap3A_67 {strides = array<i32>} : memref<128xi32, #tpu.memory_space<vmem>>, vector<16xi32>,
      %get3A_68 = arith.index_cast %add3A_49 : i32 to index
      %get3A_69 = arith.constant 32 : index
      %get3A_70 = tpu.vector_load %arg9[%get3A_68, %get3A_69] {strides = array<i32>} : memref<64x128xi32, #tpu.memory_space<vmem>>, vector<1x16xi32>,
      %get3A_71 = vector.shape_cast %get3A_70 : vector<1x16xi32> to vector<16xi32>
      %add3A_72 = vector.broadcast %while3A_30 : i32 to vector<16xi32>
      %add3A_73 = arith.addi %get3A_71, %add3A_72 : vector<16xi32>
      %swap3A_74 = arith.constant 32 : index
      %swap3A_75 = tpu.vector_load %arg11[%swap3A_74] {strides = array<i32>} : memref<128xi32, #tpu.memory_space<vmem>>, vector<16xi32>,
      %swap3A_76 = vector.shape_cast %swap3A_75 : vector<16xi32> to vector<16xi32>
      %swap3A_77 = vector.shape_cast %add3A_73 : vector<16xi32> to vector<16xi32>
      tpu.vector_store %arg11[%swap3A_74], %swap3A_77 {strides = array<i32>} : memref<128xi32, #tpu.memory_space<vmem>>, vector<16xi32>,
      %get3A_78 = arith.index_cast %add3A_49 : i32 to index
      %get3A_79 = arith.constant 48 : index
      %get3A_80 = tpu.vector_load %arg9[%get3A_78, %get3A_79] {strides = array<i32>} : memref<64x128xi32, #tpu.memory_space<vmem>>, vector<1x16xi32>,
      %get3A_81 = vector.shape_cast %get3A_80 : vector<1x16xi32> to vector<16xi32>
      %add3A_82 = vector.broadcast %while3A_30 : i32 to vector<16xi32>
      %add3A_83 = arith.addi %get3A_81, %add3A_82 : vector<16xi32>
      %swap3A_84 = arith.constant 48 : index
      %swap3A_85 = tpu.vector_load %arg11[%swap3A_84] {strides = array<i32>} : memref<128xi32, #tpu.memory_space<vmem>>, vector<16xi32>,
      %swap3A_86 = vector.shape_cast %swap3A_85 : vector<16xi32> to vector<16xi32>
      %swap3A_87 = vector.shape_cast %add3A_83 : vector<16xi32> to vector<16xi32>
      tpu.vector_store %arg11[%swap3A_84], %swap3A_87 {strides = array<i32>} : memref<128xi32, #tpu.memory_space<vmem>>, vector<16xi32>,
      %get3A_88 = arith.index_cast %add3A_49 : i32 to index
      %get3A_89 = arith.constant 64 : index
      %get3A_90 = tpu.vector_load %arg9[%get3A_88, %get3A_89] {strides = array<i32>} : memref<64x128xi32, #tpu.memory_space<vmem>>, vector<1x16xi32>,
      %get3A_91 = vector.shape_cast %get3A_90 : vector<1x16xi32> to vector<16xi32>
      %add3A_92 = vector.broadcast %while3A_30 : i32 to vector<16xi32>
      %add3A_93 = arith.addi %get3A_91, %add3A_92 : vector<16xi32>
      %swap3A_94 = arith.constant 64 : index
      %swap3A_95 = tpu.vector_load %arg11[%swap3A_94] {strides = array<i32>} : memref<128xi32, #tpu.memory_space<vmem>>, vector<16xi32>,
      %swap3A_96 = vector.shape_cast %swap3A_95 : vector<16xi32> to vector<16xi32>
      %swap3A_97 = vector.shape_cast %add3A_93 : vector<16xi32> to vector<16xi32>
      tpu.vector_store %arg11[%swap3A_94], %swap3A_97 {strides = array<i32>} : memref<128xi32, #tpu.memory_space<vmem>>, vector<16xi32>,
      %get3A_98 = arith.index_cast %add3A_49 : i32 to index
      %get3A_99 = arith.constant 80 : index
      %get3A_100 = tpu.vector_load %arg9[%get3A_98, %get3A_99] {strides = array<i32>} : memref<64x128xi32, #tpu.memory_space<vmem>>, vector<1x16xi32>,
      %get3A_101 = vector.shape_cast %get3A_100 : vector<1x16xi32> to vector<16xi32>
      %add3A_102 = vector.broadcast %while3A_30 : i32 to vector<16xi32>
      %add3A_103 = arith.addi %get3A_101, %add3A_102 : vector<16xi32>
      %swap3A_104 = arith.constant 80 : index
      %swap3A_105 = tpu.vector_load %arg11[%swap3A_104] {strides = array<i32>} : memref<128xi32, #tpu.memory_space<vmem>>, vector<16xi32>,
      %swap3A_106 = vector.shape_cast %swap3A_105 : vector<16xi32> to vector<16xi32>
      %swap3A_107 = vector.shape_cast %add3A_103 : vector<16xi32> to vector<16xi32>
      tpu.vector_store %arg11[%swap3A_104], %swap3A_107 {strides = array<i32>} : memref<128xi32, #tpu.memory_space<vmem>>, vector<16xi32>,
      %get3A_108 = arith.index_cast %add3A_49 : i32 to index
      %get3A_109 = arith.constant 96 : index
      %get3A_110 = tpu.vector_load %arg9[%get3A_108, %get3A_109] {strides = array<i32>} : memref<64x128xi32, #tpu.memory_space<vmem>>, vector<1x16xi32>,
      %get3A_111 = vector.shape_cast %get3A_110 : vector<1x16xi32> to vector<16xi32>
      %add3A_112 = vector.broadcast %while3A_30 : i32 to vector<16xi32>
      %add3A_113 = arith.addi %get3A_111, %add3A_112 : vector<16xi32>
      %swap3A_114 = arith.constant 96 : index
      %swap3A_115 = tpu.vector_load %arg11[%swap3A_114] {strides = array<i32>} : memref<128xi32, #tpu.memory_space<vmem>>, vector<16xi32>,
      %swap3A_116 = vector.shape_cast %swap3A_115 : vector<16xi32> to vector<16xi32>
      %swap3A_117 = vector.shape_cast %add3A_113 : vector<16xi32> to vector<16xi32>
      tpu.vector_store %arg11[%swap3A_114], %swap3A_117 {strides = array<i32>} : memref<128xi32, #tpu.memory_space<vmem>>, vector<16xi32>,
      %get3A_118 = arith.index_cast %add3A_49 : i32 to index
      %get3A_119 = arith.constant 112 : index
      %get3A_120 = tpu.vector_load %arg9[%get3A_118, %get3A_119] {strides = array<i32>} : memref<64x128xi32, #tpu.memory_space<vmem>>, vector<1x16xi32>,
      %get3A_121 = vector.shape_cast %get3A_120 : vector<1x16xi32> to vector<16xi32>
      %add3A_122 = vector.broadcast %while3A_30 : i32 to vector<16xi32>
      %add3A_123 = arith.addi %get3A_121, %add3A_122 : vector<16xi32>
      %swap3A_124 = arith.constant 112 : index
      %swap3A_125 = tpu.vector_load %arg11[%swap3A_124] {strides = array<i32>} : memref<128xi32, #tpu.memory_space<vmem>>, vector<16xi32>,
      %swap3A_126 = vector.shape_cast %swap3A_125 : vector<16xi32> to vector<16xi32>
      %swap3A_127 = vector.shape_cast %add3A_123 : vector<16xi32> to vector<16xi32>
      tpu.vector_store %arg11[%swap3A_124], %swap3A_127 {strides = array<i32>} : memref<128xi32, #tpu.memory_space<vmem>>, vector<16xi32>,
      %dma_start3A = arith.constant 0 : i32
      %dma_start3A_128 = arith.constant 0 : i32
      %dma_start3A_129 = tpu.memref_slice %arg2[%dma_start3A, %dma_start3A_128] : memref<20480x128xf32, #tpu.memory_space<hbm>> -> memref<20480x128xf32, #tpu.memory_space<hbm>>
      tpu.enqueue_indirect_dma source(%dma_start3A_129 : memref<20480x128xf32, #tpu.memory_space<hbm>>) target(%arg12 : memref<128x128xf32, #tpu.memory_space<vmem>>) offsets(%arg11 : memref<128xi32, #tpu.memory_space<vmem>>) semaphore(%arg14 : memref<!tpu.dma_semaphore, #tpu.memory_space<semaphore_mem>>)
      %dma_wait3A = arith.constant 0 : i32
      %dma_wait3A_130 = arith.constant 0 : i32
      %dma_wait3A_131 = tpu.memref_slice %arg2[%dma_wait3A, %dma_wait3A_130] : memref<20480x128xf32, #tpu.memory_space<hbm>> -> memref<20480x128xf32, #tpu.memory_space<hbm>>
      tpu.wait_indirect_dma semaphore(%arg14 : memref<!tpu.dma_semaphore, #tpu.memory_space<semaphore_mem>>) src(%dma_wait3A_131 : memref<20480x128xf32, #tpu.memory_space<hbm>>) dst(%arg12 : memref<128x128xf32, #tpu.memory_space<vmem>>)
      %mul3A_132 = arith.constant 1 : i32
      %mul3A_133 = arith.muli %while3A_46, %mul3A_132 : i32
      %add3A_134 = arith.constant 0 : i32
      %add3A_135 = arith.addi %mul3A_133, %add3A_134 : i32
      "tpu.region"() ({
        %run_scoped3A_136 = tpu.sem_alloc : memref<!tpu.dma_semaphore, #tpu.memory_space<semaphore_mem>>
        %dma_start3A_137 = arith.constant 0 : i32
        %dma_start3A_138 = tpu.memref_slice %arg10[%add3A_135, %dma_start3A_137] : memref<64x128xi32, #tpu.memory_space<vmem>> -> memref<1x128xi32, #tpu.memory_space<vmem>>
        %dma_start3A_139 = tpu.memref_squeeze %dma_start3A_138 : memref<1x128xi32, #tpu.memory_space<vmem>> -> memref<128xi32, #tpu.memory_space<vmem>>
        %dma_start3A_140 = arith.constant 0 : i32
        %dma_start3A_141 = arith.constant 0 : i32
        %dma_start3A_142 = tpu.memref_slice %arg13[%dma_start3A_140, %dma_start3A_141] : memref<10240x128xf32, #tpu.memory_space<vmem_shared>> -> memref<10240x128xf32, #tpu.memory_space<vmem_shared>>
        tpu.enqueue_indirect_dma source(%arg12 : memref<128x128xf32, #tpu.memory_space<vmem>>) target(%dma_start3A_142 : memref<10240x128xf32, #tpu.memory_space<vmem_shared>>) offsets(%dma_start3A_139 : memref<128xi32, #tpu.memory_space<vmem>>) semaphore(%run_scoped3A_136 : memref<!tpu.dma_semaphore, #tpu.memory_space<semaphore_mem>>) {add = true}
        %dma_wait3A_143 = arith.constant 0 : i32
        %dma_wait3A_144 = tpu.memref_slice %arg10[%add3A_135, %dma_wait3A_143] : memref<64x128xi32, #tpu.memory_space<vmem>> -> memref<1x128xi32, #tpu.memory_space<vmem>>
        %dma_wait3A_145 = tpu.memref_squeeze %dma_wait3A_144 : memref<1x128xi32, #tpu.memory_space<vmem>> -> memref<128xi32, #tpu.memory_space<vmem>>
        %dma_wait3A_146 = arith.constant 0 : i32
        %dma_wait3A_147 = arith.constant 0 : i32
        %dma_wait3A_148 = tpu.memref_slice %arg13[%dma_wait3A_146, %dma_wait3A_147] : memref<10240x128xf32, #tpu.memory_space<vmem_shared>> -> memref<10240x128xf32, #tpu.memory_space<vmem_shared>>
        tpu.wait_indirect_dma semaphore(%run_scoped3A_136 : memref<!tpu.dma_semaphore, #tpu.memory_space<semaphore_mem>>) src(%arg12 : memref<128x128xf32, #tpu.memory_space<vmem>>) dst(%dma_wait3A_148 : memref<10240x128xf32, #tpu.memory_space<vmem_shared>>)
        tpu.yield
      }) : () -> ()
    }
    %while3A_39 = arith.constant 1 : i32
    scf.for %while3A_46 = %while3A_37 to %while3A_33 step %while3A_39  : i32 {
      %mul3A_47 = arith.constant 1 : i32
      %mul3A_48 = arith.muli %while3A_46, %mul3A_47 : i32
      %add3A = arith.constant 0 : i32
      %add3A_49 = arith.addi %mul3A_48, %add3A : i32
      %get3A = arith.index_cast %add3A_49 : i32 to index
      %get3A_50 = arith.constant 0 : index
      %get3A_51 = tpu.vector_load %arg9[%get3A, %get3A_50] {strides = array<i32>} : memref<64x128xi32, #tpu.memory_space<vmem>>, vector<1x16xi32>,
      %get3A_52 = vector.shape_cast %get3A_51 : vector<1x16xi32> to vector<16xi32>
      %add3A_53 = vector.broadcast %while3A_30 : i32 to vector<16xi32>
      %add3A_54 = arith.addi %get3A_52, %add3A_53 : vector<16xi32>
      %swap3A = arith.constant 0 : index
      %swap3A_55 = tpu.vector_load %arg11[%swap3A] {strides = array<i32>} : memref<128xi32, #tpu.memory_space<vmem>>, vector<16xi32>,
      %swap3A_56 = vector.shape_cast %swap3A_55 : vector<16xi32> to vector<16xi32>
      %swap3A_57 = vector.shape_cast %add3A_54 : vector<16xi32> to vector<16xi32>
      tpu.vector_store %arg11[%swap3A], %swap3A_57 {strides = array<i32>} : memref<128xi32, #tpu.memory_space<vmem>>, vector<16xi32>,
      %get3A_58 = arith.index_cast %add3A_49 : i32 to index
      %get3A_59 = arith.constant 16 : index
      %get3A_60 = tpu.vector_load %arg9[%get3A_58, %get3A_59] {strides = array<i32>} : memref<64x128xi32, #tpu.memory_space<vmem>>, vector<1x16xi32>,
      %get3A_61 = vector.shape_cast %get3A_60 : vector<1x16xi32> to vector<16xi32>
      %add3A_62 = vector.broadcast %while3A_30 : i32 to vector<16xi32>
      %add3A_63 = arith.addi %get3A_61, %add3A_62 : vector<16xi32>
      %swap3A_64 = arith.constant 16 : index
      %swap3A_65 = tpu.vector_load %arg11[%swap3A_64] {strides = array<i32>} : memref<128xi32, #tpu.memory_space<vmem>>, vector<16xi32>,
      %swap3A_66 = vector.shape_cast %swap3A_65 : vector<16xi32> to vector<16xi32>
      %swap3A_67 = vector.shape_cast %add3A_63 : vector<16xi32> to vector<16xi32>
      tpu.vector_store %arg11[%swap3A_64], %swap3A_67 {strides = array<i32>} : memref<128xi32, #tpu.memory_space<vmem>>, vector<16xi32>,
      %get3A_68 = arith.index_cast %add3A_49 : i32 to index
      %get3A_69 = arith.constant 32 : index
      %get3A_70 = tpu.vector_load %arg9[%get3A_68, %get3A_69] {strides = array<i32>} : memref<64x128xi32, #tpu.memory_space<vmem>>, vector<1x16xi32>,
      %get3A_71 = vector.shape_cast %get3A_70 : vector<1x16xi32> to vector<16xi32>
      %add3A_72 = vector.broadcast %while3A_30 : i32 to vector<16xi32>
      %add3A_73 = arith.addi %get3A_71, %add3A_72 : vector<16xi32>
      %swap3A_74 = arith.constant 32 : index
      %swap3A_75 = tpu.vector_load %arg11[%swap3A_74] {strides = array<i32>} : memref<128xi32, #tpu.memory_space<vmem>>, vector<16xi32>,
      %swap3A_76 = vector.shape_cast %swap3A_75 : vector<16xi32> to vector<16xi32>
      %swap3A_77 = vector.shape_cast %add3A_73 : vector<16xi32> to vector<16xi32>
      tpu.vector_store %arg11[%swap3A_74], %swap3A_77 {strides = array<i32>} : memref<128xi32, #tpu.memory_space<vmem>>, vector<16xi32>,
      %get3A_78 = arith.index_cast %add3A_49 : i32 to index
      %get3A_79 = arith.constant 48 : index
      %get3A_80 = tpu.vector_load %arg9[%get3A_78, %get3A_79] {strides = array<i32>} : memref<64x128xi32, #tpu.memory_space<vmem>>, vector<1x16xi32>,
      %get3A_81 = vector.shape_cast %get3A_80 : vector<1x16xi32> to vector<16xi32>
      %add3A_82 = vector.broadcast %while3A_30 : i32 to vector<16xi32>
      %add3A_83 = arith.addi %get3A_81, %add3A_82 : vector<16xi32>
      %swap3A_84 = arith.constant 48 : index
      %swap3A_85 = tpu.vector_load %arg11[%swap3A_84] {strides = array<i32>} : memref<128xi32, #tpu.memory_space<vmem>>, vector<16xi32>,
      %swap3A_86 = vector.shape_cast %swap3A_85 : vector<16xi32> to vector<16xi32>
      %swap3A_87 = vector.shape_cast %add3A_83 : vector<16xi32> to vector<16xi32>
      tpu.vector_store %arg11[%swap3A_84], %swap3A_87 {strides = array<i32>} : memref<128xi32, #tpu.memory_space<vmem>>, vector<16xi32>,
      %get3A_88 = arith.index_cast %add3A_49 : i32 to index
      %get3A_89 = arith.constant 64 : index
      %get3A_90 = tpu.vector_load %arg9[%get3A_88, %get3A_89] {strides = array<i32>} : memref<64x128xi32, #tpu.memory_space<vmem>>, vector<1x16xi32>,
      %get3A_91 = vector.shape_cast %get3A_90 : vector<1x16xi32> to vector<16xi32>
      %add3A_92 = vector.broadcast %while3A_30 : i32 to vector<16xi32>
      %add3A_93 = arith.addi %get3A_91, %add3A_92 : vector<16xi32>
      %swap3A_94 = arith.constant 64 : index
      %swap3A_95 = tpu.vector_load %arg11[%swap3A_94] {strides = array<i32>} : memref<128xi32, #tpu.memory_space<vmem>>, vector<16xi32>,
      %swap3A_96 = vector.shape_cast %swap3A_95 : vector<16xi32> to vector<16xi32>
      %swap3A_97 = vector.shape_cast %add3A_93 : vector<16xi32> to vector<16xi32>
      tpu.vector_store %arg11[%swap3A_94], %swap3A_97 {strides = array<i32>} : memref<128xi32, #tpu.memory_space<vmem>>, vector<16xi32>,
      %get3A_98 = arith.index_cast %add3A_49 : i32 to index
      %get3A_99 = arith.constant 80 : index
      %get3A_100 = tpu.vector_load %arg9[%get3A_98, %get3A_99] {strides = array<i32>} : memref<64x128xi32, #tpu.memory_space<vmem>>, vector<1x16xi32>,
      %get3A_101 = vector.shape_cast %get3A_100 : vector<1x16xi32> to vector<16xi32>
      %add3A_102 = vector.broadcast %while3A_30 : i32 to vector<16xi32>
      %add3A_103 = arith.addi %get3A_101, %add3A_102 : vector<16xi32>
      %swap3A_104 = arith.constant 80 : index
      %swap3A_105 = tpu.vector_load %arg11[%swap3A_104] {strides = array<i32>} : memref<128xi32, #tpu.memory_space<vmem>>, vector<16xi32>,
      %swap3A_106 = vector.shape_cast %swap3A_105 : vector<16xi32> to vector<16xi32>
      %swap3A_107 = vector.shape_cast %add3A_103 : vector<16xi32> to vector<16xi32>
      tpu.vector_store %arg11[%swap3A_104], %swap3A_107 {strides = array<i32>} : memref<128xi32, #tpu.memory_space<vmem>>, vector<16xi32>,
      %get3A_108 = arith.index_cast %add3A_49 : i32 to index
      %get3A_109 = arith.constant 96 : index
      %get3A_110 = tpu.vector_load %arg9[%get3A_108, %get3A_109] {strides = array<i32>} : memref<64x128xi32, #tpu.memory_space<vmem>>, vector<1x16xi32>,
      %get3A_111 = vector.shape_cast %get3A_110 : vector<1x16xi32> to vector<16xi32>
      %add3A_112 = vector.broadcast %while3A_30 : i32 to vector<16xi32>
      %add3A_113 = arith.addi %get3A_111, %add3A_112 : vector<16xi32>
      %swap3A_114 = arith.constant 96 : index
      %swap3A_115 = tpu.vector_load %arg11[%swap3A_114] {strides = array<i32>} : memref<128xi32, #tpu.memory_space<vmem>>, vector<16xi32>,
      %swap3A_116 = vector.shape_cast %swap3A_115 : vector<16xi32> to vector<16xi32>
      %swap3A_117 = vector.shape_cast %add3A_113 : vector<16xi32> to vector<16xi32>
      tpu.vector_store %arg11[%swap3A_114], %swap3A_117 {strides = array<i32>} : memref<128xi32, #tpu.memory_space<vmem>>, vector<16xi32>,
      %get3A_118 = arith.index_cast %add3A_49 : i32 to index
      %get3A_119 = arith.constant 112 : index
      %get3A_120 = tpu.vector_load %arg9[%get3A_118, %get3A_119] {strides = array<i32>} : memref<64x128xi32, #tpu.memory_space<vmem>>, vector<1x16xi32>,
      %get3A_121 = vector.shape_cast %get3A_120 : vector<1x16xi32> to vector<16xi32>
      %add3A_122 = vector.broadcast %while3A_30 : i32 to vector<16xi32>
      %add3A_123 = arith.addi %get3A_121, %add3A_122 : vector<16xi32>
      %swap3A_124 = arith.constant 112 : index
      %swap3A_125 = tpu.vector_load %arg11[%swap3A_124] {strides = array<i32>} : memref<128xi32, #tpu.memory_space<vmem>>, vector<16xi32>,
      %swap3A_126 = vector.shape_cast %swap3A_125 : vector<16xi32> to vector<16xi32>
      %swap3A_127 = vector.shape_cast %add3A_123 : vector<16xi32> to vector<16xi32>
      tpu.vector_store %arg11[%swap3A_124], %swap3A_127 {strides = array<i32>} : memref<128xi32, #tpu.memory_space<vmem>>, vector<16xi32>,
      %dma_start3A = arith.constant 0 : i32
      %dma_start3A_128 = arith.constant 0 : i32
      %dma_start3A_129 = tpu.memref_slice %arg2[%dma_start3A, %dma_start3A_128] : memref<20480x128xf32, #tpu.memory_space<hbm>> -> memref<20480x128xf32, #tpu.memory_space<hbm>>
      tpu.enqueue_indirect_dma source(%dma_start3A_129 : memref<20480x128xf32, #tpu.memory_space<hbm>>) target(%arg12 : memref<128x128xf32, #tpu.memory_space<vmem>>) offsets(%arg11 : memref<128xi32, #tpu.memory_space<vmem>>) semaphore(%arg14 : memref<!tpu.dma_semaphore, #tpu.memory_space<semaphore_mem>>)
      %dma_wait3A = arith.constant 0 : i32
      %dma_wait3A_130 = arith.constant 0 : i32
      %dma_wait3A_131 = tpu.memref_slice %arg2[%dma_wait3A, %dma_wait3A_130] : memref<20480x128xf32, #tpu.memory_space<hbm>> -> memref<20480x128xf32, #tpu.memory_space<hbm>>
      tpu.wait_indirect_dma semaphore(%arg14 : memref<!tpu.dma_semaphore, #tpu.memory_space<semaphore_mem>>) src(%dma_wait3A_131 : memref<20480x128xf32, #tpu.memory_space<hbm>>) dst(%arg12 : memref<128x128xf32, #tpu.memory_space<vmem>>)
      %mul3A_132 = arith.constant 1 : i32
      %mul3A_133 = arith.muli %while3A_46, %mul3A_132 : i32
      %add3A_134 = arith.constant 0 : i32
      %add3A_135 = arith.addi %mul3A_133, %add3A_134 : i32
      "tpu.region"() ({
        %run_scoped3A_136 = tpu.sem_alloc : memref<!tpu.dma_semaphore, #tpu.memory_space<semaphore_mem>>
        %dma_start3A_137 = arith.constant 0 : i32
        %dma_start3A_138 = tpu.memref_slice %arg10[%add3A_135, %dma_start3A_137] : memref<64x128xi32, #tpu.memory_space<vmem>> -> memref<1x128xi32, #tpu.memory_space<vmem>>
        %dma_start3A_139 = tpu.memref_squeeze %dma_start3A_138 : memref<1x128xi32, #tpu.memory_space<vmem>> -> memref<128xi32, #tpu.memory_space<vmem>>
        %dma_start3A_140 = arith.constant 0 : i32
        %dma_start3A_141 = arith.constant 0 : i32
        %dma_start3A_142 = tpu.memref_slice %arg13[%dma_start3A_140, %dma_start3A_141] : memref<10240x128xf32, #tpu.memory_space<vmem_shared>> -> memref<10240x128xf32, #tpu.memory_space<vmem_shared>>
        tpu.enqueue_indirect_dma source(%arg12 : memref<128x128xf32, #tpu.memory_space<vmem>>) target(%dma_start3A_142 : memref<10240x128xf32, #tpu.memory_space<vmem_shared>>) offsets(%dma_start3A_139 : memref<128xi32, #tpu.memory_space<vmem>>) semaphore(%run_scoped3A_136 : memref<!tpu.dma_semaphore, #tpu.memory_space<semaphore_mem>>) {add = true}
        %dma_wait3A_143 = arith.constant 0 : i32
        %dma_wait3A_144 = tpu.memref_slice %arg10[%add3A_135, %dma_wait3A_143] : memref<64x128xi32, #tpu.memory_space<vmem>> -> memref<1x128xi32, #tpu.memory_space<vmem>>
        %dma_wait3A_145 = tpu.memref_squeeze %dma_wait3A_144 : memref<1x128xi32, #tpu.memory_space<vmem>> -> memref<128xi32, #tpu.memory_space<vmem>>
        %dma_wait3A_146 = arith.constant 0 : i32
        %dma_wait3A_147 = arith.constant 0 : i32
        %dma_wait3A_148 = tpu.memref_slice %arg13[%dma_wait3A_146, %dma_wait3A_147] : memref<10240x128xf32, #tpu.memory_space<vmem_shared>> -> memref<10240x128xf32, #tpu.memory_space<vmem_shared>>
        tpu.wait_indirect_dma semaphore(%run_scoped3A_136 : memref<!tpu.dma_semaphore, #tpu.memory_space<semaphore_mem>>) src(%arg12 : memref<128x128xf32, #tpu.memory_space<vmem>>) dst(%dma_wait3A_148 : memref<10240x128xf32, #tpu.memory_space<vmem_shared>>)
        tpu.yield
      }) : () -> ()
    }
    %barrier3A_40 = arith.constant 0 : index
    tpu.barrier barrier_id(%barrier3A_40)
    %mul3A_41 = arith.constant 640 : i32
    %mul3A_42 = arith.muli %arg1, %mul3A_41 : i32
    %mul3A_43 = arith.constant 640 : i32
    %mul3A_44 = arith.muli %arg1, %mul3A_43 : i32
    %run_scoped3A_45 = arith.constant 1 : i32
    "tpu.region"() ({
      %run_scoped3A_46 = tpu.sem_alloc : memref<!tpu.dma_semaphore, #tpu.memory_space<semaphore_mem>>
      %dma_start3A = arith.constant 0 : i32
      %dma_start3A_47 = tpu.memref_slice %arg8[%arg0, %run_scoped3A_45, %mul3A_44, %dma_start3A] : memref<2x2x10240x128xf32, #tpu.memory_space<hbm>> -> memref<1x1x640x128xf32, #tpu.memory_space<hbm>>
      %dma_start3A_48 = tpu.memref_squeeze %dma_start3A_47 : memref<1x1x640x128xf32, #tpu.memory_space<hbm>> -> memref<640x128xf32, #tpu.memory_space<hbm>>
      %dma_start3A_49 = arith.constant 0 : i32
      %dma_start3A_50 = tpu.memref_slice %arg13[%mul3A_42, %dma_start3A_49] : memref<10240x128xf32, #tpu.memory_space<vmem_shared>> -> memref<640x128xf32, #tpu.memory_space<vmem_shared>>
      tpu.enqueue_dma source(%dma_start3A_50 : memref<640x128xf32, #tpu.memory_space<vmem_shared>>) target(%dma_start3A_48 : memref<640x128xf32, #tpu.memory_space<hbm>>) target_semaphore(%run_scoped3A_46 : memref<!tpu.dma_semaphore, #tpu.memory_space<semaphore_mem>>)
      %dma_wait3A = arith.constant 0 : i32
      %dma_wait3A_51 = tpu.memref_slice %arg8[%arg0, %run_scoped3A_45, %mul3A_44, %dma_wait3A] : memref<2x2x10240x128xf32, #tpu.memory_space<hbm>> -> memref<1x1x640x128xf32, #tpu.memory_space<hbm>>
      %dma_wait3A_52 = tpu.memref_squeeze %dma_wait3A_51 : memref<1x1x640x128xf32, #tpu.memory_space<hbm>> -> memref<640x128xf32, #tpu.memory_space<hbm>>
      %dma_wait3A_53 = arith.constant 0 : i32
      %dma_wait3A_54 = tpu.memref_slice %arg13[%mul3A_42, %dma_wait3A_53] : memref<10240x128xf32, #tpu.memory_space<vmem_shared>> -> memref<640x128xf32, #tpu.memory_space<vmem_shared>>
      tpu.wait_dma2 semaphore(%run_scoped3A_46 : memref<!tpu.dma_semaphore, #tpu.memory_space<semaphore_mem>>) src(%dma_wait3A_54 : memref<640x128xf32, #tpu.memory_space<vmem_shared>>) dst(%dma_wait3A_52 : memref<640x128xf32, #tpu.memory_space<hbm>>)
      tpu.yield
    }) : () -> ()
    return
  }
}

#map = affine_map<(d0, d1) -> (0, 0, 0)>
#map1 = affine_map<(d0, d1) -> (0, 0)>
module attributes {stable_mosaic.version = 14 : i64} {
  func.func @_deg_body(%arg0: i32, %arg1: i32, %arg2: memref<32x42x128xi32, #tpu.memory_space<hbm>>, %arg3: memref<128x128xf32, #tpu.memory_space<hbm>>, %arg4: memref<640x128xf32, #tpu.memory_space<hbm>>, %arg5: memref<2x10240x128xf32, #tpu.memory_space<hbm>>, %arg6: memref<42x128xi32, #tpu.memory_space<vmem>>, %arg7: memref<128x128xf32, #tpu.memory_space<vmem>>, %arg8: memref<10240x128xf32, #tpu.memory_space<vmem_shared>>) attributes {dimension_semantics = [#tpu.dimension_semantics<core_parallel>, #tpu.dimension_semantics<subcore_parallel>], iteration_bounds = array<i64: 2, 16>, scalar_prefetch = 0 : i64, scratch_operands = 3 : i64, tpu.core_type = #tpu.core_type<sc_vector_subcore>, window_params = [{transform_indices = #map}, {transform_indices = #map1}, {transform_indices = #map1}, {transform_indices = #map}]} {
    %mul3A = arith.constant 16 : i32
    %mul3A_0 = arith.muli %arg0, %mul3A : i32
    %add3A = arith.addi %mul3A_0, %arg1 : i32
    "tpu.region"() ({
      %run_scoped3A = tpu.sem_alloc : memref<!tpu.dma_semaphore, #tpu.memory_space<semaphore_mem>>
      %dma_start3A = arith.constant 0 : i32
      %dma_start3A_13 = arith.constant 0 : i32
      %dma_start3A_14 = tpu.memref_slice %arg2[%add3A, %dma_start3A, %dma_start3A_13] : memref<32x42x128xi32, #tpu.memory_space<hbm>> -> memref<1x42x128xi32, #tpu.memory_space<hbm>>
      %dma_start3A_15 = tpu.memref_squeeze %dma_start3A_14 : memref<1x42x128xi32, #tpu.memory_space<hbm>> -> memref<42x128xi32, #tpu.memory_space<hbm>>
      %dma_start3A_16 = arith.constant 0 : i32
      %dma_start3A_17 = arith.constant 0 : i32
      %dma_start3A_18 = tpu.memref_slice %arg2[%add3A, %dma_start3A_16, %dma_start3A_17] : memref<32x42x128xi32, #tpu.memory_space<hbm>> -> memref<1x42x128xi32, #tpu.memory_space<hbm>>
      %dma_start3A_19 = tpu.memref_squeeze %dma_start3A_18 : memref<1x42x128xi32, #tpu.memory_space<hbm>> -> memref<42x128xi32, #tpu.memory_space<hbm>>
      tpu.enqueue_dma source(%dma_start3A_19 : memref<42x128xi32, #tpu.memory_space<hbm>>) target(%arg6 : memref<42x128xi32, #tpu.memory_space<vmem>>) target_semaphore(%run_scoped3A : memref<!tpu.dma_semaphore, #tpu.memory_space<semaphore_mem>>)
      %dma_wait3A = arith.constant 0 : i32
      %dma_wait3A_20 = arith.constant 0 : i32
      %dma_wait3A_21 = tpu.memref_slice %arg2[%add3A, %dma_wait3A, %dma_wait3A_20] : memref<32x42x128xi32, #tpu.memory_space<hbm>> -> memref<1x42x128xi32, #tpu.memory_space<hbm>>
      %dma_wait3A_22 = tpu.memref_squeeze %dma_wait3A_21 : memref<1x42x128xi32, #tpu.memory_space<hbm>> -> memref<42x128xi32, #tpu.memory_space<hbm>>
      %dma_wait3A_23 = arith.constant 0 : i32
      %dma_wait3A_24 = arith.constant 0 : i32
      %dma_wait3A_25 = tpu.memref_slice %arg2[%add3A, %dma_wait3A_23, %dma_wait3A_24] : memref<32x42x128xi32, #tpu.memory_space<hbm>> -> memref<1x42x128xi32, #tpu.memory_space<hbm>>
      %dma_wait3A_26 = tpu.memref_squeeze %dma_wait3A_25 : memref<1x42x128xi32, #tpu.memory_space<hbm>> -> memref<42x128xi32, #tpu.memory_space<hbm>>
      tpu.wait_dma2 semaphore(%run_scoped3A : memref<!tpu.dma_semaphore, #tpu.memory_space<semaphore_mem>>) src(%dma_wait3A_26 : memref<42x128xi32, #tpu.memory_space<hbm>>) dst(%arg6 : memref<42x128xi32, #tpu.memory_space<vmem>>)
      tpu.yield
    }) : () -> ()
    "tpu.region"() ({
      %run_scoped3A = tpu.sem_alloc : memref<!tpu.dma_semaphore, #tpu.memory_space<semaphore_mem>>
      tpu.enqueue_dma source(%arg3 : memref<128x128xf32, #tpu.memory_space<hbm>>) target(%arg7 : memref<128x128xf32, #tpu.memory_space<vmem>>) target_semaphore(%run_scoped3A : memref<!tpu.dma_semaphore, #tpu.memory_space<semaphore_mem>>)
      tpu.wait_dma2 semaphore(%run_scoped3A : memref<!tpu.dma_semaphore, #tpu.memory_space<semaphore_mem>>) src(%arg3 : memref<128x128xf32, #tpu.memory_space<hbm>>) dst(%arg7 : memref<128x128xf32, #tpu.memory_space<vmem>>)
      tpu.yield
    }) : () -> ()
    %mul3A_1 = arith.constant 640 : i32
    %mul3A_2 = arith.muli %arg1, %mul3A_1 : i32
    "tpu.region"() ({
      %run_scoped3A = tpu.sem_alloc : memref<!tpu.dma_semaphore, #tpu.memory_space<semaphore_mem>>
      %dma_start3A = arith.constant 0 : i32
      %dma_start3A_13 = tpu.memref_slice %arg8[%mul3A_2, %dma_start3A] : memref<10240x128xf32, #tpu.memory_space<vmem_shared>> -> memref<640x128xf32, #tpu.memory_space<vmem_shared>>
      tpu.enqueue_dma source(%arg4 : memref<640x128xf32, #tpu.memory_space<hbm>>) target(%dma_start3A_13 : memref<640x128xf32, #tpu.memory_space<vmem_shared>>) target_semaphore(%run_scoped3A : memref<!tpu.dma_semaphore, #tpu.memory_space<semaphore_mem>>)
      %dma_wait3A = arith.constant 0 : i32
      %dma_wait3A_14 = tpu.memref_slice %arg8[%mul3A_2, %dma_wait3A] : memref<10240x128xf32, #tpu.memory_space<vmem_shared>> -> memref<640x128xf32, #tpu.memory_space<vmem_shared>>
      tpu.wait_dma2 semaphore(%run_scoped3A : memref<!tpu.dma_semaphore, #tpu.memory_space<semaphore_mem>>) src(%arg4 : memref<640x128xf32, #tpu.memory_space<hbm>>) dst(%dma_wait3A_14 : memref<640x128xf32, #tpu.memory_space<vmem_shared>>)
      tpu.yield
    }) : () -> ()
    %barrier3A = arith.constant 0 : index
    tpu.barrier barrier_id(%barrier3A)
    %scan3A = arith.constant 0 : i32
    %scan3A_3 = arith.constant 0 : i32
    %scan3A_4 = arith.constant 42 : i32
    %scan3A_5 = arith.addi %scan3A_3, %scan3A_4 : i32
    %scan3A_6 = arith.constant 1 : i32
    scf.for %scan3A_13 = %scan3A_3 to %scan3A_5 step %scan3A_6  : i32 {
      "tpu.region"() ({
        %run_scoped3A = tpu.sem_alloc : memref<!tpu.dma_semaphore, #tpu.memory_space<semaphore_mem>>
        %dma_start3A = arith.constant 0 : i32
        %dma_start3A_14 = tpu.memref_slice %arg6[%scan3A_13, %dma_start3A] : memref<42x128xi32, #tpu.memory_space<vmem>> -> memref<1x128xi32, #tpu.memory_space<vmem>>
        %dma_start3A_15 = tpu.memref_squeeze %dma_start3A_14 : memref<1x128xi32, #tpu.memory_space<vmem>> -> memref<128xi32, #tpu.memory_space<vmem>>
        %dma_start3A_16 = arith.constant 0 : i32
        %dma_start3A_17 = arith.constant 0 : i32
        %dma_start3A_18 = tpu.memref_slice %arg8[%dma_start3A_16, %dma_start3A_17] : memref<10240x128xf32, #tpu.memory_space<vmem_shared>> -> memref<10240x128xf32, #tpu.memory_space<vmem_shared>>
        tpu.enqueue_indirect_dma source(%arg7 : memref<128x128xf32, #tpu.memory_space<vmem>>) target(%dma_start3A_18 : memref<10240x128xf32, #tpu.memory_space<vmem_shared>>) offsets(%dma_start3A_15 : memref<128xi32, #tpu.memory_space<vmem>>) semaphore(%run_scoped3A : memref<!tpu.dma_semaphore, #tpu.memory_space<semaphore_mem>>) {add = true}
        %dma_wait3A = arith.constant 0 : i32
        %dma_wait3A_19 = tpu.memref_slice %arg6[%scan3A_13, %dma_wait3A] : memref<42x128xi32, #tpu.memory_space<vmem>> -> memref<1x128xi32, #tpu.memory_space<vmem>>
        %dma_wait3A_20 = tpu.memref_squeeze %dma_wait3A_19 : memref<1x128xi32, #tpu.memory_space<vmem>> -> memref<128xi32, #tpu.memory_space<vmem>>
        %dma_wait3A_21 = arith.constant 0 : i32
        %dma_wait3A_22 = arith.constant 0 : i32
        %dma_wait3A_23 = tpu.memref_slice %arg8[%dma_wait3A_21, %dma_wait3A_22] : memref<10240x128xf32, #tpu.memory_space<vmem_shared>> -> memref<10240x128xf32, #tpu.memory_space<vmem_shared>>
        tpu.wait_indirect_dma semaphore(%run_scoped3A : memref<!tpu.dma_semaphore, #tpu.memory_space<semaphore_mem>>) src(%arg7 : memref<128x128xf32, #tpu.memory_space<vmem>>) dst(%dma_wait3A_23 : memref<10240x128xf32, #tpu.memory_space<vmem_shared>>)
        tpu.yield
      }) : () -> ()
    }
    %scan3A_7 = arith.constant 42 : i32
    %barrier3A_8 = arith.constant 0 : index
    tpu.barrier barrier_id(%barrier3A_8)
    %mul3A_9 = arith.constant 640 : i32
    %mul3A_10 = arith.muli %arg1, %mul3A_9 : i32
    %mul3A_11 = arith.constant 640 : i32
    %mul3A_12 = arith.muli %arg1, %mul3A_11 : i32
    "tpu.region"() ({
      %run_scoped3A = tpu.sem_alloc : memref<!tpu.dma_semaphore, #tpu.memory_space<semaphore_mem>>
      %dma_start3A = arith.constant 0 : i32
      %dma_start3A_13 = tpu.memref_slice %arg5[%arg0, %mul3A_12, %dma_start3A] : memref<2x10240x128xf32, #tpu.memory_space<hbm>> -> memref<1x640x128xf32, #tpu.memory_space<hbm>>
      %dma_start3A_14 = tpu.memref_squeeze %dma_start3A_13 : memref<1x640x128xf32, #tpu.memory_space<hbm>> -> memref<640x128xf32, #tpu.memory_space<hbm>>
      %dma_start3A_15 = arith.constant 0 : i32
      %dma_start3A_16 = tpu.memref_slice %arg8[%mul3A_10, %dma_start3A_15] : memref<10240x128xf32, #tpu.memory_space<vmem_shared>> -> memref<640x128xf32, #tpu.memory_space<vmem_shared>>
      tpu.enqueue_dma source(%dma_start3A_16 : memref<640x128xf32, #tpu.memory_space<vmem_shared>>) target(%dma_start3A_14 : memref<640x128xf32, #tpu.memory_space<hbm>>) target_semaphore(%run_scoped3A : memref<!tpu.dma_semaphore, #tpu.memory_space<semaphore_mem>>)
      %dma_wait3A = arith.constant 0 : i32
      %dma_wait3A_17 = tpu.memref_slice %arg5[%arg0, %mul3A_12, %dma_wait3A] : memref<2x10240x128xf32, #tpu.memory_space<hbm>> -> memref<1x640x128xf32, #tpu.memory_space<hbm>>
      %dma_wait3A_18 = tpu.memref_squeeze %dma_wait3A_17 : memref<1x640x128xf32, #tpu.memory_space<hbm>> -> memref<640x128xf32, #tpu.memory_space<hbm>>
      %dma_wait3A_19 = arith.constant 0 : i32
      %dma_wait3A_20 = tpu.memref_slice %arg8[%mul3A_10, %dma_wait3A_19] : memref<10240x128xf32, #tpu.memory_space<vmem_shared>> -> memref<640x128xf32, #tpu.memory_space<vmem_shared>>
      tpu.wait_dma2 semaphore(%run_scoped3A : memref<!tpu.dma_semaphore, #tpu.memory_space<semaphore_mem>>) src(%dma_wait3A_20 : memref<640x128xf32, #tpu.memory_space<vmem_shared>>) dst(%dma_wait3A_18 : memref<640x128xf32, #tpu.memory_space<hbm>>)
      tpu.yield
    }) : () -> ()
    return
  }
}

#map = affine_map<(d0, d1) -> (0, 0)>
#map1 = affine_map<(d0, d1) -> (0, 0, 0)>
#map2 = affine_map<(d0, d1) -> (0, 0, 0, 0)>
module attributes {stable_mosaic.version = 14 : i64} {
  func.func @_agg_body(%arg0: i32, %arg1: i32, %arg2: memref<40960x128xf32, #tpu.memory_space<hbm>>, %arg3: memref<16x64x128xi32, #tpu.memory_space<hbm>>, %arg4: memref<16x64x128xi32, #tpu.memory_space<hbm>>, %arg5: memref<16x20x128xi32, #tpu.memory_space<hbm>>, %arg6: memref<16x20x128xi32, #tpu.memory_space<hbm>>, %arg7: memref<640x128xf32, #tpu.memory_space<hbm>>, %arg8: memref<2x4x10240x128xf32, #tpu.memory_space<hbm>>, %arg9: memref<64x128xi32, #tpu.memory_space<vmem>>, %arg10: memref<64x128xi32, #tpu.memory_space<vmem>>, %arg11: memref<128xi32, #tpu.memory_space<vmem>>, %arg12: memref<128x128xf32, #tpu.memory_space<vmem>>, %arg13: memref<10240x128xf32, #tpu.memory_space<vmem_shared>>, %arg14: memref<!tpu.dma_semaphore, #tpu.memory_space<semaphore_mem>>) attributes {dimension_semantics = [#tpu.dimension_semantics<core_parallel>, #tpu.dimension_semantics<subcore_parallel>], iteration_bounds = array<i64: 2, 16>, scalar_prefetch = 0 : i64, scratch_operands = 6 : i64, tpu.core_type = #tpu.core_type<sc_vector_subcore>, window_params = [{transform_indices = #map}, {transform_indices = #map1}, {transform_indices = #map1}, {transform_indices = #map1}, {transform_indices = #map1}, {transform_indices = #map}, {transform_indices = #map2}]} {
    %eq3A = arith.constant 0 : i32
    %eq3A_0 = arith.cmpi eq, %arg0, %eq3A : i32
    %jit3A = arith.constant 64 : i32
    %jit3A_1 = arith.constant 20 : i32
    %select_n3A = arith.select %eq3A_0, %jit3A, %jit3A_1 : i32
    %eq3A_2 = arith.constant 0 : i32
    %eq3A_3 = arith.cmpi eq, %arg0, %eq3A_2 : i32
    %convert_element_type3A = arith.extui %eq3A_3 : i1 to i32
    %cond3A = arith.constant 0 : i32
    %cond3A_4 = arith.cmpi ne, %convert_element_type3A, %cond3A : i32
    scf.if %cond3A_4 {
      "tpu.region"() ({
        %run_scoped3A_86 = tpu.sem_alloc : memref<!tpu.dma_semaphore, #tpu.memory_space<semaphore_mem>>
        %dma_start3A = arith.constant 0 : i32
        %dma_start3A_87 = arith.constant 0 : i32
        %dma_start3A_88 = tpu.memref_slice %arg9[%dma_start3A, %dma_start3A_87] : memref<64x128xi32, #tpu.memory_space<vmem>> -> memref<64x128xi32, #tpu.memory_space<vmem>>
        %dma_start3A_89 = arith.constant 0 : i32
        %dma_start3A_90 = arith.constant 0 : i32
        %dma_start3A_91 = tpu.memref_slice %arg3[%arg1, %dma_start3A_89, %dma_start3A_90] : memref<16x64x128xi32, #tpu.memory_space<hbm>> -> memref<1x64x128xi32, #tpu.memory_space<hbm>>
        %dma_start3A_92 = tpu.memref_squeeze %dma_start3A_91 : memref<1x64x128xi32, #tpu.memory_space<hbm>> -> memref<64x128xi32, #tpu.memory_space<hbm>>
        %dma_start3A_93 = arith.constant 0 : i32
        %dma_start3A_94 = arith.constant 0 : i32
        %dma_start3A_95 = tpu.memref_slice %arg9[%dma_start3A_93, %dma_start3A_94] : memref<64x128xi32, #tpu.memory_space<vmem>> -> memref<64x128xi32, #tpu.memory_space<vmem>>
        %dma_start3A_96 = arith.constant 0 : i32
        %dma_start3A_97 = arith.constant 0 : i32
        %dma_start3A_98 = tpu.memref_slice %arg3[%arg1, %dma_start3A_96, %dma_start3A_97] : memref<16x64x128xi32, #tpu.memory_space<hbm>> -> memref<1x64x128xi32, #tpu.memory_space<hbm>>
        %dma_start3A_99 = tpu.memref_squeeze %dma_start3A_98 : memref<1x64x128xi32, #tpu.memory_space<hbm>> -> memref<64x128xi32, #tpu.memory_space<hbm>>
        tpu.enqueue_dma source(%dma_start3A_99 : memref<64x128xi32, #tpu.memory_space<hbm>>) target(%dma_start3A_95 : memref<64x128xi32, #tpu.memory_space<vmem>>) target_semaphore(%run_scoped3A_86 : memref<!tpu.dma_semaphore, #tpu.memory_space<semaphore_mem>>)
        %dma_wait3A = arith.constant 0 : i32
        %dma_wait3A_100 = arith.constant 0 : i32
        %dma_wait3A_101 = tpu.memref_slice %arg9[%dma_wait3A, %dma_wait3A_100] : memref<64x128xi32, #tpu.memory_space<vmem>> -> memref<64x128xi32, #tpu.memory_space<vmem>>
        %dma_wait3A_102 = arith.constant 0 : i32
        %dma_wait3A_103 = arith.constant 0 : i32
        %dma_wait3A_104 = tpu.memref_slice %arg3[%arg1, %dma_wait3A_102, %dma_wait3A_103] : memref<16x64x128xi32, #tpu.memory_space<hbm>> -> memref<1x64x128xi32, #tpu.memory_space<hbm>>
        %dma_wait3A_105 = tpu.memref_squeeze %dma_wait3A_104 : memref<1x64x128xi32, #tpu.memory_space<hbm>> -> memref<64x128xi32, #tpu.memory_space<hbm>>
        %dma_wait3A_106 = arith.constant 0 : i32
        %dma_wait3A_107 = arith.constant 0 : i32
        %dma_wait3A_108 = tpu.memref_slice %arg9[%dma_wait3A_106, %dma_wait3A_107] : memref<64x128xi32, #tpu.memory_space<vmem>> -> memref<64x128xi32, #tpu.memory_space<vmem>>
        %dma_wait3A_109 = arith.constant 0 : i32
        %dma_wait3A_110 = arith.constant 0 : i32
        %dma_wait3A_111 = tpu.memref_slice %arg3[%arg1, %dma_wait3A_109, %dma_wait3A_110] : memref<16x64x128xi32, #tpu.memory_space<hbm>> -> memref<1x64x128xi32, #tpu.memory_space<hbm>>
        %dma_wait3A_112 = tpu.memref_squeeze %dma_wait3A_111 : memref<1x64x128xi32, #tpu.memory_space<hbm>> -> memref<64x128xi32, #tpu.memory_space<hbm>>
        tpu.wait_dma2 semaphore(%run_scoped3A_86 : memref<!tpu.dma_semaphore, #tpu.memory_space<semaphore_mem>>) src(%dma_wait3A_112 : memref<64x128xi32, #tpu.memory_space<hbm>>) dst(%dma_wait3A_108 : memref<64x128xi32, #tpu.memory_space<vmem>>)
        tpu.yield
      }) : () -> ()
      "tpu.region"() ({
        %run_scoped3A_86 = tpu.sem_alloc : memref<!tpu.dma_semaphore, #tpu.memory_space<semaphore_mem>>
        %dma_start3A = arith.constant 0 : i32
        %dma_start3A_87 = arith.constant 0 : i32
        %dma_start3A_88 = tpu.memref_slice %arg10[%dma_start3A, %dma_start3A_87] : memref<64x128xi32, #tpu.memory_space<vmem>> -> memref<64x128xi32, #tpu.memory_space<vmem>>
        %dma_start3A_89 = arith.constant 0 : i32
        %dma_start3A_90 = arith.constant 0 : i32
        %dma_start3A_91 = tpu.memref_slice %arg4[%arg1, %dma_start3A_89, %dma_start3A_90] : memref<16x64x128xi32, #tpu.memory_space<hbm>> -> memref<1x64x128xi32, #tpu.memory_space<hbm>>
        %dma_start3A_92 = tpu.memref_squeeze %dma_start3A_91 : memref<1x64x128xi32, #tpu.memory_space<hbm>> -> memref<64x128xi32, #tpu.memory_space<hbm>>
        %dma_start3A_93 = arith.constant 0 : i32
        %dma_start3A_94 = arith.constant 0 : i32
        %dma_start3A_95 = tpu.memref_slice %arg10[%dma_start3A_93, %dma_start3A_94] : memref<64x128xi32, #tpu.memory_space<vmem>> -> memref<64x128xi32, #tpu.memory_space<vmem>>
        %dma_start3A_96 = arith.constant 0 : i32
        %dma_start3A_97 = arith.constant 0 : i32
        %dma_start3A_98 = tpu.memref_slice %arg4[%arg1, %dma_start3A_96, %dma_start3A_97] : memref<16x64x128xi32, #tpu.memory_space<hbm>> -> memref<1x64x128xi32, #tpu.memory_space<hbm>>
        %dma_start3A_99 = tpu.memref_squeeze %dma_start3A_98 : memref<1x64x128xi32, #tpu.memory_space<hbm>> -> memref<64x128xi32, #tpu.memory_space<hbm>>
        tpu.enqueue_dma source(%dma_start3A_99 : memref<64x128xi32, #tpu.memory_space<hbm>>) target(%dma_start3A_95 : memref<64x128xi32, #tpu.memory_space<vmem>>) target_semaphore(%run_scoped3A_86 : memref<!tpu.dma_semaphore, #tpu.memory_space<semaphore_mem>>)
        %dma_wait3A = arith.constant 0 : i32
        %dma_wait3A_100 = arith.constant 0 : i32
        %dma_wait3A_101 = tpu.memref_slice %arg10[%dma_wait3A, %dma_wait3A_100] : memref<64x128xi32, #tpu.memory_space<vmem>> -> memref<64x128xi32, #tpu.memory_space<vmem>>
        %dma_wait3A_102 = arith.constant 0 : i32
        %dma_wait3A_103 = arith.constant 0 : i32
        %dma_wait3A_104 = tpu.memref_slice %arg4[%arg1, %dma_wait3A_102, %dma_wait3A_103] : memref<16x64x128xi32, #tpu.memory_space<hbm>> -> memref<1x64x128xi32, #tpu.memory_space<hbm>>
        %dma_wait3A_105 = tpu.memref_squeeze %dma_wait3A_104 : memref<1x64x128xi32, #tpu.memory_space<hbm>> -> memref<64x128xi32, #tpu.memory_space<hbm>>
        %dma_wait3A_106 = arith.constant 0 : i32
        %dma_wait3A_107 = arith.constant 0 : i32
        %dma_wait3A_108 = tpu.memref_slice %arg10[%dma_wait3A_106, %dma_wait3A_107] : memref<64x128xi32, #tpu.memory_space<vmem>> -> memref<64x128xi32, #tpu.memory_space<vmem>>
        %dma_wait3A_109 = arith.constant 0 : i32
        %dma_wait3A_110 = arith.constant 0 : i32
        %dma_wait3A_111 = tpu.memref_slice %arg4[%arg1, %dma_wait3A_109, %dma_wait3A_110] : memref<16x64x128xi32, #tpu.memory_space<hbm>> -> memref<1x64x128xi32, #tpu.memory_space<hbm>>
        %dma_wait3A_112 = tpu.memref_squeeze %dma_wait3A_111 : memref<1x64x128xi32, #tpu.memory_space<hbm>> -> memref<64x128xi32, #tpu.memory_space<hbm>>
        tpu.wait_dma2 semaphore(%run_scoped3A_86 : memref<!tpu.dma_semaphore, #tpu.memory_space<semaphore_mem>>) src(%dma_wait3A_112 : memref<64x128xi32, #tpu.memory_space<hbm>>) dst(%dma_wait3A_108 : memref<64x128xi32, #tpu.memory_space<vmem>>)
        tpu.yield
      }) : () -> ()
    } else {
    }
    %eq3A_5 = arith.constant 1 : i32
    %eq3A_6 = arith.cmpi eq, %arg0, %eq3A_5 : i32
    %convert_element_type3A_7 = arith.extui %eq3A_6 : i1 to i32
    %cond3A_8 = arith.constant 0 : i32
    %cond3A_9 = arith.cmpi ne, %convert_element_type3A_7, %cond3A_8 : i32
    scf.if %cond3A_9 {
      "tpu.region"() ({
        %run_scoped3A_86 = tpu.sem_alloc : memref<!tpu.dma_semaphore, #tpu.memory_space<semaphore_mem>>
        %dma_start3A = arith.constant 0 : i32
        %dma_start3A_87 = arith.constant 0 : i32
        %dma_start3A_88 = tpu.memref_slice %arg9[%dma_start3A, %dma_start3A_87] : memref<64x128xi32, #tpu.memory_space<vmem>> -> memref<20x128xi32, #tpu.memory_space<vmem>>
        %dma_start3A_89 = arith.constant 0 : i32
        %dma_start3A_90 = arith.constant 0 : i32
        %dma_start3A_91 = tpu.memref_slice %arg5[%arg1, %dma_start3A_89, %dma_start3A_90] : memref<16x20x128xi32, #tpu.memory_space<hbm>> -> memref<1x20x128xi32, #tpu.memory_space<hbm>>
        %dma_start3A_92 = tpu.memref_squeeze %dma_start3A_91 : memref<1x20x128xi32, #tpu.memory_space<hbm>> -> memref<20x128xi32, #tpu.memory_space<hbm>>
        %dma_start3A_93 = arith.constant 0 : i32
        %dma_start3A_94 = arith.constant 0 : i32
        %dma_start3A_95 = tpu.memref_slice %arg9[%dma_start3A_93, %dma_start3A_94] : memref<64x128xi32, #tpu.memory_space<vmem>> -> memref<20x128xi32, #tpu.memory_space<vmem>>
        %dma_start3A_96 = arith.constant 0 : i32
        %dma_start3A_97 = arith.constant 0 : i32
        %dma_start3A_98 = tpu.memref_slice %arg5[%arg1, %dma_start3A_96, %dma_start3A_97] : memref<16x20x128xi32, #tpu.memory_space<hbm>> -> memref<1x20x128xi32, #tpu.memory_space<hbm>>
        %dma_start3A_99 = tpu.memref_squeeze %dma_start3A_98 : memref<1x20x128xi32, #tpu.memory_space<hbm>> -> memref<20x128xi32, #tpu.memory_space<hbm>>
        tpu.enqueue_dma source(%dma_start3A_99 : memref<20x128xi32, #tpu.memory_space<hbm>>) target(%dma_start3A_95 : memref<20x128xi32, #tpu.memory_space<vmem>>) target_semaphore(%run_scoped3A_86 : memref<!tpu.dma_semaphore, #tpu.memory_space<semaphore_mem>>)
        %dma_wait3A = arith.constant 0 : i32
        %dma_wait3A_100 = arith.constant 0 : i32
        %dma_wait3A_101 = tpu.memref_slice %arg9[%dma_wait3A, %dma_wait3A_100] : memref<64x128xi32, #tpu.memory_space<vmem>> -> memref<20x128xi32, #tpu.memory_space<vmem>>
        %dma_wait3A_102 = arith.constant 0 : i32
        %dma_wait3A_103 = arith.constant 0 : i32
        %dma_wait3A_104 = tpu.memref_slice %arg5[%arg1, %dma_wait3A_102, %dma_wait3A_103] : memref<16x20x128xi32, #tpu.memory_space<hbm>> -> memref<1x20x128xi32, #tpu.memory_space<hbm>>
        %dma_wait3A_105 = tpu.memref_squeeze %dma_wait3A_104 : memref<1x20x128xi32, #tpu.memory_space<hbm>> -> memref<20x128xi32, #tpu.memory_space<hbm>>
        %dma_wait3A_106 = arith.constant 0 : i32
        %dma_wait3A_107 = arith.constant 0 : i32
        %dma_wait3A_108 = tpu.memref_slice %arg9[%dma_wait3A_106, %dma_wait3A_107] : memref<64x128xi32, #tpu.memory_space<vmem>> -> memref<20x128xi32, #tpu.memory_space<vmem>>
        %dma_wait3A_109 = arith.constant 0 : i32
        %dma_wait3A_110 = arith.constant 0 : i32
        %dma_wait3A_111 = tpu.memref_slice %arg5[%arg1, %dma_wait3A_109, %dma_wait3A_110] : memref<16x20x128xi32, #tpu.memory_space<hbm>> -> memref<1x20x128xi32, #tpu.memory_space<hbm>>
        %dma_wait3A_112 = tpu.memref_squeeze %dma_wait3A_111 : memref<1x20x128xi32, #tpu.memory_space<hbm>> -> memref<20x128xi32, #tpu.memory_space<hbm>>
        tpu.wait_dma2 semaphore(%run_scoped3A_86 : memref<!tpu.dma_semaphore, #tpu.memory_space<semaphore_mem>>) src(%dma_wait3A_112 : memref<20x128xi32, #tpu.memory_space<hbm>>) dst(%dma_wait3A_108 : memref<20x128xi32, #tpu.memory_space<vmem>>)
        tpu.yield
      }) : () -> ()
      "tpu.region"() ({
        %run_scoped3A_86 = tpu.sem_alloc : memref<!tpu.dma_semaphore, #tpu.memory_space<semaphore_mem>>
        %dma_start3A = arith.constant 0 : i32
        %dma_start3A_87 = arith.constant 0 : i32
        %dma_start3A_88 = tpu.memref_slice %arg10[%dma_start3A, %dma_start3A_87] : memref<64x128xi32, #tpu.memory_space<vmem>> -> memref<20x128xi32, #tpu.memory_space<vmem>>
        %dma_start3A_89 = arith.constant 0 : i32
        %dma_start3A_90 = arith.constant 0 : i32
        %dma_start3A_91 = tpu.memref_slice %arg6[%arg1, %dma_start3A_89, %dma_start3A_90] : memref<16x20x128xi32, #tpu.memory_space<hbm>> -> memref<1x20x128xi32, #tpu.memory_space<hbm>>
        %dma_start3A_92 = tpu.memref_squeeze %dma_start3A_91 : memref<1x20x128xi32, #tpu.memory_space<hbm>> -> memref<20x128xi32, #tpu.memory_space<hbm>>
        %dma_start3A_93 = arith.constant 0 : i32
        %dma_start3A_94 = arith.constant 0 : i32
        %dma_start3A_95 = tpu.memref_slice %arg10[%dma_start3A_93, %dma_start3A_94] : memref<64x128xi32, #tpu.memory_space<vmem>> -> memref<20x128xi32, #tpu.memory_space<vmem>>
        %dma_start3A_96 = arith.constant 0 : i32
        %dma_start3A_97 = arith.constant 0 : i32
        %dma_start3A_98 = tpu.memref_slice %arg6[%arg1, %dma_start3A_96, %dma_start3A_97] : memref<16x20x128xi32, #tpu.memory_space<hbm>> -> memref<1x20x128xi32, #tpu.memory_space<hbm>>
        %dma_start3A_99 = tpu.memref_squeeze %dma_start3A_98 : memref<1x20x128xi32, #tpu.memory_space<hbm>> -> memref<20x128xi32, #tpu.memory_space<hbm>>
        tpu.enqueue_dma source(%dma_start3A_99 : memref<20x128xi32, #tpu.memory_space<hbm>>) target(%dma_start3A_95 : memref<20x128xi32, #tpu.memory_space<vmem>>) target_semaphore(%run_scoped3A_86 : memref<!tpu.dma_semaphore, #tpu.memory_space<semaphore_mem>>)
        %dma_wait3A = arith.constant 0 : i32
        %dma_wait3A_100 = arith.constant 0 : i32
        %dma_wait3A_101 = tpu.memref_slice %arg10[%dma_wait3A, %dma_wait3A_100] : memref<64x128xi32, #tpu.memory_space<vmem>> -> memref<20x128xi32, #tpu.memory_space<vmem>>
        %dma_wait3A_102 = arith.constant 0 : i32
        %dma_wait3A_103 = arith.constant 0 : i32
        %dma_wait3A_104 = tpu.memref_slice %arg6[%arg1, %dma_wait3A_102, %dma_wait3A_103] : memref<16x20x128xi32, #tpu.memory_space<hbm>> -> memref<1x20x128xi32, #tpu.memory_space<hbm>>
        %dma_wait3A_105 = tpu.memref_squeeze %dma_wait3A_104 : memref<1x20x128xi32, #tpu.memory_space<hbm>> -> memref<20x128xi32, #tpu.memory_space<hbm>>
        %dma_wait3A_106 = arith.constant 0 : i32
        %dma_wait3A_107 = arith.constant 0 : i32
        %dma_wait3A_108 = tpu.memref_slice %arg10[%dma_wait3A_106, %dma_wait3A_107] : memref<64x128xi32, #tpu.memory_space<vmem>> -> memref<20x128xi32, #tpu.memory_space<vmem>>
        %dma_wait3A_109 = arith.constant 0 : i32
        %dma_wait3A_110 = arith.constant 0 : i32
        %dma_wait3A_111 = tpu.memref_slice %arg6[%arg1, %dma_wait3A_109, %dma_wait3A_110] : memref<16x20x128xi32, #tpu.memory_space<hbm>> -> memref<1x20x128xi32, #tpu.memory_space<hbm>>
        %dma_wait3A_112 = tpu.memref_squeeze %dma_wait3A_111 : memref<1x20x128xi32, #tpu.memory_space<hbm>> -> memref<20x128xi32, #tpu.memory_space<hbm>>
        tpu.wait_dma2 semaphore(%run_scoped3A_86 : memref<!tpu.dma_semaphore, #tpu.memory_space<semaphore_mem>>) src(%dma_wait3A_112 : memref<20x128xi32, #tpu.memory_space<hbm>>) dst(%dma_wait3A_108 : memref<20x128xi32, #tpu.memory_space<vmem>>)
        tpu.yield
      }) : () -> ()
    } else {
    }
    %mul3A = arith.constant 640 : i32
    %mul3A_10 = arith.muli %arg1, %mul3A : i32
    "tpu.region"() ({
      %run_scoped3A_86 = tpu.sem_alloc : memref<!tpu.dma_semaphore, #tpu.memory_space<semaphore_mem>>
      %dma_start3A = arith.constant 0 : i32
      %dma_start3A_87 = tpu.memref_slice %arg13[%mul3A_10, %dma_start3A] : memref<10240x128xf32, #tpu.memory_space<vmem_shared>> -> memref<640x128xf32, #tpu.memory_space<vmem_shared>>
      tpu.enqueue_dma source(%arg7 : memref<640x128xf32, #tpu.memory_space<hbm>>) target(%dma_start3A_87 : memref<640x128xf32, #tpu.memory_space<vmem_shared>>) target_semaphore(%run_scoped3A_86 : memref<!tpu.dma_semaphore, #tpu.memory_space<semaphore_mem>>)
      %dma_wait3A = arith.constant 0 : i32
      %dma_wait3A_88 = tpu.memref_slice %arg13[%mul3A_10, %dma_wait3A] : memref<10240x128xf32, #tpu.memory_space<vmem_shared>> -> memref<640x128xf32, #tpu.memory_space<vmem_shared>>
      tpu.wait_dma2 semaphore(%run_scoped3A_86 : memref<!tpu.dma_semaphore, #tpu.memory_space<semaphore_mem>>) src(%arg7 : memref<640x128xf32, #tpu.memory_space<hbm>>) dst(%dma_wait3A_88 : memref<640x128xf32, #tpu.memory_space<vmem_shared>>)
      tpu.yield
    }) : () -> ()
    %barrier3A = arith.constant 0 : index
    tpu.barrier barrier_id(%barrier3A)
    %while3A = arith.constant 0 : i32
    %while3A_11 = arith.constant 0 : i32
    %while3A_12 = arith.constant 0 : i32
    %while3A_13 = arith.subi %select_n3A, %while3A_12 : i32
    %while3A_14 = arith.addi %while3A_12, %while3A_13 : i32
    %while3A_15 = arith.constant 1 : i32
    %while3A_16 = arith.divsi %while3A_13, %while3A_15 : i32
    %while3A_17 = arith.muli %while3A_16, %while3A_15 : i32
    %while3A_18 = arith.addi %while3A_12, %while3A_17 : i32
    %while3A_19 = arith.constant 1 : i32
    scf.for %while3A_86 = %while3A_12 to %while3A_18 step %while3A_19  : i32 {
      %mul3A_87 = arith.constant 1 : i32
      %mul3A_88 = arith.muli %while3A_86, %mul3A_87 : i32
      %add3A = arith.constant 0 : i32
      %add3A_89 = arith.addi %mul3A_88, %add3A : i32
      %get3A = arith.index_cast %add3A_89 : i32 to index
      %get3A_90 = arith.constant 0 : index
      %get3A_91 = tpu.vector_load %arg9[%get3A, %get3A_90] {strides = array<i32>} : memref<64x128xi32, #tpu.memory_space<vmem>>, vector<1x16xi32>,
      %get3A_92 = vector.shape_cast %get3A_91 : vector<1x16xi32> to vector<16xi32>
      %add3A_93 = vector.broadcast %while3A_11 : i32 to vector<16xi32>
      %add3A_94 = arith.addi %get3A_92, %add3A_93 : vector<16xi32>
      %swap3A = arith.constant 0 : index
      %swap3A_95 = tpu.vector_load %arg11[%swap3A] {strides = array<i32>} : memref<128xi32, #tpu.memory_space<vmem>>, vector<16xi32>,
      %swap3A_96 = vector.shape_cast %swap3A_95 : vector<16xi32> to vector<16xi32>
      %swap3A_97 = vector.shape_cast %add3A_94 : vector<16xi32> to vector<16xi32>
      tpu.vector_store %arg11[%swap3A], %swap3A_97 {strides = array<i32>} : memref<128xi32, #tpu.memory_space<vmem>>, vector<16xi32>,
      %get3A_98 = arith.index_cast %add3A_89 : i32 to index
      %get3A_99 = arith.constant 16 : index
      %get3A_100 = tpu.vector_load %arg9[%get3A_98, %get3A_99] {strides = array<i32>} : memref<64x128xi32, #tpu.memory_space<vmem>>, vector<1x16xi32>,
      %get3A_101 = vector.shape_cast %get3A_100 : vector<1x16xi32> to vector<16xi32>
      %add3A_102 = vector.broadcast %while3A_11 : i32 to vector<16xi32>
      %add3A_103 = arith.addi %get3A_101, %add3A_102 : vector<16xi32>
      %swap3A_104 = arith.constant 16 : index
      %swap3A_105 = tpu.vector_load %arg11[%swap3A_104] {strides = array<i32>} : memref<128xi32, #tpu.memory_space<vmem>>, vector<16xi32>,
      %swap3A_106 = vector.shape_cast %swap3A_105 : vector<16xi32> to vector<16xi32>
      %swap3A_107 = vector.shape_cast %add3A_103 : vector<16xi32> to vector<16xi32>
      tpu.vector_store %arg11[%swap3A_104], %swap3A_107 {strides = array<i32>} : memref<128xi32, #tpu.memory_space<vmem>>, vector<16xi32>,
      %get3A_108 = arith.index_cast %add3A_89 : i32 to index
      %get3A_109 = arith.constant 32 : index
      %get3A_110 = tpu.vector_load %arg9[%get3A_108, %get3A_109] {strides = array<i32>} : memref<64x128xi32, #tpu.memory_space<vmem>>, vector<1x16xi32>,
      %get3A_111 = vector.shape_cast %get3A_110 : vector<1x16xi32> to vector<16xi32>
      %add3A_112 = vector.broadcast %while3A_11 : i32 to vector<16xi32>
      %add3A_113 = arith.addi %get3A_111, %add3A_112 : vector<16xi32>
      %swap3A_114 = arith.constant 32 : index
      %swap3A_115 = tpu.vector_load %arg11[%swap3A_114] {strides = array<i32>} : memref<128xi32, #tpu.memory_space<vmem>>, vector<16xi32>,
      %swap3A_116 = vector.shape_cast %swap3A_115 : vector<16xi32> to vector<16xi32>
      %swap3A_117 = vector.shape_cast %add3A_113 : vector<16xi32> to vector<16xi32>
      tpu.vector_store %arg11[%swap3A_114], %swap3A_117 {strides = array<i32>} : memref<128xi32, #tpu.memory_space<vmem>>, vector<16xi32>,
      %get3A_118 = arith.index_cast %add3A_89 : i32 to index
      %get3A_119 = arith.constant 48 : index
      %get3A_120 = tpu.vector_load %arg9[%get3A_118, %get3A_119] {strides = array<i32>} : memref<64x128xi32, #tpu.memory_space<vmem>>, vector<1x16xi32>,
      %get3A_121 = vector.shape_cast %get3A_120 : vector<1x16xi32> to vector<16xi32>
      %add3A_122 = vector.broadcast %while3A_11 : i32 to vector<16xi32>
      %add3A_123 = arith.addi %get3A_121, %add3A_122 : vector<16xi32>
      %swap3A_124 = arith.constant 48 : index
      %swap3A_125 = tpu.vector_load %arg11[%swap3A_124] {strides = array<i32>} : memref<128xi32, #tpu.memory_space<vmem>>, vector<16xi32>,
      %swap3A_126 = vector.shape_cast %swap3A_125 : vector<16xi32> to vector<16xi32>
      %swap3A_127 = vector.shape_cast %add3A_123 : vector<16xi32> to vector<16xi32>
      tpu.vector_store %arg11[%swap3A_124], %swap3A_127 {strides = array<i32>} : memref<128xi32, #tpu.memory_space<vmem>>, vector<16xi32>,
      %get3A_128 = arith.index_cast %add3A_89 : i32 to index
      %get3A_129 = arith.constant 64 : index
      %get3A_130 = tpu.vector_load %arg9[%get3A_128, %get3A_129] {strides = array<i32>} : memref<64x128xi32, #tpu.memory_space<vmem>>, vector<1x16xi32>,
      %get3A_131 = vector.shape_cast %get3A_130 : vector<1x16xi32> to vector<16xi32>
      %add3A_132 = vector.broadcast %while3A_11 : i32 to vector<16xi32>
      %add3A_133 = arith.addi %get3A_131, %add3A_132 : vector<16xi32>
      %swap3A_134 = arith.constant 64 : index
      %swap3A_135 = tpu.vector_load %arg11[%swap3A_134] {strides = array<i32>} : memref<128xi32, #tpu.memory_space<vmem>>, vector<16xi32>,
      %swap3A_136 = vector.shape_cast %swap3A_135 : vector<16xi32> to vector<16xi32>
      %swap3A_137 = vector.shape_cast %add3A_133 : vector<16xi32> to vector<16xi32>
      tpu.vector_store %arg11[%swap3A_134], %swap3A_137 {strides = array<i32>} : memref<128xi32, #tpu.memory_space<vmem>>, vector<16xi32>,
      %get3A_138 = arith.index_cast %add3A_89 : i32 to index
      %get3A_139 = arith.constant 80 : index
      %get3A_140 = tpu.vector_load %arg9[%get3A_138, %get3A_139] {strides = array<i32>} : memref<64x128xi32, #tpu.memory_space<vmem>>, vector<1x16xi32>,
      %get3A_141 = vector.shape_cast %get3A_140 : vector<1x16xi32> to vector<16xi32>
      %add3A_142 = vector.broadcast %while3A_11 : i32 to vector<16xi32>
      %add3A_143 = arith.addi %get3A_141, %add3A_142 : vector<16xi32>
      %swap3A_144 = arith.constant 80 : index
      %swap3A_145 = tpu.vector_load %arg11[%swap3A_144] {strides = array<i32>} : memref<128xi32, #tpu.memory_space<vmem>>, vector<16xi32>,
      %swap3A_146 = vector.shape_cast %swap3A_145 : vector<16xi32> to vector<16xi32>
      %swap3A_147 = vector.shape_cast %add3A_143 : vector<16xi32> to vector<16xi32>
      tpu.vector_store %arg11[%swap3A_144], %swap3A_147 {strides = array<i32>} : memref<128xi32, #tpu.memory_space<vmem>>, vector<16xi32>,
      %get3A_148 = arith.index_cast %add3A_89 : i32 to index
      %get3A_149 = arith.constant 96 : index
      %get3A_150 = tpu.vector_load %arg9[%get3A_148, %get3A_149] {strides = array<i32>} : memref<64x128xi32, #tpu.memory_space<vmem>>, vector<1x16xi32>,
      %get3A_151 = vector.shape_cast %get3A_150 : vector<1x16xi32> to vector<16xi32>
      %add3A_152 = vector.broadcast %while3A_11 : i32 to vector<16xi32>
      %add3A_153 = arith.addi %get3A_151, %add3A_152 : vector<16xi32>
      %swap3A_154 = arith.constant 96 : index
      %swap3A_155 = tpu.vector_load %arg11[%swap3A_154] {strides = array<i32>} : memref<128xi32, #tpu.memory_space<vmem>>, vector<16xi32>,
      %swap3A_156 = vector.shape_cast %swap3A_155 : vector<16xi32> to vector<16xi32>
      %swap3A_157 = vector.shape_cast %add3A_153 : vector<16xi32> to vector<16xi32>
      tpu.vector_store %arg11[%swap3A_154], %swap3A_157 {strides = array<i32>} : memref<128xi32, #tpu.memory_space<vmem>>, vector<16xi32>,
      %get3A_158 = arith.index_cast %add3A_89 : i32 to index
      %get3A_159 = arith.constant 112 : index
      %get3A_160 = tpu.vector_load %arg9[%get3A_158, %get3A_159] {strides = array<i32>} : memref<64x128xi32, #tpu.memory_space<vmem>>, vector<1x16xi32>,
      %get3A_161 = vector.shape_cast %get3A_160 : vector<1x16xi32> to vector<16xi32>
      %add3A_162 = vector.broadcast %while3A_11 : i32 to vector<16xi32>
      %add3A_163 = arith.addi %get3A_161, %add3A_162 : vector<16xi32>
      %swap3A_164 = arith.constant 112 : index
      %swap3A_165 = tpu.vector_load %arg11[%swap3A_164] {strides = array<i32>} : memref<128xi32, #tpu.memory_space<vmem>>, vector<16xi32>,
      %swap3A_166 = vector.shape_cast %swap3A_165 : vector<16xi32> to vector<16xi32>
      %swap3A_167 = vector.shape_cast %add3A_163 : vector<16xi32> to vector<16xi32>
      tpu.vector_store %arg11[%swap3A_164], %swap3A_167 {strides = array<i32>} : memref<128xi32, #tpu.memory_space<vmem>>, vector<16xi32>,
      %dma_start3A = arith.constant 0 : i32
      %dma_start3A_168 = arith.constant 0 : i32
      %dma_start3A_169 = tpu.memref_slice %arg2[%dma_start3A, %dma_start3A_168] : memref<40960x128xf32, #tpu.memory_space<hbm>> -> memref<40960x128xf32, #tpu.memory_space<hbm>>
      tpu.enqueue_indirect_dma source(%dma_start3A_169 : memref<40960x128xf32, #tpu.memory_space<hbm>>) target(%arg12 : memref<128x128xf32, #tpu.memory_space<vmem>>) offsets(%arg11 : memref<128xi32, #tpu.memory_space<vmem>>) semaphore(%arg14 : memref<!tpu.dma_semaphore, #tpu.memory_space<semaphore_mem>>)
      %dma_wait3A = arith.constant 0 : i32
      %dma_wait3A_170 = arith.constant 0 : i32
      %dma_wait3A_171 = tpu.memref_slice %arg2[%dma_wait3A, %dma_wait3A_170] : memref<40960x128xf32, #tpu.memory_space<hbm>> -> memref<40960x128xf32, #tpu.memory_space<hbm>>
      tpu.wait_indirect_dma semaphore(%arg14 : memref<!tpu.dma_semaphore, #tpu.memory_space<semaphore_mem>>) src(%dma_wait3A_171 : memref<40960x128xf32, #tpu.memory_space<hbm>>) dst(%arg12 : memref<128x128xf32, #tpu.memory_space<vmem>>)
      %mul3A_172 = arith.constant 1 : i32
      %mul3A_173 = arith.muli %while3A_86, %mul3A_172 : i32
      %add3A_174 = arith.constant 0 : i32
      %add3A_175 = arith.addi %mul3A_173, %add3A_174 : i32
      "tpu.region"() ({
        %run_scoped3A_176 = tpu.sem_alloc : memref<!tpu.dma_semaphore, #tpu.memory_space<semaphore_mem>>
        %dma_start3A_177 = arith.constant 0 : i32
        %dma_start3A_178 = tpu.memref_slice %arg10[%add3A_175, %dma_start3A_177] : memref<64x128xi32, #tpu.memory_space<vmem>> -> memref<1x128xi32, #tpu.memory_space<vmem>>
        %dma_start3A_179 = tpu.memref_squeeze %dma_start3A_178 : memref<1x128xi32, #tpu.memory_space<vmem>> -> memref<128xi32, #tpu.memory_space<vmem>>
        %dma_start3A_180 = arith.constant 0 : i32
        %dma_start3A_181 = arith.constant 0 : i32
        %dma_start3A_182 = tpu.memref_slice %arg13[%dma_start3A_180, %dma_start3A_181] : memref<10240x128xf32, #tpu.memory_space<vmem_shared>> -> memref<10240x128xf32, #tpu.memory_space<vmem_shared>>
        tpu.enqueue_indirect_dma source(%arg12 : memref<128x128xf32, #tpu.memory_space<vmem>>) target(%dma_start3A_182 : memref<10240x128xf32, #tpu.memory_space<vmem_shared>>) offsets(%dma_start3A_179 : memref<128xi32, #tpu.memory_space<vmem>>) semaphore(%run_scoped3A_176 : memref<!tpu.dma_semaphore, #tpu.memory_space<semaphore_mem>>) {add = true}
        %dma_wait3A_183 = arith.constant 0 : i32
        %dma_wait3A_184 = tpu.memref_slice %arg10[%add3A_175, %dma_wait3A_183] : memref<64x128xi32, #tpu.memory_space<vmem>> -> memref<1x128xi32, #tpu.memory_space<vmem>>
        %dma_wait3A_185 = tpu.memref_squeeze %dma_wait3A_184 : memref<1x128xi32, #tpu.memory_space<vmem>> -> memref<128xi32, #tpu.memory_space<vmem>>
        %dma_wait3A_186 = arith.constant 0 : i32
        %dma_wait3A_187 = arith.constant 0 : i32
        %dma_wait3A_188 = tpu.memref_slice %arg13[%dma_wait3A_186, %dma_wait3A_187] : memref<10240x128xf32, #tpu.memory_space<vmem_shared>> -> memref<10240x128xf32, #tpu.memory_space<vmem_shared>>
        tpu.wait_indirect_dma semaphore(%run_scoped3A_176 : memref<!tpu.dma_semaphore, #tpu.memory_space<semaphore_mem>>) src(%arg12 : memref<128x128xf32, #tpu.memory_space<vmem>>) dst(%dma_wait3A_188 : memref<10240x128xf32, #tpu.memory_space<vmem_shared>>)
        tpu.yield
      }) : () -> ()
    }
    %while3A_20 = arith.constant 1 : i32
    scf.for %while3A_86 = %while3A_18 to %while3A_14 step %while3A_20  : i32 {
      %mul3A_87 = arith.constant 1 : i32
      %mul3A_88 = arith.muli %while3A_86, %mul3A_87 : i32
      %add3A = arith.constant 0 : i32
      %add3A_89 = arith.addi %mul3A_88, %add3A : i32
      %get3A = arith.index_cast %add3A_89 : i32 to index
      %get3A_90 = arith.constant 0 : index
      %get3A_91 = tpu.vector_load %arg9[%get3A, %get3A_90] {strides = array<i32>} : memref<64x128xi32, #tpu.memory_space<vmem>>, vector<1x16xi32>,
      %get3A_92 = vector.shape_cast %get3A_91 : vector<1x16xi32> to vector<16xi32>
      %add3A_93 = vector.broadcast %while3A_11 : i32 to vector<16xi32>
      %add3A_94 = arith.addi %get3A_92, %add3A_93 : vector<16xi32>
      %swap3A = arith.constant 0 : index
      %swap3A_95 = tpu.vector_load %arg11[%swap3A] {strides = array<i32>} : memref<128xi32, #tpu.memory_space<vmem>>, vector<16xi32>,
      %swap3A_96 = vector.shape_cast %swap3A_95 : vector<16xi32> to vector<16xi32>
      %swap3A_97 = vector.shape_cast %add3A_94 : vector<16xi32> to vector<16xi32>
      tpu.vector_store %arg11[%swap3A], %swap3A_97 {strides = array<i32>} : memref<128xi32, #tpu.memory_space<vmem>>, vector<16xi32>,
      %get3A_98 = arith.index_cast %add3A_89 : i32 to index
      %get3A_99 = arith.constant 16 : index
      %get3A_100 = tpu.vector_load %arg9[%get3A_98, %get3A_99] {strides = array<i32>} : memref<64x128xi32, #tpu.memory_space<vmem>>, vector<1x16xi32>,
      %get3A_101 = vector.shape_cast %get3A_100 : vector<1x16xi32> to vector<16xi32>
      %add3A_102 = vector.broadcast %while3A_11 : i32 to vector<16xi32>
      %add3A_103 = arith.addi %get3A_101, %add3A_102 : vector<16xi32>
      %swap3A_104 = arith.constant 16 : index
      %swap3A_105 = tpu.vector_load %arg11[%swap3A_104] {strides = array<i32>} : memref<128xi32, #tpu.memory_space<vmem>>, vector<16xi32>,
      %swap3A_106 = vector.shape_cast %swap3A_105 : vector<16xi32> to vector<16xi32>
      %swap3A_107 = vector.shape_cast %add3A_103 : vector<16xi32> to vector<16xi32>
      tpu.vector_store %arg11[%swap3A_104], %swap3A_107 {strides = array<i32>} : memref<128xi32, #tpu.memory_space<vmem>>, vector<16xi32>,
      %get3A_108 = arith.index_cast %add3A_89 : i32 to index
      %get3A_109 = arith.constant 32 : index
      %get3A_110 = tpu.vector_load %arg9[%get3A_108, %get3A_109] {strides = array<i32>} : memref<64x128xi32, #tpu.memory_space<vmem>>, vector<1x16xi32>,
      %get3A_111 = vector.shape_cast %get3A_110 : vector<1x16xi32> to vector<16xi32>
      %add3A_112 = vector.broadcast %while3A_11 : i32 to vector<16xi32>
      %add3A_113 = arith.addi %get3A_111, %add3A_112 : vector<16xi32>
      %swap3A_114 = arith.constant 32 : index
      %swap3A_115 = tpu.vector_load %arg11[%swap3A_114] {strides = array<i32>} : memref<128xi32, #tpu.memory_space<vmem>>, vector<16xi32>,
      %swap3A_116 = vector.shape_cast %swap3A_115 : vector<16xi32> to vector<16xi32>
      %swap3A_117 = vector.shape_cast %add3A_113 : vector<16xi32> to vector<16xi32>
      tpu.vector_store %arg11[%swap3A_114], %swap3A_117 {strides = array<i32>} : memref<128xi32, #tpu.memory_space<vmem>>, vector<16xi32>,
      %get3A_118 = arith.index_cast %add3A_89 : i32 to index
      %get3A_119 = arith.constant 48 : index
      %get3A_120 = tpu.vector_load %arg9[%get3A_118, %get3A_119] {strides = array<i32>} : memref<64x128xi32, #tpu.memory_space<vmem>>, vector<1x16xi32>,
      %get3A_121 = vector.shape_cast %get3A_120 : vector<1x16xi32> to vector<16xi32>
      %add3A_122 = vector.broadcast %while3A_11 : i32 to vector<16xi32>
      %add3A_123 = arith.addi %get3A_121, %add3A_122 : vector<16xi32>
      %swap3A_124 = arith.constant 48 : index
      %swap3A_125 = tpu.vector_load %arg11[%swap3A_124] {strides = array<i32>} : memref<128xi32, #tpu.memory_space<vmem>>, vector<16xi32>,
      %swap3A_126 = vector.shape_cast %swap3A_125 : vector<16xi32> to vector<16xi32>
      %swap3A_127 = vector.shape_cast %add3A_123 : vector<16xi32> to vector<16xi32>
      tpu.vector_store %arg11[%swap3A_124], %swap3A_127 {strides = array<i32>} : memref<128xi32, #tpu.memory_space<vmem>>, vector<16xi32>,
      %get3A_128 = arith.index_cast %add3A_89 : i32 to index
      %get3A_129 = arith.constant 64 : index
      %get3A_130 = tpu.vector_load %arg9[%get3A_128, %get3A_129] {strides = array<i32>} : memref<64x128xi32, #tpu.memory_space<vmem>>, vector<1x16xi32>,
      %get3A_131 = vector.shape_cast %get3A_130 : vector<1x16xi32> to vector<16xi32>
      %add3A_132 = vector.broadcast %while3A_11 : i32 to vector<16xi32>
      %add3A_133 = arith.addi %get3A_131, %add3A_132 : vector<16xi32>
      %swap3A_134 = arith.constant 64 : index
      %swap3A_135 = tpu.vector_load %arg11[%swap3A_134] {strides = array<i32>} : memref<128xi32, #tpu.memory_space<vmem>>, vector<16xi32>,
      %swap3A_136 = vector.shape_cast %swap3A_135 : vector<16xi32> to vector<16xi32>
      %swap3A_137 = vector.shape_cast %add3A_133 : vector<16xi32> to vector<16xi32>
      tpu.vector_store %arg11[%swap3A_134], %swap3A_137 {strides = array<i32>} : memref<128xi32, #tpu.memory_space<vmem>>, vector<16xi32>,
      %get3A_138 = arith.index_cast %add3A_89 : i32 to index
      %get3A_139 = arith.constant 80 : index
      %get3A_140 = tpu.vector_load %arg9[%get3A_138, %get3A_139] {strides = array<i32>} : memref<64x128xi32, #tpu.memory_space<vmem>>, vector<1x16xi32>,
      %get3A_141 = vector.shape_cast %get3A_140 : vector<1x16xi32> to vector<16xi32>
      %add3A_142 = vector.broadcast %while3A_11 : i32 to vector<16xi32>
      %add3A_143 = arith.addi %get3A_141, %add3A_142 : vector<16xi32>
      %swap3A_144 = arith.constant 80 : index
      %swap3A_145 = tpu.vector_load %arg11[%swap3A_144] {strides = array<i32>} : memref<128xi32, #tpu.memory_space<vmem>>, vector<16xi32>,
      %swap3A_146 = vector.shape_cast %swap3A_145 : vector<16xi32> to vector<16xi32>
      %swap3A_147 = vector.shape_cast %add3A_143 : vector<16xi32> to vector<16xi32>
      tpu.vector_store %arg11[%swap3A_144], %swap3A_147 {strides = array<i32>} : memref<128xi32, #tpu.memory_space<vmem>>, vector<16xi32>,
      %get3A_148 = arith.index_cast %add3A_89 : i32 to index
      %get3A_149 = arith.constant 96 : index
      %get3A_150 = tpu.vector_load %arg9[%get3A_148, %get3A_149] {strides = array<i32>} : memref<64x128xi32, #tpu.memory_space<vmem>>, vector<1x16xi32>,
      %get3A_151 = vector.shape_cast %get3A_150 : vector<1x16xi32> to vector<16xi32>
      %add3A_152 = vector.broadcast %while3A_11 : i32 to vector<16xi32>
      %add3A_153 = arith.addi %get3A_151, %add3A_152 : vector<16xi32>
      %swap3A_154 = arith.constant 96 : index
      %swap3A_155 = tpu.vector_load %arg11[%swap3A_154] {strides = array<i32>} : memref<128xi32, #tpu.memory_space<vmem>>, vector<16xi32>,
      %swap3A_156 = vector.shape_cast %swap3A_155 : vector<16xi32> to vector<16xi32>
      %swap3A_157 = vector.shape_cast %add3A_153 : vector<16xi32> to vector<16xi32>
      tpu.vector_store %arg11[%swap3A_154], %swap3A_157 {strides = array<i32>} : memref<128xi32, #tpu.memory_space<vmem>>, vector<16xi32>,
      %get3A_158 = arith.index_cast %add3A_89 : i32 to index
      %get3A_159 = arith.constant 112 : index
      %get3A_160 = tpu.vector_load %arg9[%get3A_158, %get3A_159] {strides = array<i32>} : memref<64x128xi32, #tpu.memory_space<vmem>>, vector<1x16xi32>,
      %get3A_161 = vector.shape_cast %get3A_160 : vector<1x16xi32> to vector<16xi32>
      %add3A_162 = vector.broadcast %while3A_11 : i32 to vector<16xi32>
      %add3A_163 = arith.addi %get3A_161, %add3A_162 : vector<16xi32>
      %swap3A_164 = arith.constant 112 : index
      %swap3A_165 = tpu.vector_load %arg11[%swap3A_164] {strides = array<i32>} : memref<128xi32, #tpu.memory_space<vmem>>, vector<16xi32>,
      %swap3A_166 = vector.shape_cast %swap3A_165 : vector<16xi32> to vector<16xi32>
      %swap3A_167 = vector.shape_cast %add3A_163 : vector<16xi32> to vector<16xi32>
      tpu.vector_store %arg11[%swap3A_164], %swap3A_167 {strides = array<i32>} : memref<128xi32, #tpu.memory_space<vmem>>, vector<16xi32>,
      %dma_start3A = arith.constant 0 : i32
      %dma_start3A_168 = arith.constant 0 : i32
      %dma_start3A_169 = tpu.memref_slice %arg2[%dma_start3A, %dma_start3A_168] : memref<40960x128xf32, #tpu.memory_space<hbm>> -> memref<40960x128xf32, #tpu.memory_space<hbm>>
      tpu.enqueue_indirect_dma source(%dma_start3A_169 : memref<40960x128xf32, #tpu.memory_space<hbm>>) target(%arg12 : memref<128x128xf32, #tpu.memory_space<vmem>>) offsets(%arg11 : memref<128xi32, #tpu.memory_space<vmem>>) semaphore(%arg14 : memref<!tpu.dma_semaphore, #tpu.memory_space<semaphore_mem>>)
      %dma_wait3A = arith.constant 0 : i32
      %dma_wait3A_170 = arith.constant 0 : i32
      %dma_wait3A_171 = tpu.memref_slice %arg2[%dma_wait3A, %dma_wait3A_170] : memref<40960x128xf32, #tpu.memory_space<hbm>> -> memref<40960x128xf32, #tpu.memory_space<hbm>>
      tpu.wait_indirect_dma semaphore(%arg14 : memref<!tpu.dma_semaphore, #tpu.memory_space<semaphore_mem>>) src(%dma_wait3A_171 : memref<40960x128xf32, #tpu.memory_space<hbm>>) dst(%arg12 : memref<128x128xf32, #tpu.memory_space<vmem>>)
      %mul3A_172 = arith.constant 1 : i32
      %mul3A_173 = arith.muli %while3A_86, %mul3A_172 : i32
      %add3A_174 = arith.constant 0 : i32
      %add3A_175 = arith.addi %mul3A_173, %add3A_174 : i32
      "tpu.region"() ({
        %run_scoped3A_176 = tpu.sem_alloc : memref<!tpu.dma_semaphore, #tpu.memory_space<semaphore_mem>>
        %dma_start3A_177 = arith.constant 0 : i32
        %dma_start3A_178 = tpu.memref_slice %arg10[%add3A_175, %dma_start3A_177] : memref<64x128xi32, #tpu.memory_space<vmem>> -> memref<1x128xi32, #tpu.memory_space<vmem>>
        %dma_start3A_179 = tpu.memref_squeeze %dma_start3A_178 : memref<1x128xi32, #tpu.memory_space<vmem>> -> memref<128xi32, #tpu.memory_space<vmem>>
        %dma_start3A_180 = arith.constant 0 : i32
        %dma_start3A_181 = arith.constant 0 : i32
        %dma_start3A_182 = tpu.memref_slice %arg13[%dma_start3A_180, %dma_start3A_181] : memref<10240x128xf32, #tpu.memory_space<vmem_shared>> -> memref<10240x128xf32, #tpu.memory_space<vmem_shared>>
        tpu.enqueue_indirect_dma source(%arg12 : memref<128x128xf32, #tpu.memory_space<vmem>>) target(%dma_start3A_182 : memref<10240x128xf32, #tpu.memory_space<vmem_shared>>) offsets(%dma_start3A_179 : memref<128xi32, #tpu.memory_space<vmem>>) semaphore(%run_scoped3A_176 : memref<!tpu.dma_semaphore, #tpu.memory_space<semaphore_mem>>) {add = true}
        %dma_wait3A_183 = arith.constant 0 : i32
        %dma_wait3A_184 = tpu.memref_slice %arg10[%add3A_175, %dma_wait3A_183] : memref<64x128xi32, #tpu.memory_space<vmem>> -> memref<1x128xi32, #tpu.memory_space<vmem>>
        %dma_wait3A_185 = tpu.memref_squeeze %dma_wait3A_184 : memref<1x128xi32, #tpu.memory_space<vmem>> -> memref<128xi32, #tpu.memory_space<vmem>>
        %dma_wait3A_186 = arith.constant 0 : i32
        %dma_wait3A_187 = arith.constant 0 : i32
        %dma_wait3A_188 = tpu.memref_slice %arg13[%dma_wait3A_186, %dma_wait3A_187] : memref<10240x128xf32, #tpu.memory_space<vmem_shared>> -> memref<10240x128xf32, #tpu.memory_space<vmem_shared>>
        tpu.wait_indirect_dma semaphore(%run_scoped3A_176 : memref<!tpu.dma_semaphore, #tpu.memory_space<semaphore_mem>>) src(%arg12 : memref<128x128xf32, #tpu.memory_space<vmem>>) dst(%dma_wait3A_188 : memref<10240x128xf32, #tpu.memory_space<vmem_shared>>)
        tpu.yield
      }) : () -> ()
    }
    %barrier3A_21 = arith.constant 0 : index
    tpu.barrier barrier_id(%barrier3A_21)
    %mul3A_22 = arith.constant 640 : i32
    %mul3A_23 = arith.muli %arg1, %mul3A_22 : i32
    %mul3A_24 = arith.constant 640 : i32
    %mul3A_25 = arith.muli %arg1, %mul3A_24 : i32
    %run_scoped3A = arith.constant 0 : i32
    "tpu.region"() ({
      %run_scoped3A_86 = tpu.sem_alloc : memref<!tpu.dma_semaphore, #tpu.memory_space<semaphore_mem>>
      %dma_start3A = arith.constant 0 : i32
      %dma_start3A_87 = tpu.memref_slice %arg8[%arg0, %run_scoped3A, %mul3A_25, %dma_start3A] : memref<2x4x10240x128xf32, #tpu.memory_space<hbm>> -> memref<1x1x640x128xf32, #tpu.memory_space<hbm>>
      %dma_start3A_88 = tpu.memref_squeeze %dma_start3A_87 : memref<1x1x640x128xf32, #tpu.memory_space<hbm>> -> memref<640x128xf32, #tpu.memory_space<hbm>>
      %dma_start3A_89 = arith.constant 0 : i32
      %dma_start3A_90 = tpu.memref_slice %arg13[%mul3A_23, %dma_start3A_89] : memref<10240x128xf32, #tpu.memory_space<vmem_shared>> -> memref<640x128xf32, #tpu.memory_space<vmem_shared>>
      tpu.enqueue_dma source(%dma_start3A_90 : memref<640x128xf32, #tpu.memory_space<vmem_shared>>) target(%dma_start3A_88 : memref<640x128xf32, #tpu.memory_space<hbm>>) target_semaphore(%run_scoped3A_86 : memref<!tpu.dma_semaphore, #tpu.memory_space<semaphore_mem>>)
      %dma_wait3A = arith.constant 0 : i32
      %dma_wait3A_91 = tpu.memref_slice %arg8[%arg0, %run_scoped3A, %mul3A_25, %dma_wait3A] : memref<2x4x10240x128xf32, #tpu.memory_space<hbm>> -> memref<1x1x640x128xf32, #tpu.memory_space<hbm>>
      %dma_wait3A_92 = tpu.memref_squeeze %dma_wait3A_91 : memref<1x1x640x128xf32, #tpu.memory_space<hbm>> -> memref<640x128xf32, #tpu.memory_space<hbm>>
      %dma_wait3A_93 = arith.constant 0 : i32
      %dma_wait3A_94 = tpu.memref_slice %arg13[%mul3A_23, %dma_wait3A_93] : memref<10240x128xf32, #tpu.memory_space<vmem_shared>> -> memref<640x128xf32, #tpu.memory_space<vmem_shared>>
      tpu.wait_dma2 semaphore(%run_scoped3A_86 : memref<!tpu.dma_semaphore, #tpu.memory_space<semaphore_mem>>) src(%dma_wait3A_94 : memref<640x128xf32, #tpu.memory_space<vmem_shared>>) dst(%dma_wait3A_92 : memref<640x128xf32, #tpu.memory_space<hbm>>)
      tpu.yield
    }) : () -> ()
    %mul3A_26 = arith.constant 640 : i32
    %mul3A_27 = arith.muli %arg1, %mul3A_26 : i32
    "tpu.region"() ({
      %run_scoped3A_86 = tpu.sem_alloc : memref<!tpu.dma_semaphore, #tpu.memory_space<semaphore_mem>>
      %dma_start3A = arith.constant 0 : i32
      %dma_start3A_87 = tpu.memref_slice %arg13[%mul3A_27, %dma_start3A] : memref<10240x128xf32, #tpu.memory_space<vmem_shared>> -> memref<640x128xf32, #tpu.memory_space<vmem_shared>>
      tpu.enqueue_dma source(%arg7 : memref<640x128xf32, #tpu.memory_space<hbm>>) target(%dma_start3A_87 : memref<640x128xf32, #tpu.memory_space<vmem_shared>>) target_semaphore(%run_scoped3A_86 : memref<!tpu.dma_semaphore, #tpu.memory_space<semaphore_mem>>)
      %dma_wait3A = arith.constant 0 : i32
      %dma_wait3A_88 = tpu.memref_slice %arg13[%mul3A_27, %dma_wait3A] : memref<10240x128xf32, #tpu.memory_space<vmem_shared>> -> memref<640x128xf32, #tpu.memory_space<vmem_shared>>
      tpu.wait_dma2 semaphore(%run_scoped3A_86 : memref<!tpu.dma_semaphore, #tpu.memory_space<semaphore_mem>>) src(%arg7 : memref<640x128xf32, #tpu.memory_space<hbm>>) dst(%dma_wait3A_88 : memref<640x128xf32, #tpu.memory_space<vmem_shared>>)
      tpu.yield
    }) : () -> ()
    %barrier3A_28 = arith.constant 0 : index
    tpu.barrier barrier_id(%barrier3A_28)
    %while3A_29 = arith.constant 0 : i32
    %while3A_30 = arith.constant 10240 : i32
    %while3A_31 = arith.constant 0 : i32
    %while3A_32 = arith.subi %select_n3A, %while3A_31 : i32
    %while3A_33 = arith.addi %while3A_31, %while3A_32 : i32
    %while3A_34 = arith.constant 1 : i32
    %while3A_35 = arith.divsi %while3A_32, %while3A_34 : i32
    %while3A_36 = arith.muli %while3A_35, %while3A_34 : i32
    %while3A_37 = arith.addi %while3A_31, %while3A_36 : i32
    %while3A_38 = arith.constant 1 : i32
    scf.for %while3A_86 = %while3A_31 to %while3A_37 step %while3A_38  : i32 {
      %mul3A_87 = arith.constant 1 : i32
      %mul3A_88 = arith.muli %while3A_86, %mul3A_87 : i32
      %add3A = arith.constant 0 : i32
      %add3A_89 = arith.addi %mul3A_88, %add3A : i32
      %get3A = arith.index_cast %add3A_89 : i32 to index
      %get3A_90 = arith.constant 0 : index
      %get3A_91 = tpu.vector_load %arg9[%get3A, %get3A_90] {strides = array<i32>} : memref<64x128xi32, #tpu.memory_space<vmem>>, vector<1x16xi32>,
      %get3A_92 = vector.shape_cast %get3A_91 : vector<1x16xi32> to vector<16xi32>
      %add3A_93 = vector.broadcast %while3A_30 : i32 to vector<16xi32>
      %add3A_94 = arith.addi %get3A_92, %add3A_93 : vector<16xi32>
      %swap3A = arith.constant 0 : index
      %swap3A_95 = tpu.vector_load %arg11[%swap3A] {strides = array<i32>} : memref<128xi32, #tpu.memory_space<vmem>>, vector<16xi32>,
      %swap3A_96 = vector.shape_cast %swap3A_95 : vector<16xi32> to vector<16xi32>
      %swap3A_97 = vector.shape_cast %add3A_94 : vector<16xi32> to vector<16xi32>
      tpu.vector_store %arg11[%swap3A], %swap3A_97 {strides = array<i32>} : memref<128xi32, #tpu.memory_space<vmem>>, vector<16xi32>,
      %get3A_98 = arith.index_cast %add3A_89 : i32 to index
      %get3A_99 = arith.constant 16 : index
      %get3A_100 = tpu.vector_load %arg9[%get3A_98, %get3A_99] {strides = array<i32>} : memref<64x128xi32, #tpu.memory_space<vmem>>, vector<1x16xi32>,
      %get3A_101 = vector.shape_cast %get3A_100 : vector<1x16xi32> to vector<16xi32>
      %add3A_102 = vector.broadcast %while3A_30 : i32 to vector<16xi32>
      %add3A_103 = arith.addi %get3A_101, %add3A_102 : vector<16xi32>
      %swap3A_104 = arith.constant 16 : index
      %swap3A_105 = tpu.vector_load %arg11[%swap3A_104] {strides = array<i32>} : memref<128xi32, #tpu.memory_space<vmem>>, vector<16xi32>,
      %swap3A_106 = vector.shape_cast %swap3A_105 : vector<16xi32> to vector<16xi32>
      %swap3A_107 = vector.shape_cast %add3A_103 : vector<16xi32> to vector<16xi32>
      tpu.vector_store %arg11[%swap3A_104], %swap3A_107 {strides = array<i32>} : memref<128xi32, #tpu.memory_space<vmem>>, vector<16xi32>,
      %get3A_108 = arith.index_cast %add3A_89 : i32 to index
      %get3A_109 = arith.constant 32 : index
      %get3A_110 = tpu.vector_load %arg9[%get3A_108, %get3A_109] {strides = array<i32>} : memref<64x128xi32, #tpu.memory_space<vmem>>, vector<1x16xi32>,
      %get3A_111 = vector.shape_cast %get3A_110 : vector<1x16xi32> to vector<16xi32>
      %add3A_112 = vector.broadcast %while3A_30 : i32 to vector<16xi32>
      %add3A_113 = arith.addi %get3A_111, %add3A_112 : vector<16xi32>
      %swap3A_114 = arith.constant 32 : index
      %swap3A_115 = tpu.vector_load %arg11[%swap3A_114] {strides = array<i32>} : memref<128xi32, #tpu.memory_space<vmem>>, vector<16xi32>,
      %swap3A_116 = vector.shape_cast %swap3A_115 : vector<16xi32> to vector<16xi32>
      %swap3A_117 = vector.shape_cast %add3A_113 : vector<16xi32> to vector<16xi32>
      tpu.vector_store %arg11[%swap3A_114], %swap3A_117 {strides = array<i32>} : memref<128xi32, #tpu.memory_space<vmem>>, vector<16xi32>,
      %get3A_118 = arith.index_cast %add3A_89 : i32 to index
      %get3A_119 = arith.constant 48 : index
      %get3A_120 = tpu.vector_load %arg9[%get3A_118, %get3A_119] {strides = array<i32>} : memref<64x128xi32, #tpu.memory_space<vmem>>, vector<1x16xi32>,
      %get3A_121 = vector.shape_cast %get3A_120 : vector<1x16xi32> to vector<16xi32>
      %add3A_122 = vector.broadcast %while3A_30 : i32 to vector<16xi32>
      %add3A_123 = arith.addi %get3A_121, %add3A_122 : vector<16xi32>
      %swap3A_124 = arith.constant 48 : index
      %swap3A_125 = tpu.vector_load %arg11[%swap3A_124] {strides = array<i32>} : memref<128xi32, #tpu.memory_space<vmem>>, vector<16xi32>,
      %swap3A_126 = vector.shape_cast %swap3A_125 : vector<16xi32> to vector<16xi32>
      %swap3A_127 = vector.shape_cast %add3A_123 : vector<16xi32> to vector<16xi32>
      tpu.vector_store %arg11[%swap3A_124], %swap3A_127 {strides = array<i32>} : memref<128xi32, #tpu.memory_space<vmem>>, vector<16xi32>,
      %get3A_128 = arith.index_cast %add3A_89 : i32 to index
      %get3A_129 = arith.constant 64 : index
      %get3A_130 = tpu.vector_load %arg9[%get3A_128, %get3A_129] {strides = array<i32>} : memref<64x128xi32, #tpu.memory_space<vmem>>, vector<1x16xi32>,
      %get3A_131 = vector.shape_cast %get3A_130 : vector<1x16xi32> to vector<16xi32>
      %add3A_132 = vector.broadcast %while3A_30 : i32 to vector<16xi32>
      %add3A_133 = arith.addi %get3A_131, %add3A_132 : vector<16xi32>
      %swap3A_134 = arith.constant 64 : index
      %swap3A_135 = tpu.vector_load %arg11[%swap3A_134] {strides = array<i32>} : memref<128xi32, #tpu.memory_space<vmem>>, vector<16xi32>,
      %swap3A_136 = vector.shape_cast %swap3A_135 : vector<16xi32> to vector<16xi32>
      %swap3A_137 = vector.shape_cast %add3A_133 : vector<16xi32> to vector<16xi32>
      tpu.vector_store %arg11[%swap3A_134], %swap3A_137 {strides = array<i32>} : memref<128xi32, #tpu.memory_space<vmem>>, vector<16xi32>,
      %get3A_138 = arith.index_cast %add3A_89 : i32 to index
      %get3A_139 = arith.constant 80 : index
      %get3A_140 = tpu.vector_load %arg9[%get3A_138, %get3A_139] {strides = array<i32>} : memref<64x128xi32, #tpu.memory_space<vmem>>, vector<1x16xi32>,
      %get3A_141 = vector.shape_cast %get3A_140 : vector<1x16xi32> to vector<16xi32>
      %add3A_142 = vector.broadcast %while3A_30 : i32 to vector<16xi32>
      %add3A_143 = arith.addi %get3A_141, %add3A_142 : vector<16xi32>
      %swap3A_144 = arith.constant 80 : index
      %swap3A_145 = tpu.vector_load %arg11[%swap3A_144] {strides = array<i32>} : memref<128xi32, #tpu.memory_space<vmem>>, vector<16xi32>,
      %swap3A_146 = vector.shape_cast %swap3A_145 : vector<16xi32> to vector<16xi32>
      %swap3A_147 = vector.shape_cast %add3A_143 : vector<16xi32> to vector<16xi32>
      tpu.vector_store %arg11[%swap3A_144], %swap3A_147 {strides = array<i32>} : memref<128xi32, #tpu.memory_space<vmem>>, vector<16xi32>,
      %get3A_148 = arith.index_cast %add3A_89 : i32 to index
      %get3A_149 = arith.constant 96 : index
      %get3A_150 = tpu.vector_load %arg9[%get3A_148, %get3A_149] {strides = array<i32>} : memref<64x128xi32, #tpu.memory_space<vmem>>, vector<1x16xi32>,
      %get3A_151 = vector.shape_cast %get3A_150 : vector<1x16xi32> to vector<16xi32>
      %add3A_152 = vector.broadcast %while3A_30 : i32 to vector<16xi32>
      %add3A_153 = arith.addi %get3A_151, %add3A_152 : vector<16xi32>
      %swap3A_154 = arith.constant 96 : index
      %swap3A_155 = tpu.vector_load %arg11[%swap3A_154] {strides = array<i32>} : memref<128xi32, #tpu.memory_space<vmem>>, vector<16xi32>,
      %swap3A_156 = vector.shape_cast %swap3A_155 : vector<16xi32> to vector<16xi32>
      %swap3A_157 = vector.shape_cast %add3A_153 : vector<16xi32> to vector<16xi32>
      tpu.vector_store %arg11[%swap3A_154], %swap3A_157 {strides = array<i32>} : memref<128xi32, #tpu.memory_space<vmem>>, vector<16xi32>,
      %get3A_158 = arith.index_cast %add3A_89 : i32 to index
      %get3A_159 = arith.constant 112 : index
      %get3A_160 = tpu.vector_load %arg9[%get3A_158, %get3A_159] {strides = array<i32>} : memref<64x128xi32, #tpu.memory_space<vmem>>, vector<1x16xi32>,
      %get3A_161 = vector.shape_cast %get3A_160 : vector<1x16xi32> to vector<16xi32>
      %add3A_162 = vector.broadcast %while3A_30 : i32 to vector<16xi32>
      %add3A_163 = arith.addi %get3A_161, %add3A_162 : vector<16xi32>
      %swap3A_164 = arith.constant 112 : index
      %swap3A_165 = tpu.vector_load %arg11[%swap3A_164] {strides = array<i32>} : memref<128xi32, #tpu.memory_space<vmem>>, vector<16xi32>,
      %swap3A_166 = vector.shape_cast %swap3A_165 : vector<16xi32> to vector<16xi32>
      %swap3A_167 = vector.shape_cast %add3A_163 : vector<16xi32> to vector<16xi32>
      tpu.vector_store %arg11[%swap3A_164], %swap3A_167 {strides = array<i32>} : memref<128xi32, #tpu.memory_space<vmem>>, vector<16xi32>,
      %dma_start3A = arith.constant 0 : i32
      %dma_start3A_168 = arith.constant 0 : i32
      %dma_start3A_169 = tpu.memref_slice %arg2[%dma_start3A, %dma_start3A_168] : memref<40960x128xf32, #tpu.memory_space<hbm>> -> memref<40960x128xf32, #tpu.memory_space<hbm>>
      tpu.enqueue_indirect_dma source(%dma_start3A_169 : memref<40960x128xf32, #tpu.memory_space<hbm>>) target(%arg12 : memref<128x128xf32, #tpu.memory_space<vmem>>) offsets(%arg11 : memref<128xi32, #tpu.memory_space<vmem>>) semaphore(%arg14 : memref<!tpu.dma_semaphore, #tpu.memory_space<semaphore_mem>>)
      %dma_wait3A = arith.constant 0 : i32
      %dma_wait3A_170 = arith.constant 0 : i32
      %dma_wait3A_171 = tpu.memref_slice %arg2[%dma_wait3A, %dma_wait3A_170] : memref<40960x128xf32, #tpu.memory_space<hbm>> -> memref<40960x128xf32, #tpu.memory_space<hbm>>
      tpu.wait_indirect_dma semaphore(%arg14 : memref<!tpu.dma_semaphore, #tpu.memory_space<semaphore_mem>>) src(%dma_wait3A_171 : memref<40960x128xf32, #tpu.memory_space<hbm>>) dst(%arg12 : memref<128x128xf32, #tpu.memory_space<vmem>>)
      %mul3A_172 = arith.constant 1 : i32
      %mul3A_173 = arith.muli %while3A_86, %mul3A_172 : i32
      %add3A_174 = arith.constant 0 : i32
      %add3A_175 = arith.addi %mul3A_173, %add3A_174 : i32
      "tpu.region"() ({
        %run_scoped3A_176 = tpu.sem_alloc : memref<!tpu.dma_semaphore, #tpu.memory_space<semaphore_mem>>
        %dma_start3A_177 = arith.constant 0 : i32
        %dma_start3A_178 = tpu.memref_slice %arg10[%add3A_175, %dma_start3A_177] : memref<64x128xi32, #tpu.memory_space<vmem>> -> memref<1x128xi32, #tpu.memory_space<vmem>>
        %dma_start3A_179 = tpu.memref_squeeze %dma_start3A_178 : memref<1x128xi32, #tpu.memory_space<vmem>> -> memref<128xi32, #tpu.memory_space<vmem>>
        %dma_start3A_180 = arith.constant 0 : i32
        %dma_start3A_181 = arith.constant 0 : i32
        %dma_start3A_182 = tpu.memref_slice %arg13[%dma_start3A_180, %dma_start3A_181] : memref<10240x128xf32, #tpu.memory_space<vmem_shared>> -> memref<10240x128xf32, #tpu.memory_space<vmem_shared>>
        tpu.enqueue_indirect_dma source(%arg12 : memref<128x128xf32, #tpu.memory_space<vmem>>) target(%dma_start3A_182 : memref<10240x128xf32, #tpu.memory_space<vmem_shared>>) offsets(%dma_start3A_179 : memref<128xi32, #tpu.memory_space<vmem>>) semaphore(%run_scoped3A_176 : memref<!tpu.dma_semaphore, #tpu.memory_space<semaphore_mem>>) {add = true}
        %dma_wait3A_183 = arith.constant 0 : i32
        %dma_wait3A_184 = tpu.memref_slice %arg10[%add3A_175, %dma_wait3A_183] : memref<64x128xi32, #tpu.memory_space<vmem>> -> memref<1x128xi32, #tpu.memory_space<vmem>>
        %dma_wait3A_185 = tpu.memref_squeeze %dma_wait3A_184 : memref<1x128xi32, #tpu.memory_space<vmem>> -> memref<128xi32, #tpu.memory_space<vmem>>
        %dma_wait3A_186 = arith.constant 0 : i32
        %dma_wait3A_187 = arith.constant 0 : i32
        %dma_wait3A_188 = tpu.memref_slice %arg13[%dma_wait3A_186, %dma_wait3A_187] : memref<10240x128xf32, #tpu.memory_space<vmem_shared>> -> memref<10240x128xf32, #tpu.memory_space<vmem_shared>>
        tpu.wait_indirect_dma semaphore(%run_scoped3A_176 : memref<!tpu.dma_semaphore, #tpu.memory_space<semaphore_mem>>) src(%arg12 : memref<128x128xf32, #tpu.memory_space<vmem>>) dst(%dma_wait3A_188 : memref<10240x128xf32, #tpu.memory_space<vmem_shared>>)
        tpu.yield
      }) : () -> ()
    }
    %while3A_39 = arith.constant 1 : i32
    scf.for %while3A_86 = %while3A_37 to %while3A_33 step %while3A_39  : i32 {
      %mul3A_87 = arith.constant 1 : i32
      %mul3A_88 = arith.muli %while3A_86, %mul3A_87 : i32
      %add3A = arith.constant 0 : i32
      %add3A_89 = arith.addi %mul3A_88, %add3A : i32
      %get3A = arith.index_cast %add3A_89 : i32 to index
      %get3A_90 = arith.constant 0 : index
      %get3A_91 = tpu.vector_load %arg9[%get3A, %get3A_90] {strides = array<i32>} : memref<64x128xi32, #tpu.memory_space<vmem>>, vector<1x16xi32>,
      %get3A_92 = vector.shape_cast %get3A_91 : vector<1x16xi32> to vector<16xi32>
      %add3A_93 = vector.broadcast %while3A_30 : i32 to vector<16xi32>
      %add3A_94 = arith.addi %get3A_92, %add3A_93 : vector<16xi32>
      %swap3A = arith.constant 0 : index
      %swap3A_95 = tpu.vector_load %arg11[%swap3A] {strides = array<i32>} : memref<128xi32, #tpu.memory_space<vmem>>, vector<16xi32>,
      %swap3A_96 = vector.shape_cast %swap3A_95 : vector<16xi32> to vector<16xi32>
      %swap3A_97 = vector.shape_cast %add3A_94 : vector<16xi32> to vector<16xi32>
      tpu.vector_store %arg11[%swap3A], %swap3A_97 {strides = array<i32>} : memref<128xi32, #tpu.memory_space<vmem>>, vector<16xi32>,
      %get3A_98 = arith.index_cast %add3A_89 : i32 to index
      %get3A_99 = arith.constant 16 : index
      %get3A_100 = tpu.vector_load %arg9[%get3A_98, %get3A_99] {strides = array<i32>} : memref<64x128xi32, #tpu.memory_space<vmem>>, vector<1x16xi32>,
      %get3A_101 = vector.shape_cast %get3A_100 : vector<1x16xi32> to vector<16xi32>
      %add3A_102 = vector.broadcast %while3A_30 : i32 to vector<16xi32>
      %add3A_103 = arith.addi %get3A_101, %add3A_102 : vector<16xi32>
      %swap3A_104 = arith.constant 16 : index
      %swap3A_105 = tpu.vector_load %arg11[%swap3A_104] {strides = array<i32>} : memref<128xi32, #tpu.memory_space<vmem>>, vector<16xi32>,
      %swap3A_106 = vector.shape_cast %swap3A_105 : vector<16xi32> to vector<16xi32>
      %swap3A_107 = vector.shape_cast %add3A_103 : vector<16xi32> to vector<16xi32>
      tpu.vector_store %arg11[%swap3A_104], %swap3A_107 {strides = array<i32>} : memref<128xi32, #tpu.memory_space<vmem>>, vector<16xi32>,
      %get3A_108 = arith.index_cast %add3A_89 : i32 to index
      %get3A_109 = arith.constant 32 : index
      %get3A_110 = tpu.vector_load %arg9[%get3A_108, %get3A_109] {strides = array<i32>} : memref<64x128xi32, #tpu.memory_space<vmem>>, vector<1x16xi32>,
      %get3A_111 = vector.shape_cast %get3A_110 : vector<1x16xi32> to vector<16xi32>
      %add3A_112 = vector.broadcast %while3A_30 : i32 to vector<16xi32>
      %add3A_113 = arith.addi %get3A_111, %add3A_112 : vector<16xi32>
      %swap3A_114 = arith.constant 32 : index
      %swap3A_115 = tpu.vector_load %arg11[%swap3A_114] {strides = array<i32>} : memref<128xi32, #tpu.memory_space<vmem>>, vector<16xi32>,
      %swap3A_116 = vector.shape_cast %swap3A_115 : vector<16xi32> to vector<16xi32>
      %swap3A_117 = vector.shape_cast %add3A_113 : vector<16xi32> to vector<16xi32>
      tpu.vector_store %arg11[%swap3A_114], %swap3A_117 {strides = array<i32>} : memref<128xi32, #tpu.memory_space<vmem>>, vector<16xi32>,
      %get3A_118 = arith.index_cast %add3A_89 : i32 to index
      %get3A_119 = arith.constant 48 : index
      %get3A_120 = tpu.vector_load %arg9[%get3A_118, %get3A_119] {strides = array<i32>} : memref<64x128xi32, #tpu.memory_space<vmem>>, vector<1x16xi32>,
      %get3A_121 = vector.shape_cast %get3A_120 : vector<1x16xi32> to vector<16xi32>
      %add3A_122 = vector.broadcast %while3A_30 : i32 to vector<16xi32>
      %add3A_123 = arith.addi %get3A_121, %add3A_122 : vector<16xi32>
      %swap3A_124 = arith.constant 48 : index
      %swap3A_125 = tpu.vector_load %arg11[%swap3A_124] {strides = array<i32>} : memref<128xi32, #tpu.memory_space<vmem>>, vector<16xi32>,
      %swap3A_126 = vector.shape_cast %swap3A_125 : vector<16xi32> to vector<16xi32>
      %swap3A_127 = vector.shape_cast %add3A_123 : vector<16xi32> to vector<16xi32>
      tpu.vector_store %arg11[%swap3A_124], %swap3A_127 {strides = array<i32>} : memref<128xi32, #tpu.memory_space<vmem>>, vector<16xi32>,
      %get3A_128 = arith.index_cast %add3A_89 : i32 to index
      %get3A_129 = arith.constant 64 : index
      %get3A_130 = tpu.vector_load %arg9[%get3A_128, %get3A_129] {strides = array<i32>} : memref<64x128xi32, #tpu.memory_space<vmem>>, vector<1x16xi32>,
      %get3A_131 = vector.shape_cast %get3A_130 : vector<1x16xi32> to vector<16xi32>
      %add3A_132 = vector.broadcast %while3A_30 : i32 to vector<16xi32>
      %add3A_133 = arith.addi %get3A_131, %add3A_132 : vector<16xi32>
      %swap3A_134 = arith.constant 64 : index
      %swap3A_135 = tpu.vector_load %arg11[%swap3A_134] {strides = array<i32>} : memref<128xi32, #tpu.memory_space<vmem>>, vector<16xi32>,
      %swap3A_136 = vector.shape_cast %swap3A_135 : vector<16xi32> to vector<16xi32>
      %swap3A_137 = vector.shape_cast %add3A_133 : vector<16xi32> to vector<16xi32>
      tpu.vector_store %arg11[%swap3A_134], %swap3A_137 {strides = array<i32>} : memref<128xi32, #tpu.memory_space<vmem>>, vector<16xi32>,
      %get3A_138 = arith.index_cast %add3A_89 : i32 to index
      %get3A_139 = arith.constant 80 : index
      %get3A_140 = tpu.vector_load %arg9[%get3A_138, %get3A_139] {strides = array<i32>} : memref<64x128xi32, #tpu.memory_space<vmem>>, vector<1x16xi32>,
      %get3A_141 = vector.shape_cast %get3A_140 : vector<1x16xi32> to vector<16xi32>
      %add3A_142 = vector.broadcast %while3A_30 : i32 to vector<16xi32>
      %add3A_143 = arith.addi %get3A_141, %add3A_142 : vector<16xi32>
      %swap3A_144 = arith.constant 80 : index
      %swap3A_145 = tpu.vector_load %arg11[%swap3A_144] {strides = array<i32>} : memref<128xi32, #tpu.memory_space<vmem>>, vector<16xi32>,
      %swap3A_146 = vector.shape_cast %swap3A_145 : vector<16xi32> to vector<16xi32>
      %swap3A_147 = vector.shape_cast %add3A_143 : vector<16xi32> to vector<16xi32>
      tpu.vector_store %arg11[%swap3A_144], %swap3A_147 {strides = array<i32>} : memref<128xi32, #tpu.memory_space<vmem>>, vector<16xi32>,
      %get3A_148 = arith.index_cast %add3A_89 : i32 to index
      %get3A_149 = arith.constant 96 : index
      %get3A_150 = tpu.vector_load %arg9[%get3A_148, %get3A_149] {strides = array<i32>} : memref<64x128xi32, #tpu.memory_space<vmem>>, vector<1x16xi32>,
      %get3A_151 = vector.shape_cast %get3A_150 : vector<1x16xi32> to vector<16xi32>
      %add3A_152 = vector.broadcast %while3A_30 : i32 to vector<16xi32>
      %add3A_153 = arith.addi %get3A_151, %add3A_152 : vector<16xi32>
      %swap3A_154 = arith.constant 96 : index
      %swap3A_155 = tpu.vector_load %arg11[%swap3A_154] {strides = array<i32>} : memref<128xi32, #tpu.memory_space<vmem>>, vector<16xi32>,
      %swap3A_156 = vector.shape_cast %swap3A_155 : vector<16xi32> to vector<16xi32>
      %swap3A_157 = vector.shape_cast %add3A_153 : vector<16xi32> to vector<16xi32>
      tpu.vector_store %arg11[%swap3A_154], %swap3A_157 {strides = array<i32>} : memref<128xi32, #tpu.memory_space<vmem>>, vector<16xi32>,
      %get3A_158 = arith.index_cast %add3A_89 : i32 to index
      %get3A_159 = arith.constant 112 : index
      %get3A_160 = tpu.vector_load %arg9[%get3A_158, %get3A_159] {strides = array<i32>} : memref<64x128xi32, #tpu.memory_space<vmem>>, vector<1x16xi32>,
      %get3A_161 = vector.shape_cast %get3A_160 : vector<1x16xi32> to vector<16xi32>
      %add3A_162 = vector.broadcast %while3A_30 : i32 to vector<16xi32>
      %add3A_163 = arith.addi %get3A_161, %add3A_162 : vector<16xi32>
      %swap3A_164 = arith.constant 112 : index
      %swap3A_165 = tpu.vector_load %arg11[%swap3A_164] {strides = array<i32>} : memref<128xi32, #tpu.memory_space<vmem>>, vector<16xi32>,
      %swap3A_166 = vector.shape_cast %swap3A_165 : vector<16xi32> to vector<16xi32>
      %swap3A_167 = vector.shape_cast %add3A_163 : vector<16xi32> to vector<16xi32>
      tpu.vector_store %arg11[%swap3A_164], %swap3A_167 {strides = array<i32>} : memref<128xi32, #tpu.memory_space<vmem>>, vector<16xi32>,
      %dma_start3A = arith.constant 0 : i32
      %dma_start3A_168 = arith.constant 0 : i32
      %dma_start3A_169 = tpu.memref_slice %arg2[%dma_start3A, %dma_start3A_168] : memref<40960x128xf32, #tpu.memory_space<hbm>> -> memref<40960x128xf32, #tpu.memory_space<hbm>>
      tpu.enqueue_indirect_dma source(%dma_start3A_169 : memref<40960x128xf32, #tpu.memory_space<hbm>>) target(%arg12 : memref<128x128xf32, #tpu.memory_space<vmem>>) offsets(%arg11 : memref<128xi32, #tpu.memory_space<vmem>>) semaphore(%arg14 : memref<!tpu.dma_semaphore, #tpu.memory_space<semaphore_mem>>)
      %dma_wait3A = arith.constant 0 : i32
      %dma_wait3A_170 = arith.constant 0 : i32
      %dma_wait3A_171 = tpu.memref_slice %arg2[%dma_wait3A, %dma_wait3A_170] : memref<40960x128xf32, #tpu.memory_space<hbm>> -> memref<40960x128xf32, #tpu.memory_space<hbm>>
      tpu.wait_indirect_dma semaphore(%arg14 : memref<!tpu.dma_semaphore, #tpu.memory_space<semaphore_mem>>) src(%dma_wait3A_171 : memref<40960x128xf32, #tpu.memory_space<hbm>>) dst(%arg12 : memref<128x128xf32, #tpu.memory_space<vmem>>)
      %mul3A_172 = arith.constant 1 : i32
      %mul3A_173 = arith.muli %while3A_86, %mul3A_172 : i32
      %add3A_174 = arith.constant 0 : i32
      %add3A_175 = arith.addi %mul3A_173, %add3A_174 : i32
      "tpu.region"() ({
        %run_scoped3A_176 = tpu.sem_alloc : memref<!tpu.dma_semaphore, #tpu.memory_space<semaphore_mem>>
        %dma_start3A_177 = arith.constant 0 : i32
        %dma_start3A_178 = tpu.memref_slice %arg10[%add3A_175, %dma_start3A_177] : memref<64x128xi32, #tpu.memory_space<vmem>> -> memref<1x128xi32, #tpu.memory_space<vmem>>
        %dma_start3A_179 = tpu.memref_squeeze %dma_start3A_178 : memref<1x128xi32, #tpu.memory_space<vmem>> -> memref<128xi32, #tpu.memory_space<vmem>>
        %dma_start3A_180 = arith.constant 0 : i32
        %dma_start3A_181 = arith.constant 0 : i32
        %dma_start3A_182 = tpu.memref_slice %arg13[%dma_start3A_180, %dma_start3A_181] : memref<10240x128xf32, #tpu.memory_space<vmem_shared>> -> memref<10240x128xf32, #tpu.memory_space<vmem_shared>>
        tpu.enqueue_indirect_dma source(%arg12 : memref<128x128xf32, #tpu.memory_space<vmem>>) target(%dma_start3A_182 : memref<10240x128xf32, #tpu.memory_space<vmem_shared>>) offsets(%dma_start3A_179 : memref<128xi32, #tpu.memory_space<vmem>>) semaphore(%run_scoped3A_176 : memref<!tpu.dma_semaphore, #tpu.memory_space<semaphore_mem>>) {add = true}
        %dma_wait3A_183 = arith.constant 0 : i32
        %dma_wait3A_184 = tpu.memref_slice %arg10[%add3A_175, %dma_wait3A_183] : memref<64x128xi32, #tpu.memory_space<vmem>> -> memref<1x128xi32, #tpu.memory_space<vmem>>
        %dma_wait3A_185 = tpu.memref_squeeze %dma_wait3A_184 : memref<1x128xi32, #tpu.memory_space<vmem>> -> memref<128xi32, #tpu.memory_space<vmem>>
        %dma_wait3A_186 = arith.constant 0 : i32
        %dma_wait3A_187 = arith.constant 0 : i32
        %dma_wait3A_188 = tpu.memref_slice %arg13[%dma_wait3A_186, %dma_wait3A_187] : memref<10240x128xf32, #tpu.memory_space<vmem_shared>> -> memref<10240x128xf32, #tpu.memory_space<vmem_shared>>
        tpu.wait_indirect_dma semaphore(%run_scoped3A_176 : memref<!tpu.dma_semaphore, #tpu.memory_space<semaphore_mem>>) src(%arg12 : memref<128x128xf32, #tpu.memory_space<vmem>>) dst(%dma_wait3A_188 : memref<10240x128xf32, #tpu.memory_space<vmem_shared>>)
        tpu.yield
      }) : () -> ()
    }
    %barrier3A_40 = arith.constant 0 : index
    tpu.barrier barrier_id(%barrier3A_40)
    %mul3A_41 = arith.constant 640 : i32
    %mul3A_42 = arith.muli %arg1, %mul3A_41 : i32
    %mul3A_43 = arith.constant 640 : i32
    %mul3A_44 = arith.muli %arg1, %mul3A_43 : i32
    %run_scoped3A_45 = arith.constant 1 : i32
    "tpu.region"() ({
      %run_scoped3A_86 = tpu.sem_alloc : memref<!tpu.dma_semaphore, #tpu.memory_space<semaphore_mem>>
      %dma_start3A = arith.constant 0 : i32
      %dma_start3A_87 = tpu.memref_slice %arg8[%arg0, %run_scoped3A_45, %mul3A_44, %dma_start3A] : memref<2x4x10240x128xf32, #tpu.memory_space<hbm>> -> memref<1x1x640x128xf32, #tpu.memory_space<hbm>>
      %dma_start3A_88 = tpu.memref_squeeze %dma_start3A_87 : memref<1x1x640x128xf32, #tpu.memory_space<hbm>> -> memref<640x128xf32, #tpu.memory_space<hbm>>
      %dma_start3A_89 = arith.constant 0 : i32
      %dma_start3A_90 = tpu.memref_slice %arg13[%mul3A_42, %dma_start3A_89] : memref<10240x128xf32, #tpu.memory_space<vmem_shared>> -> memref<640x128xf32, #tpu.memory_space<vmem_shared>>
      tpu.enqueue_dma source(%dma_start3A_90 : memref<640x128xf32, #tpu.memory_space<vmem_shared>>) target(%dma_start3A_88 : memref<640x128xf32, #tpu.memory_space<hbm>>) target_semaphore(%run_scoped3A_86 : memref<!tpu.dma_semaphore, #tpu.memory_space<semaphore_mem>>)
      %dma_wait3A = arith.constant 0 : i32
      %dma_wait3A_91 = tpu.memref_slice %arg8[%arg0, %run_scoped3A_45, %mul3A_44, %dma_wait3A] : memref<2x4x10240x128xf32, #tpu.memory_space<hbm>> -> memref<1x1x640x128xf32, #tpu.memory_space<hbm>>
      %dma_wait3A_92 = tpu.memref_squeeze %dma_wait3A_91 : memref<1x1x640x128xf32, #tpu.memory_space<hbm>> -> memref<640x128xf32, #tpu.memory_space<hbm>>
      %dma_wait3A_93 = arith.constant 0 : i32
      %dma_wait3A_94 = tpu.memref_slice %arg13[%mul3A_42, %dma_wait3A_93] : memref<10240x128xf32, #tpu.memory_space<vmem_shared>> -> memref<640x128xf32, #tpu.memory_space<vmem_shared>>
      tpu.wait_dma2 semaphore(%run_scoped3A_86 : memref<!tpu.dma_semaphore, #tpu.memory_space<semaphore_mem>>) src(%dma_wait3A_94 : memref<640x128xf32, #tpu.memory_space<vmem_shared>>) dst(%dma_wait3A_92 : memref<640x128xf32, #tpu.memory_space<hbm>>)
      tpu.yield
    }) : () -> ()
    %mul3A_46 = arith.constant 640 : i32
    %mul3A_47 = arith.muli %arg1, %mul3A_46 : i32
    "tpu.region"() ({
      %run_scoped3A_86 = tpu.sem_alloc : memref<!tpu.dma_semaphore, #tpu.memory_space<semaphore_mem>>
      %dma_start3A = arith.constant 0 : i32
      %dma_start3A_87 = tpu.memref_slice %arg13[%mul3A_47, %dma_start3A] : memref<10240x128xf32, #tpu.memory_space<vmem_shared>> -> memref<640x128xf32, #tpu.memory_space<vmem_shared>>
      tpu.enqueue_dma source(%arg7 : memref<640x128xf32, #tpu.memory_space<hbm>>) target(%dma_start3A_87 : memref<640x128xf32, #tpu.memory_space<vmem_shared>>) target_semaphore(%run_scoped3A_86 : memref<!tpu.dma_semaphore, #tpu.memory_space<semaphore_mem>>)
      %dma_wait3A = arith.constant 0 : i32
      %dma_wait3A_88 = tpu.memref_slice %arg13[%mul3A_47, %dma_wait3A] : memref<10240x128xf32, #tpu.memory_space<vmem_shared>> -> memref<640x128xf32, #tpu.memory_space<vmem_shared>>
      tpu.wait_dma2 semaphore(%run_scoped3A_86 : memref<!tpu.dma_semaphore, #tpu.memory_space<semaphore_mem>>) src(%arg7 : memref<640x128xf32, #tpu.memory_space<hbm>>) dst(%dma_wait3A_88 : memref<640x128xf32, #tpu.memory_space<vmem_shared>>)
      tpu.yield
    }) : () -> ()
    %barrier3A_48 = arith.constant 0 : index
    tpu.barrier barrier_id(%barrier3A_48)
    %while3A_49 = arith.constant 0 : i32
    %while3A_50 = arith.constant 20480 : i32
    %while3A_51 = arith.constant 0 : i32
    %while3A_52 = arith.subi %select_n3A, %while3A_51 : i32
    %while3A_53 = arith.addi %while3A_51, %while3A_52 : i32
    %while3A_54 = arith.constant 1 : i32
    %while3A_55 = arith.divsi %while3A_52, %while3A_54 : i32
    %while3A_56 = arith.muli %while3A_55, %while3A_54 : i32
    %while3A_57 = arith.addi %while3A_51, %while3A_56 : i32
    %while3A_58 = arith.constant 1 : i32
    scf.for %while3A_86 = %while3A_51 to %while3A_57 step %while3A_58  : i32 {
      %mul3A_87 = arith.constant 1 : i32
      %mul3A_88 = arith.muli %while3A_86, %mul3A_87 : i32
      %add3A = arith.constant 0 : i32
      %add3A_89 = arith.addi %mul3A_88, %add3A : i32
      %get3A = arith.index_cast %add3A_89 : i32 to index
      %get3A_90 = arith.constant 0 : index
      %get3A_91 = tpu.vector_load %arg9[%get3A, %get3A_90] {strides = array<i32>} : memref<64x128xi32, #tpu.memory_space<vmem>>, vector<1x16xi32>,
      %get3A_92 = vector.shape_cast %get3A_91 : vector<1x16xi32> to vector<16xi32>
      %add3A_93 = vector.broadcast %while3A_50 : i32 to vector<16xi32>
      %add3A_94 = arith.addi %get3A_92, %add3A_93 : vector<16xi32>
      %swap3A = arith.constant 0 : index
      %swap3A_95 = tpu.vector_load %arg11[%swap3A] {strides = array<i32>} : memref<128xi32, #tpu.memory_space<vmem>>, vector<16xi32>,
      %swap3A_96 = vector.shape_cast %swap3A_95 : vector<16xi32> to vector<16xi32>
      %swap3A_97 = vector.shape_cast %add3A_94 : vector<16xi32> to vector<16xi32>
      tpu.vector_store %arg11[%swap3A], %swap3A_97 {strides = array<i32>} : memref<128xi32, #tpu.memory_space<vmem>>, vector<16xi32>,
      %get3A_98 = arith.index_cast %add3A_89 : i32 to index
      %get3A_99 = arith.constant 16 : index
      %get3A_100 = tpu.vector_load %arg9[%get3A_98, %get3A_99] {strides = array<i32>} : memref<64x128xi32, #tpu.memory_space<vmem>>, vector<1x16xi32>,
      %get3A_101 = vector.shape_cast %get3A_100 : vector<1x16xi32> to vector<16xi32>
      %add3A_102 = vector.broadcast %while3A_50 : i32 to vector<16xi32>
      %add3A_103 = arith.addi %get3A_101, %add3A_102 : vector<16xi32>
      %swap3A_104 = arith.constant 16 : index
      %swap3A_105 = tpu.vector_load %arg11[%swap3A_104] {strides = array<i32>} : memref<128xi32, #tpu.memory_space<vmem>>, vector<16xi32>,
      %swap3A_106 = vector.shape_cast %swap3A_105 : vector<16xi32> to vector<16xi32>
      %swap3A_107 = vector.shape_cast %add3A_103 : vector<16xi32> to vector<16xi32>
      tpu.vector_store %arg11[%swap3A_104], %swap3A_107 {strides = array<i32>} : memref<128xi32, #tpu.memory_space<vmem>>, vector<16xi32>,
      %get3A_108 = arith.index_cast %add3A_89 : i32 to index
      %get3A_109 = arith.constant 32 : index
      %get3A_110 = tpu.vector_load %arg9[%get3A_108, %get3A_109] {strides = array<i32>} : memref<64x128xi32, #tpu.memory_space<vmem>>, vector<1x16xi32>,
      %get3A_111 = vector.shape_cast %get3A_110 : vector<1x16xi32> to vector<16xi32>
      %add3A_112 = vector.broadcast %while3A_50 : i32 to vector<16xi32>
      %add3A_113 = arith.addi %get3A_111, %add3A_112 : vector<16xi32>
      %swap3A_114 = arith.constant 32 : index
      %swap3A_115 = tpu.vector_load %arg11[%swap3A_114] {strides = array<i32>} : memref<128xi32, #tpu.memory_space<vmem>>, vector<16xi32>,
      %swap3A_116 = vector.shape_cast %swap3A_115 : vector<16xi32> to vector<16xi32>
      %swap3A_117 = vector.shape_cast %add3A_113 : vector<16xi32> to vector<16xi32>
      tpu.vector_store %arg11[%swap3A_114], %swap3A_117 {strides = array<i32>} : memref<128xi32, #tpu.memory_space<vmem>>, vector<16xi32>,
      %get3A_118 = arith.index_cast %add3A_89 : i32 to index
      %get3A_119 = arith.constant 48 : index
      %get3A_120 = tpu.vector_load %arg9[%get3A_118, %get3A_119] {strides = array<i32>} : memref<64x128xi32, #tpu.memory_space<vmem>>, vector<1x16xi32>,
      %get3A_121 = vector.shape_cast %get3A_120 : vector<1x16xi32> to vector<16xi32>
      %add3A_122 = vector.broadcast %while3A_50 : i32 to vector<16xi32>
      %add3A_123 = arith.addi %get3A_121, %add3A_122 : vector<16xi32>
      %swap3A_124 = arith.constant 48 : index
      %swap3A_125 = tpu.vector_load %arg11[%swap3A_124] {strides = array<i32>} : memref<128xi32, #tpu.memory_space<vmem>>, vector<16xi32>,
      %swap3A_126 = vector.shape_cast %swap3A_125 : vector<16xi32> to vector<16xi32>
      %swap3A_127 = vector.shape_cast %add3A_123 : vector<16xi32> to vector<16xi32>
      tpu.vector_store %arg11[%swap3A_124], %swap3A_127 {strides = array<i32>} : memref<128xi32, #tpu.memory_space<vmem>>, vector<16xi32>,
      %get3A_128 = arith.index_cast %add3A_89 : i32 to index
      %get3A_129 = arith.constant 64 : index
      %get3A_130 = tpu.vector_load %arg9[%get3A_128, %get3A_129] {strides = array<i32>} : memref<64x128xi32, #tpu.memory_space<vmem>>, vector<1x16xi32>,
      %get3A_131 = vector.shape_cast %get3A_130 : vector<1x16xi32> to vector<16xi32>
      %add3A_132 = vector.broadcast %while3A_50 : i32 to vector<16xi32>
      %add3A_133 = arith.addi %get3A_131, %add3A_132 : vector<16xi32>
      %swap3A_134 = arith.constant 64 : index
      %swap3A_135 = tpu.vector_load %arg11[%swap3A_134] {strides = array<i32>} : memref<128xi32, #tpu.memory_space<vmem>>, vector<16xi32>,
      %swap3A_136 = vector.shape_cast %swap3A_135 : vector<16xi32> to vector<16xi32>
      %swap3A_137 = vector.shape_cast %add3A_133 : vector<16xi32> to vector<16xi32>
      tpu.vector_store %arg11[%swap3A_134], %swap3A_137 {strides = array<i32>} : memref<128xi32, #tpu.memory_space<vmem>>, vector<16xi32>,
      %get3A_138 = arith.index_cast %add3A_89 : i32 to index
      %get3A_139 = arith.constant 80 : index
      %get3A_140 = tpu.vector_load %arg9[%get3A_138, %get3A_139] {strides = array<i32>} : memref<64x128xi32, #tpu.memory_space<vmem>>, vector<1x16xi32>,
      %get3A_141 = vector.shape_cast %get3A_140 : vector<1x16xi32> to vector<16xi32>
      %add3A_142 = vector.broadcast %while3A_50 : i32 to vector<16xi32>
      %add3A_143 = arith.addi %get3A_141, %add3A_142 : vector<16xi32>
      %swap3A_144 = arith.constant 80 : index
      %swap3A_145 = tpu.vector_load %arg11[%swap3A_144] {strides = array<i32>} : memref<128xi32, #tpu.memory_space<vmem>>, vector<16xi32>,
      %swap3A_146 = vector.shape_cast %swap3A_145 : vector<16xi32> to vector<16xi32>
      %swap3A_147 = vector.shape_cast %add3A_143 : vector<16xi32> to vector<16xi32>
      tpu.vector_store %arg11[%swap3A_144], %swap3A_147 {strides = array<i32>} : memref<128xi32, #tpu.memory_space<vmem>>, vector<16xi32>,
      %get3A_148 = arith.index_cast %add3A_89 : i32 to index
      %get3A_149 = arith.constant 96 : index
      %get3A_150 = tpu.vector_load %arg9[%get3A_148, %get3A_149] {strides = array<i32>} : memref<64x128xi32, #tpu.memory_space<vmem>>, vector<1x16xi32>,
      %get3A_151 = vector.shape_cast %get3A_150 : vector<1x16xi32> to vector<16xi32>
      %add3A_152 = vector.broadcast %while3A_50 : i32 to vector<16xi32>
      %add3A_153 = arith.addi %get3A_151, %add3A_152 : vector<16xi32>
      %swap3A_154 = arith.constant 96 : index
      %swap3A_155 = tpu.vector_load %arg11[%swap3A_154] {strides = array<i32>} : memref<128xi32, #tpu.memory_space<vmem>>, vector<16xi32>,
      %swap3A_156 = vector.shape_cast %swap3A_155 : vector<16xi32> to vector<16xi32>
      %swap3A_157 = vector.shape_cast %add3A_153 : vector<16xi32> to vector<16xi32>
      tpu.vector_store %arg11[%swap3A_154], %swap3A_157 {strides = array<i32>} : memref<128xi32, #tpu.memory_space<vmem>>, vector<16xi32>,
      %get3A_158 = arith.index_cast %add3A_89 : i32 to index
      %get3A_159 = arith.constant 112 : index
      %get3A_160 = tpu.vector_load %arg9[%get3A_158, %get3A_159] {strides = array<i32>} : memref<64x128xi32, #tpu.memory_space<vmem>>, vector<1x16xi32>,
      %get3A_161 = vector.shape_cast %get3A_160 : vector<1x16xi32> to vector<16xi32>
      %add3A_162 = vector.broadcast %while3A_50 : i32 to vector<16xi32>
      %add3A_163 = arith.addi %get3A_161, %add3A_162 : vector<16xi32>
      %swap3A_164 = arith.constant 112 : index
      %swap3A_165 = tpu.vector_load %arg11[%swap3A_164] {strides = array<i32>} : memref<128xi32, #tpu.memory_space<vmem>>, vector<16xi32>,
      %swap3A_166 = vector.shape_cast %swap3A_165 : vector<16xi32> to vector<16xi32>
      %swap3A_167 = vector.shape_cast %add3A_163 : vector<16xi32> to vector<16xi32>
      tpu.vector_store %arg11[%swap3A_164], %swap3A_167 {strides = array<i32>} : memref<128xi32, #tpu.memory_space<vmem>>, vector<16xi32>,
      %dma_start3A = arith.constant 0 : i32
      %dma_start3A_168 = arith.constant 0 : i32
      %dma_start3A_169 = tpu.memref_slice %arg2[%dma_start3A, %dma_start3A_168] : memref<40960x128xf32, #tpu.memory_space<hbm>> -> memref<40960x128xf32, #tpu.memory_space<hbm>>
      tpu.enqueue_indirect_dma source(%dma_start3A_169 : memref<40960x128xf32, #tpu.memory_space<hbm>>) target(%arg12 : memref<128x128xf32, #tpu.memory_space<vmem>>) offsets(%arg11 : memref<128xi32, #tpu.memory_space<vmem>>) semaphore(%arg14 : memref<!tpu.dma_semaphore, #tpu.memory_space<semaphore_mem>>)
      %dma_wait3A = arith.constant 0 : i32
      %dma_wait3A_170 = arith.constant 0 : i32
      %dma_wait3A_171 = tpu.memref_slice %arg2[%dma_wait3A, %dma_wait3A_170] : memref<40960x128xf32, #tpu.memory_space<hbm>> -> memref<40960x128xf32, #tpu.memory_space<hbm>>
      tpu.wait_indirect_dma semaphore(%arg14 : memref<!tpu.dma_semaphore, #tpu.memory_space<semaphore_mem>>) src(%dma_wait3A_171 : memref<40960x128xf32, #tpu.memory_space<hbm>>) dst(%arg12 : memref<128x128xf32, #tpu.memory_space<vmem>>)
      %mul3A_172 = arith.constant 1 : i32
      %mul3A_173 = arith.muli %while3A_86, %mul3A_172 : i32
      %add3A_174 = arith.constant 0 : i32
      %add3A_175 = arith.addi %mul3A_173, %add3A_174 : i32
      "tpu.region"() ({
        %run_scoped3A_176 = tpu.sem_alloc : memref<!tpu.dma_semaphore, #tpu.memory_space<semaphore_mem>>
        %dma_start3A_177 = arith.constant 0 : i32
        %dma_start3A_178 = tpu.memref_slice %arg10[%add3A_175, %dma_start3A_177] : memref<64x128xi32, #tpu.memory_space<vmem>> -> memref<1x128xi32, #tpu.memory_space<vmem>>
        %dma_start3A_179 = tpu.memref_squeeze %dma_start3A_178 : memref<1x128xi32, #tpu.memory_space<vmem>> -> memref<128xi32, #tpu.memory_space<vmem>>
        %dma_start3A_180 = arith.constant 0 : i32
        %dma_start3A_181 = arith.constant 0 : i32
        %dma_start3A_182 = tpu.memref_slice %arg13[%dma_start3A_180, %dma_start3A_181] : memref<10240x128xf32, #tpu.memory_space<vmem_shared>> -> memref<10240x128xf32, #tpu.memory_space<vmem_shared>>
        tpu.enqueue_indirect_dma source(%arg12 : memref<128x128xf32, #tpu.memory_space<vmem>>) target(%dma_start3A_182 : memref<10240x128xf32, #tpu.memory_space<vmem_shared>>) offsets(%dma_start3A_179 : memref<128xi32, #tpu.memory_space<vmem>>) semaphore(%run_scoped3A_176 : memref<!tpu.dma_semaphore, #tpu.memory_space<semaphore_mem>>) {add = true}
        %dma_wait3A_183 = arith.constant 0 : i32
        %dma_wait3A_184 = tpu.memref_slice %arg10[%add3A_175, %dma_wait3A_183] : memref<64x128xi32, #tpu.memory_space<vmem>> -> memref<1x128xi32, #tpu.memory_space<vmem>>
        %dma_wait3A_185 = tpu.memref_squeeze %dma_wait3A_184 : memref<1x128xi32, #tpu.memory_space<vmem>> -> memref<128xi32, #tpu.memory_space<vmem>>
        %dma_wait3A_186 = arith.constant 0 : i32
        %dma_wait3A_187 = arith.constant 0 : i32
        %dma_wait3A_188 = tpu.memref_slice %arg13[%dma_wait3A_186, %dma_wait3A_187] : memref<10240x128xf32, #tpu.memory_space<vmem_shared>> -> memref<10240x128xf32, #tpu.memory_space<vmem_shared>>
        tpu.wait_indirect_dma semaphore(%run_scoped3A_176 : memref<!tpu.dma_semaphore, #tpu.memory_space<semaphore_mem>>) src(%arg12 : memref<128x128xf32, #tpu.memory_space<vmem>>) dst(%dma_wait3A_188 : memref<10240x128xf32, #tpu.memory_space<vmem_shared>>)
        tpu.yield
      }) : () -> ()
    }
    %while3A_59 = arith.constant 1 : i32
    scf.for %while3A_86 = %while3A_57 to %while3A_53 step %while3A_59  : i32 {
      %mul3A_87 = arith.constant 1 : i32
      %mul3A_88 = arith.muli %while3A_86, %mul3A_87 : i32
      %add3A = arith.constant 0 : i32
      %add3A_89 = arith.addi %mul3A_88, %add3A : i32
      %get3A = arith.index_cast %add3A_89 : i32 to index
      %get3A_90 = arith.constant 0 : index
      %get3A_91 = tpu.vector_load %arg9[%get3A, %get3A_90] {strides = array<i32>} : memref<64x128xi32, #tpu.memory_space<vmem>>, vector<1x16xi32>,
      %get3A_92 = vector.shape_cast %get3A_91 : vector<1x16xi32> to vector<16xi32>
      %add3A_93 = vector.broadcast %while3A_50 : i32 to vector<16xi32>
      %add3A_94 = arith.addi %get3A_92, %add3A_93 : vector<16xi32>
      %swap3A = arith.constant 0 : index
      %swap3A_95 = tpu.vector_load %arg11[%swap3A] {strides = array<i32>} : memref<128xi32, #tpu.memory_space<vmem>>, vector<16xi32>,
      %swap3A_96 = vector.shape_cast %swap3A_95 : vector<16xi32> to vector<16xi32>
      %swap3A_97 = vector.shape_cast %add3A_94 : vector<16xi32> to vector<16xi32>
      tpu.vector_store %arg11[%swap3A], %swap3A_97 {strides = array<i32>} : memref<128xi32, #tpu.memory_space<vmem>>, vector<16xi32>,
      %get3A_98 = arith.index_cast %add3A_89 : i32 to index
      %get3A_99 = arith.constant 16 : index
      %get3A_100 = tpu.vector_load %arg9[%get3A_98, %get3A_99] {strides = array<i32>} : memref<64x128xi32, #tpu.memory_space<vmem>>, vector<1x16xi32>,
      %get3A_101 = vector.shape_cast %get3A_100 : vector<1x16xi32> to vector<16xi32>
      %add3A_102 = vector.broadcast %while3A_50 : i32 to vector<16xi32>
      %add3A_103 = arith.addi %get3A_101, %add3A_102 : vector<16xi32>
      %swap3A_104 = arith.constant 16 : index
      %swap3A_105 = tpu.vector_load %arg11[%swap3A_104] {strides = array<i32>} : memref<128xi32, #tpu.memory_space<vmem>>, vector<16xi32>,
      %swap3A_106 = vector.shape_cast %swap3A_105 : vector<16xi32> to vector<16xi32>
      %swap3A_107 = vector.shape_cast %add3A_103 : vector<16xi32> to vector<16xi32>
      tpu.vector_store %arg11[%swap3A_104], %swap3A_107 {strides = array<i32>} : memref<128xi32, #tpu.memory_space<vmem>>, vector<16xi32>,
      %get3A_108 = arith.index_cast %add3A_89 : i32 to index
      %get3A_109 = arith.constant 32 : index
      %get3A_110 = tpu.vector_load %arg9[%get3A_108, %get3A_109] {strides = array<i32>} : memref<64x128xi32, #tpu.memory_space<vmem>>, vector<1x16xi32>,
      %get3A_111 = vector.shape_cast %get3A_110 : vector<1x16xi32> to vector<16xi32>
      %add3A_112 = vector.broadcast %while3A_50 : i32 to vector<16xi32>
      %add3A_113 = arith.addi %get3A_111, %add3A_112 : vector<16xi32>
      %swap3A_114 = arith.constant 32 : index
      %swap3A_115 = tpu.vector_load %arg11[%swap3A_114] {strides = array<i32>} : memref<128xi32, #tpu.memory_space<vmem>>, vector<16xi32>,
      %swap3A_116 = vector.shape_cast %swap3A_115 : vector<16xi32> to vector<16xi32>
      %swap3A_117 = vector.shape_cast %add3A_113 : vector<16xi32> to vector<16xi32>
      tpu.vector_store %arg11[%swap3A_114], %swap3A_117 {strides = array<i32>} : memref<128xi32, #tpu.memory_space<vmem>>, vector<16xi32>,
      %get3A_118 = arith.index_cast %add3A_89 : i32 to index
      %get3A_119 = arith.constant 48 : index
      %get3A_120 = tpu.vector_load %arg9[%get3A_118, %get3A_119] {strides = array<i32>} : memref<64x128xi32, #tpu.memory_space<vmem>>, vector<1x16xi32>,
      %get3A_121 = vector.shape_cast %get3A_120 : vector<1x16xi32> to vector<16xi32>
      %add3A_122 = vector.broadcast %while3A_50 : i32 to vector<16xi32>
      %add3A_123 = arith.addi %get3A_121, %add3A_122 : vector<16xi32>
      %swap3A_124 = arith.constant 48 : index
      %swap3A_125 = tpu.vector_load %arg11[%swap3A_124] {strides = array<i32>} : memref<128xi32, #tpu.memory_space<vmem>>, vector<16xi32>,
      %swap3A_126 = vector.shape_cast %swap3A_125 : vector<16xi32> to vector<16xi32>
      %swap3A_127 = vector.shape_cast %add3A_123 : vector<16xi32> to vector<16xi32>
      tpu.vector_store %arg11[%swap3A_124], %swap3A_127 {strides = array<i32>} : memref<128xi32, #tpu.memory_space<vmem>>, vector<16xi32>,
      %get3A_128 = arith.index_cast %add3A_89 : i32 to index
      %get3A_129 = arith.constant 64 : index
      %get3A_130 = tpu.vector_load %arg9[%get3A_128, %get3A_129] {strides = array<i32>} : memref<64x128xi32, #tpu.memory_space<vmem>>, vector<1x16xi32>,
      %get3A_131 = vector.shape_cast %get3A_130 : vector<1x16xi32> to vector<16xi32>
      %add3A_132 = vector.broadcast %while3A_50 : i32 to vector<16xi32>
      %add3A_133 = arith.addi %get3A_131, %add3A_132 : vector<16xi32>
      %swap3A_134 = arith.constant 64 : index
      %swap3A_135 = tpu.vector_load %arg11[%swap3A_134] {strides = array<i32>} : memref<128xi32, #tpu.memory_space<vmem>>, vector<16xi32>,
      %swap3A_136 = vector.shape_cast %swap3A_135 : vector<16xi32> to vector<16xi32>
      %swap3A_137 = vector.shape_cast %add3A_133 : vector<16xi32> to vector<16xi32>
      tpu.vector_store %arg11[%swap3A_134], %swap3A_137 {strides = array<i32>} : memref<128xi32, #tpu.memory_space<vmem>>, vector<16xi32>,
      %get3A_138 = arith.index_cast %add3A_89 : i32 to index
      %get3A_139 = arith.constant 80 : index
      %get3A_140 = tpu.vector_load %arg9[%get3A_138, %get3A_139] {strides = array<i32>} : memref<64x128xi32, #tpu.memory_space<vmem>>, vector<1x16xi32>,
      %get3A_141 = vector.shape_cast %get3A_140 : vector<1x16xi32> to vector<16xi32>
      %add3A_142 = vector.broadcast %while3A_50 : i32 to vector<16xi32>
      %add3A_143 = arith.addi %get3A_141, %add3A_142 : vector<16xi32>
      %swap3A_144 = arith.constant 80 : index
      %swap3A_145 = tpu.vector_load %arg11[%swap3A_144] {strides = array<i32>} : memref<128xi32, #tpu.memory_space<vmem>>, vector<16xi32>,
      %swap3A_146 = vector.shape_cast %swap3A_145 : vector<16xi32> to vector<16xi32>
      %swap3A_147 = vector.shape_cast %add3A_143 : vector<16xi32> to vector<16xi32>
      tpu.vector_store %arg11[%swap3A_144], %swap3A_147 {strides = array<i32>} : memref<128xi32, #tpu.memory_space<vmem>>, vector<16xi32>,
      %get3A_148 = arith.index_cast %add3A_89 : i32 to index
      %get3A_149 = arith.constant 96 : index
      %get3A_150 = tpu.vector_load %arg9[%get3A_148, %get3A_149] {strides = array<i32>} : memref<64x128xi32, #tpu.memory_space<vmem>>, vector<1x16xi32>,
      %get3A_151 = vector.shape_cast %get3A_150 : vector<1x16xi32> to vector<16xi32>
      %add3A_152 = vector.broadcast %while3A_50 : i32 to vector<16xi32>
      %add3A_153 = arith.addi %get3A_151, %add3A_152 : vector<16xi32>
      %swap3A_154 = arith.constant 96 : index
      %swap3A_155 = tpu.vector_load %arg11[%swap3A_154] {strides = array<i32>} : memref<128xi32, #tpu.memory_space<vmem>>, vector<16xi32>,
      %swap3A_156 = vector.shape_cast %swap3A_155 : vector<16xi32> to vector<16xi32>
      %swap3A_157 = vector.shape_cast %add3A_153 : vector<16xi32> to vector<16xi32>
      tpu.vector_store %arg11[%swap3A_154], %swap3A_157 {strides = array<i32>} : memref<128xi32, #tpu.memory_space<vmem>>, vector<16xi32>,
      %get3A_158 = arith.index_cast %add3A_89 : i32 to index
      %get3A_159 = arith.constant 112 : index
      %get3A_160 = tpu.vector_load %arg9[%get3A_158, %get3A_159] {strides = array<i32>} : memref<64x128xi32, #tpu.memory_space<vmem>>, vector<1x16xi32>,
      %get3A_161 = vector.shape_cast %get3A_160 : vector<1x16xi32> to vector<16xi32>
      %add3A_162 = vector.broadcast %while3A_50 : i32 to vector<16xi32>
      %add3A_163 = arith.addi %get3A_161, %add3A_162 : vector<16xi32>
      %swap3A_164 = arith.constant 112 : index
      %swap3A_165 = tpu.vector_load %arg11[%swap3A_164] {strides = array<i32>} : memref<128xi32, #tpu.memory_space<vmem>>, vector<16xi32>,
      %swap3A_166 = vector.shape_cast %swap3A_165 : vector<16xi32> to vector<16xi32>
      %swap3A_167 = vector.shape_cast %add3A_163 : vector<16xi32> to vector<16xi32>
      tpu.vector_store %arg11[%swap3A_164], %swap3A_167 {strides = array<i32>} : memref<128xi32, #tpu.memory_space<vmem>>, vector<16xi32>,
      %dma_start3A = arith.constant 0 : i32
      %dma_start3A_168 = arith.constant 0 : i32
      %dma_start3A_169 = tpu.memref_slice %arg2[%dma_start3A, %dma_start3A_168] : memref<40960x128xf32, #tpu.memory_space<hbm>> -> memref<40960x128xf32, #tpu.memory_space<hbm>>
      tpu.enqueue_indirect_dma source(%dma_start3A_169 : memref<40960x128xf32, #tpu.memory_space<hbm>>) target(%arg12 : memref<128x128xf32, #tpu.memory_space<vmem>>) offsets(%arg11 : memref<128xi32, #tpu.memory_space<vmem>>) semaphore(%arg14 : memref<!tpu.dma_semaphore, #tpu.memory_space<semaphore_mem>>)
      %dma_wait3A = arith.constant 0 : i32
      %dma_wait3A_170 = arith.constant 0 : i32
      %dma_wait3A_171 = tpu.memref_slice %arg2[%dma_wait3A, %dma_wait3A_170] : memref<40960x128xf32, #tpu.memory_space<hbm>> -> memref<40960x128xf32, #tpu.memory_space<hbm>>
      tpu.wait_indirect_dma semaphore(%arg14 : memref<!tpu.dma_semaphore, #tpu.memory_space<semaphore_mem>>) src(%dma_wait3A_171 : memref<40960x128xf32, #tpu.memory_space<hbm>>) dst(%arg12 : memref<128x128xf32, #tpu.memory_space<vmem>>)
      %mul3A_172 = arith.constant 1 : i32
      %mul3A_173 = arith.muli %while3A_86, %mul3A_172 : i32
      %add3A_174 = arith.constant 0 : i32
      %add3A_175 = arith.addi %mul3A_173, %add3A_174 : i32
      "tpu.region"() ({
        %run_scoped3A_176 = tpu.sem_alloc : memref<!tpu.dma_semaphore, #tpu.memory_space<semaphore_mem>>
        %dma_start3A_177 = arith.constant 0 : i32
        %dma_start3A_178 = tpu.memref_slice %arg10[%add3A_175, %dma_start3A_177] : memref<64x128xi32, #tpu.memory_space<vmem>> -> memref<1x128xi32, #tpu.memory_space<vmem>>
        %dma_start3A_179 = tpu.memref_squeeze %dma_start3A_178 : memref<1x128xi32, #tpu.memory_space<vmem>> -> memref<128xi32, #tpu.memory_space<vmem>>
        %dma_start3A_180 = arith.constant 0 : i32
        %dma_start3A_181 = arith.constant 0 : i32
        %dma_start3A_182 = tpu.memref_slice %arg13[%dma_start3A_180, %dma_start3A_181] : memref<10240x128xf32, #tpu.memory_space<vmem_shared>> -> memref<10240x128xf32, #tpu.memory_space<vmem_shared>>
        tpu.enqueue_indirect_dma source(%arg12 : memref<128x128xf32, #tpu.memory_space<vmem>>) target(%dma_start3A_182 : memref<10240x128xf32, #tpu.memory_space<vmem_shared>>) offsets(%dma_start3A_179 : memref<128xi32, #tpu.memory_space<vmem>>) semaphore(%run_scoped3A_176 : memref<!tpu.dma_semaphore, #tpu.memory_space<semaphore_mem>>) {add = true}
        %dma_wait3A_183 = arith.constant 0 : i32
        %dma_wait3A_184 = tpu.memref_slice %arg10[%add3A_175, %dma_wait3A_183] : memref<64x128xi32, #tpu.memory_space<vmem>> -> memref<1x128xi32, #tpu.memory_space<vmem>>
        %dma_wait3A_185 = tpu.memref_squeeze %dma_wait3A_184 : memref<1x128xi32, #tpu.memory_space<vmem>> -> memref<128xi32, #tpu.memory_space<vmem>>
        %dma_wait3A_186 = arith.constant 0 : i32
        %dma_wait3A_187 = arith.constant 0 : i32
        %dma_wait3A_188 = tpu.memref_slice %arg13[%dma_wait3A_186, %dma_wait3A_187] : memref<10240x128xf32, #tpu.memory_space<vmem_shared>> -> memref<10240x128xf32, #tpu.memory_space<vmem_shared>>
        tpu.wait_indirect_dma semaphore(%run_scoped3A_176 : memref<!tpu.dma_semaphore, #tpu.memory_space<semaphore_mem>>) src(%arg12 : memref<128x128xf32, #tpu.memory_space<vmem>>) dst(%dma_wait3A_188 : memref<10240x128xf32, #tpu.memory_space<vmem_shared>>)
        tpu.yield
      }) : () -> ()
    }
    %barrier3A_60 = arith.constant 0 : index
    tpu.barrier barrier_id(%barrier3A_60)
    %mul3A_61 = arith.constant 640 : i32
    %mul3A_62 = arith.muli %arg1, %mul3A_61 : i32
    %mul3A_63 = arith.constant 640 : i32
    %mul3A_64 = arith.muli %arg1, %mul3A_63 : i32
    %run_scoped3A_65 = arith.constant 2 : i32
    "tpu.region"() ({
      %run_scoped3A_86 = tpu.sem_alloc : memref<!tpu.dma_semaphore, #tpu.memory_space<semaphore_mem>>
      %dma_start3A = arith.constant 0 : i32
      %dma_start3A_87 = tpu.memref_slice %arg8[%arg0, %run_scoped3A_65, %mul3A_64, %dma_start3A] : memref<2x4x10240x128xf32, #tpu.memory_space<hbm>> -> memref<1x1x640x128xf32, #tpu.memory_space<hbm>>
      %dma_start3A_88 = tpu.memref_squeeze %dma_start3A_87 : memref<1x1x640x128xf32, #tpu.memory_space<hbm>> -> memref<640x128xf32, #tpu.memory_space<hbm>>
      %dma_start3A_89 = arith.constant 0 : i32
      %dma_start3A_90 = tpu.memref_slice %arg13[%mul3A_62, %dma_start3A_89] : memref<10240x128xf32, #tpu.memory_space<vmem_shared>> -> memref<640x128xf32, #tpu.memory_space<vmem_shared>>
      tpu.enqueue_dma source(%dma_start3A_90 : memref<640x128xf32, #tpu.memory_space<vmem_shared>>) target(%dma_start3A_88 : memref<640x128xf32, #tpu.memory_space<hbm>>) target_semaphore(%run_scoped3A_86 : memref<!tpu.dma_semaphore, #tpu.memory_space<semaphore_mem>>)
      %dma_wait3A = arith.constant 0 : i32
      %dma_wait3A_91 = tpu.memref_slice %arg8[%arg0, %run_scoped3A_65, %mul3A_64, %dma_wait3A] : memref<2x4x10240x128xf32, #tpu.memory_space<hbm>> -> memref<1x1x640x128xf32, #tpu.memory_space<hbm>>
      %dma_wait3A_92 = tpu.memref_squeeze %dma_wait3A_91 : memref<1x1x640x128xf32, #tpu.memory_space<hbm>> -> memref<640x128xf32, #tpu.memory_space<hbm>>
      %dma_wait3A_93 = arith.constant 0 : i32
      %dma_wait3A_94 = tpu.memref_slice %arg13[%mul3A_62, %dma_wait3A_93] : memref<10240x128xf32, #tpu.memory_space<vmem_shared>> -> memref<640x128xf32, #tpu.memory_space<vmem_shared>>
      tpu.wait_dma2 semaphore(%run_scoped3A_86 : memref<!tpu.dma_semaphore, #tpu.memory_space<semaphore_mem>>) src(%dma_wait3A_94 : memref<640x128xf32, #tpu.memory_space<vmem_shared>>) dst(%dma_wait3A_92 : memref<640x128xf32, #tpu.memory_space<hbm>>)
      tpu.yield
    }) : () -> ()
    %mul3A_66 = arith.constant 640 : i32
    %mul3A_67 = arith.muli %arg1, %mul3A_66 : i32
    "tpu.region"() ({
      %run_scoped3A_86 = tpu.sem_alloc : memref<!tpu.dma_semaphore, #tpu.memory_space<semaphore_mem>>
      %dma_start3A = arith.constant 0 : i32
      %dma_start3A_87 = tpu.memref_slice %arg13[%mul3A_67, %dma_start3A] : memref<10240x128xf32, #tpu.memory_space<vmem_shared>> -> memref<640x128xf32, #tpu.memory_space<vmem_shared>>
      tpu.enqueue_dma source(%arg7 : memref<640x128xf32, #tpu.memory_space<hbm>>) target(%dma_start3A_87 : memref<640x128xf32, #tpu.memory_space<vmem_shared>>) target_semaphore(%run_scoped3A_86 : memref<!tpu.dma_semaphore, #tpu.memory_space<semaphore_mem>>)
      %dma_wait3A = arith.constant 0 : i32
      %dma_wait3A_88 = tpu.memref_slice %arg13[%mul3A_67, %dma_wait3A] : memref<10240x128xf32, #tpu.memory_space<vmem_shared>> -> memref<640x128xf32, #tpu.memory_space<vmem_shared>>
      tpu.wait_dma2 semaphore(%run_scoped3A_86 : memref<!tpu.dma_semaphore, #tpu.memory_space<semaphore_mem>>) src(%arg7 : memref<640x128xf32, #tpu.memory_space<hbm>>) dst(%dma_wait3A_88 : memref<640x128xf32, #tpu.memory_space<vmem_shared>>)
      tpu.yield
    }) : () -> ()
    %barrier3A_68 = arith.constant 0 : index
    tpu.barrier barrier_id(%barrier3A_68)
    %while3A_69 = arith.constant 0 : i32
    %while3A_70 = arith.constant 30720 : i32
    %while3A_71 = arith.constant 0 : i32
    %while3A_72 = arith.subi %select_n3A, %while3A_71 : i32
    %while3A_73 = arith.addi %while3A_71, %while3A_72 : i32
    %while3A_74 = arith.constant 1 : i32
    %while3A_75 = arith.divsi %while3A_72, %while3A_74 : i32
    %while3A_76 = arith.muli %while3A_75, %while3A_74 : i32
    %while3A_77 = arith.addi %while3A_71, %while3A_76 : i32
    %while3A_78 = arith.constant 1 : i32
    scf.for %while3A_86 = %while3A_71 to %while3A_77 step %while3A_78  : i32 {
      %mul3A_87 = arith.constant 1 : i32
      %mul3A_88 = arith.muli %while3A_86, %mul3A_87 : i32
      %add3A = arith.constant 0 : i32
      %add3A_89 = arith.addi %mul3A_88, %add3A : i32
      %get3A = arith.index_cast %add3A_89 : i32 to index
      %get3A_90 = arith.constant 0 : index
      %get3A_91 = tpu.vector_load %arg9[%get3A, %get3A_90] {strides = array<i32>} : memref<64x128xi32, #tpu.memory_space<vmem>>, vector<1x16xi32>,
      %get3A_92 = vector.shape_cast %get3A_91 : vector<1x16xi32> to vector<16xi32>
      %add3A_93 = vector.broadcast %while3A_70 : i32 to vector<16xi32>
      %add3A_94 = arith.addi %get3A_92, %add3A_93 : vector<16xi32>
      %swap3A = arith.constant 0 : index
      %swap3A_95 = tpu.vector_load %arg11[%swap3A] {strides = array<i32>} : memref<128xi32, #tpu.memory_space<vmem>>, vector<16xi32>,
      %swap3A_96 = vector.shape_cast %swap3A_95 : vector<16xi32> to vector<16xi32>
      %swap3A_97 = vector.shape_cast %add3A_94 : vector<16xi32> to vector<16xi32>
      tpu.vector_store %arg11[%swap3A], %swap3A_97 {strides = array<i32>} : memref<128xi32, #tpu.memory_space<vmem>>, vector<16xi32>,
      %get3A_98 = arith.index_cast %add3A_89 : i32 to index
      %get3A_99 = arith.constant 16 : index
      %get3A_100 = tpu.vector_load %arg9[%get3A_98, %get3A_99] {strides = array<i32>} : memref<64x128xi32, #tpu.memory_space<vmem>>, vector<1x16xi32>,
      %get3A_101 = vector.shape_cast %get3A_100 : vector<1x16xi32> to vector<16xi32>
      %add3A_102 = vector.broadcast %while3A_70 : i32 to vector<16xi32>
      %add3A_103 = arith.addi %get3A_101, %add3A_102 : vector<16xi32>
      %swap3A_104 = arith.constant 16 : index
      %swap3A_105 = tpu.vector_load %arg11[%swap3A_104] {strides = array<i32>} : memref<128xi32, #tpu.memory_space<vmem>>, vector<16xi32>,
      %swap3A_106 = vector.shape_cast %swap3A_105 : vector<16xi32> to vector<16xi32>
      %swap3A_107 = vector.shape_cast %add3A_103 : vector<16xi32> to vector<16xi32>
      tpu.vector_store %arg11[%swap3A_104], %swap3A_107 {strides = array<i32>} : memref<128xi32, #tpu.memory_space<vmem>>, vector<16xi32>,
      %get3A_108 = arith.index_cast %add3A_89 : i32 to index
      %get3A_109 = arith.constant 32 : index
      %get3A_110 = tpu.vector_load %arg9[%get3A_108, %get3A_109] {strides = array<i32>} : memref<64x128xi32, #tpu.memory_space<vmem>>, vector<1x16xi32>,
      %get3A_111 = vector.shape_cast %get3A_110 : vector<1x16xi32> to vector<16xi32>
      %add3A_112 = vector.broadcast %while3A_70 : i32 to vector<16xi32>
      %add3A_113 = arith.addi %get3A_111, %add3A_112 : vector<16xi32>
      %swap3A_114 = arith.constant 32 : index
      %swap3A_115 = tpu.vector_load %arg11[%swap3A_114] {strides = array<i32>} : memref<128xi32, #tpu.memory_space<vmem>>, vector<16xi32>,
      %swap3A_116 = vector.shape_cast %swap3A_115 : vector<16xi32> to vector<16xi32>
      %swap3A_117 = vector.shape_cast %add3A_113 : vector<16xi32> to vector<16xi32>
      tpu.vector_store %arg11[%swap3A_114], %swap3A_117 {strides = array<i32>} : memref<128xi32, #tpu.memory_space<vmem>>, vector<16xi32>,
      %get3A_118 = arith.index_cast %add3A_89 : i32 to index
      %get3A_119 = arith.constant 48 : index
      %get3A_120 = tpu.vector_load %arg9[%get3A_118, %get3A_119] {strides = array<i32>} : memref<64x128xi32, #tpu.memory_space<vmem>>, vector<1x16xi32>,
      %get3A_121 = vector.shape_cast %get3A_120 : vector<1x16xi32> to vector<16xi32>
      %add3A_122 = vector.broadcast %while3A_70 : i32 to vector<16xi32>
      %add3A_123 = arith.addi %get3A_121, %add3A_122 : vector<16xi32>
      %swap3A_124 = arith.constant 48 : index
      %swap3A_125 = tpu.vector_load %arg11[%swap3A_124] {strides = array<i32>} : memref<128xi32, #tpu.memory_space<vmem>>, vector<16xi32>,
      %swap3A_126 = vector.shape_cast %swap3A_125 : vector<16xi32> to vector<16xi32>
      %swap3A_127 = vector.shape_cast %add3A_123 : vector<16xi32> to vector<16xi32>
      tpu.vector_store %arg11[%swap3A_124], %swap3A_127 {strides = array<i32>} : memref<128xi32, #tpu.memory_space<vmem>>, vector<16xi32>,
      %get3A_128 = arith.index_cast %add3A_89 : i32 to index
      %get3A_129 = arith.constant 64 : index
      %get3A_130 = tpu.vector_load %arg9[%get3A_128, %get3A_129] {strides = array<i32>} : memref<64x128xi32, #tpu.memory_space<vmem>>, vector<1x16xi32>,
      %get3A_131 = vector.shape_cast %get3A_130 : vector<1x16xi32> to vector<16xi32>
      %add3A_132 = vector.broadcast %while3A_70 : i32 to vector<16xi32>
      %add3A_133 = arith.addi %get3A_131, %add3A_132 : vector<16xi32>
      %swap3A_134 = arith.constant 64 : index
      %swap3A_135 = tpu.vector_load %arg11[%swap3A_134] {strides = array<i32>} : memref<128xi32, #tpu.memory_space<vmem>>, vector<16xi32>,
      %swap3A_136 = vector.shape_cast %swap3A_135 : vector<16xi32> to vector<16xi32>
      %swap3A_137 = vector.shape_cast %add3A_133 : vector<16xi32> to vector<16xi32>
      tpu.vector_store %arg11[%swap3A_134], %swap3A_137 {strides = array<i32>} : memref<128xi32, #tpu.memory_space<vmem>>, vector<16xi32>,
      %get3A_138 = arith.index_cast %add3A_89 : i32 to index
      %get3A_139 = arith.constant 80 : index
      %get3A_140 = tpu.vector_load %arg9[%get3A_138, %get3A_139] {strides = array<i32>} : memref<64x128xi32, #tpu.memory_space<vmem>>, vector<1x16xi32>,
      %get3A_141 = vector.shape_cast %get3A_140 : vector<1x16xi32> to vector<16xi32>
      %add3A_142 = vector.broadcast %while3A_70 : i32 to vector<16xi32>
      %add3A_143 = arith.addi %get3A_141, %add3A_142 : vector<16xi32>
      %swap3A_144 = arith.constant 80 : index
      %swap3A_145 = tpu.vector_load %arg11[%swap3A_144] {strides = array<i32>} : memref<128xi32, #tpu.memory_space<vmem>>, vector<16xi32>,
      %swap3A_146 = vector.shape_cast %swap3A_145 : vector<16xi32> to vector<16xi32>
      %swap3A_147 = vector.shape_cast %add3A_143 : vector<16xi32> to vector<16xi32>
      tpu.vector_store %arg11[%swap3A_144], %swap3A_147 {strides = array<i32>} : memref<128xi32, #tpu.memory_space<vmem>>, vector<16xi32>,
      %get3A_148 = arith.index_cast %add3A_89 : i32 to index
      %get3A_149 = arith.constant 96 : index
      %get3A_150 = tpu.vector_load %arg9[%get3A_148, %get3A_149] {strides = array<i32>} : memref<64x128xi32, #tpu.memory_space<vmem>>, vector<1x16xi32>,
      %get3A_151 = vector.shape_cast %get3A_150 : vector<1x16xi32> to vector<16xi32>
      %add3A_152 = vector.broadcast %while3A_70 : i32 to vector<16xi32>
      %add3A_153 = arith.addi %get3A_151, %add3A_152 : vector<16xi32>
      %swap3A_154 = arith.constant 96 : index
      %swap3A_155 = tpu.vector_load %arg11[%swap3A_154] {strides = array<i32>} : memref<128xi32, #tpu.memory_space<vmem>>, vector<16xi32>,
      %swap3A_156 = vector.shape_cast %swap3A_155 : vector<16xi32> to vector<16xi32>
      %swap3A_157 = vector.shape_cast %add3A_153 : vector<16xi32> to vector<16xi32>
      tpu.vector_store %arg11[%swap3A_154], %swap3A_157 {strides = array<i32>} : memref<128xi32, #tpu.memory_space<vmem>>, vector<16xi32>,
      %get3A_158 = arith.index_cast %add3A_89 : i32 to index
      %get3A_159 = arith.constant 112 : index
      %get3A_160 = tpu.vector_load %arg9[%get3A_158, %get3A_159] {strides = array<i32>} : memref<64x128xi32, #tpu.memory_space<vmem>>, vector<1x16xi32>,
      %get3A_161 = vector.shape_cast %get3A_160 : vector<1x16xi32> to vector<16xi32>
      %add3A_162 = vector.broadcast %while3A_70 : i32 to vector<16xi32>
      %add3A_163 = arith.addi %get3A_161, %add3A_162 : vector<16xi32>
      %swap3A_164 = arith.constant 112 : index
      %swap3A_165 = tpu.vector_load %arg11[%swap3A_164] {strides = array<i32>} : memref<128xi32, #tpu.memory_space<vmem>>, vector<16xi32>,
      %swap3A_166 = vector.shape_cast %swap3A_165 : vector<16xi32> to vector<16xi32>
      %swap3A_167 = vector.shape_cast %add3A_163 : vector<16xi32> to vector<16xi32>
      tpu.vector_store %arg11[%swap3A_164], %swap3A_167 {strides = array<i32>} : memref<128xi32, #tpu.memory_space<vmem>>, vector<16xi32>,
      %dma_start3A = arith.constant 0 : i32
      %dma_start3A_168 = arith.constant 0 : i32
      %dma_start3A_169 = tpu.memref_slice %arg2[%dma_start3A, %dma_start3A_168] : memref<40960x128xf32, #tpu.memory_space<hbm>> -> memref<40960x128xf32, #tpu.memory_space<hbm>>
      tpu.enqueue_indirect_dma source(%dma_start3A_169 : memref<40960x128xf32, #tpu.memory_space<hbm>>) target(%arg12 : memref<128x128xf32, #tpu.memory_space<vmem>>) offsets(%arg11 : memref<128xi32, #tpu.memory_space<vmem>>) semaphore(%arg14 : memref<!tpu.dma_semaphore, #tpu.memory_space<semaphore_mem>>)
      %dma_wait3A = arith.constant 0 : i32
      %dma_wait3A_170 = arith.constant 0 : i32
      %dma_wait3A_171 = tpu.memref_slice %arg2[%dma_wait3A, %dma_wait3A_170] : memref<40960x128xf32, #tpu.memory_space<hbm>> -> memref<40960x128xf32, #tpu.memory_space<hbm>>
      tpu.wait_indirect_dma semaphore(%arg14 : memref<!tpu.dma_semaphore, #tpu.memory_space<semaphore_mem>>) src(%dma_wait3A_171 : memref<40960x128xf32, #tpu.memory_space<hbm>>) dst(%arg12 : memref<128x128xf32, #tpu.memory_space<vmem>>)
      %mul3A_172 = arith.constant 1 : i32
      %mul3A_173 = arith.muli %while3A_86, %mul3A_172 : i32
      %add3A_174 = arith.constant 0 : i32
      %add3A_175 = arith.addi %mul3A_173, %add3A_174 : i32
      "tpu.region"() ({
        %run_scoped3A_176 = tpu.sem_alloc : memref<!tpu.dma_semaphore, #tpu.memory_space<semaphore_mem>>
        %dma_start3A_177 = arith.constant 0 : i32
        %dma_start3A_178 = tpu.memref_slice %arg10[%add3A_175, %dma_start3A_177] : memref<64x128xi32, #tpu.memory_space<vmem>> -> memref<1x128xi32, #tpu.memory_space<vmem>>
        %dma_start3A_179 = tpu.memref_squeeze %dma_start3A_178 : memref<1x128xi32, #tpu.memory_space<vmem>> -> memref<128xi32, #tpu.memory_space<vmem>>
        %dma_start3A_180 = arith.constant 0 : i32
        %dma_start3A_181 = arith.constant 0 : i32
        %dma_start3A_182 = tpu.memref_slice %arg13[%dma_start3A_180, %dma_start3A_181] : memref<10240x128xf32, #tpu.memory_space<vmem_shared>> -> memref<10240x128xf32, #tpu.memory_space<vmem_shared>>
        tpu.enqueue_indirect_dma source(%arg12 : memref<128x128xf32, #tpu.memory_space<vmem>>) target(%dma_start3A_182 : memref<10240x128xf32, #tpu.memory_space<vmem_shared>>) offsets(%dma_start3A_179 : memref<128xi32, #tpu.memory_space<vmem>>) semaphore(%run_scoped3A_176 : memref<!tpu.dma_semaphore, #tpu.memory_space<semaphore_mem>>) {add = true}
        %dma_wait3A_183 = arith.constant 0 : i32
        %dma_wait3A_184 = tpu.memref_slice %arg10[%add3A_175, %dma_wait3A_183] : memref<64x128xi32, #tpu.memory_space<vmem>> -> memref<1x128xi32, #tpu.memory_space<vmem>>
        %dma_wait3A_185 = tpu.memref_squeeze %dma_wait3A_184 : memref<1x128xi32, #tpu.memory_space<vmem>> -> memref<128xi32, #tpu.memory_space<vmem>>
        %dma_wait3A_186 = arith.constant 0 : i32
        %dma_wait3A_187 = arith.constant 0 : i32
        %dma_wait3A_188 = tpu.memref_slice %arg13[%dma_wait3A_186, %dma_wait3A_187] : memref<10240x128xf32, #tpu.memory_space<vmem_shared>> -> memref<10240x128xf32, #tpu.memory_space<vmem_shared>>
        tpu.wait_indirect_dma semaphore(%run_scoped3A_176 : memref<!tpu.dma_semaphore, #tpu.memory_space<semaphore_mem>>) src(%arg12 : memref<128x128xf32, #tpu.memory_space<vmem>>) dst(%dma_wait3A_188 : memref<10240x128xf32, #tpu.memory_space<vmem_shared>>)
        tpu.yield
      }) : () -> ()
    }
    %while3A_79 = arith.constant 1 : i32
    scf.for %while3A_86 = %while3A_77 to %while3A_73 step %while3A_79  : i32 {
      %mul3A_87 = arith.constant 1 : i32
      %mul3A_88 = arith.muli %while3A_86, %mul3A_87 : i32
      %add3A = arith.constant 0 : i32
      %add3A_89 = arith.addi %mul3A_88, %add3A : i32
      %get3A = arith.index_cast %add3A_89 : i32 to index
      %get3A_90 = arith.constant 0 : index
      %get3A_91 = tpu.vector_load %arg9[%get3A, %get3A_90] {strides = array<i32>} : memref<64x128xi32, #tpu.memory_space<vmem>>, vector<1x16xi32>,
      %get3A_92 = vector.shape_cast %get3A_91 : vector<1x16xi32> to vector<16xi32>
      %add3A_93 = vector.broadcast %while3A_70 : i32 to vector<16xi32>
      %add3A_94 = arith.addi %get3A_92, %add3A_93 : vector<16xi32>
      %swap3A = arith.constant 0 : index
      %swap3A_95 = tpu.vector_load %arg11[%swap3A] {strides = array<i32>} : memref<128xi32, #tpu.memory_space<vmem>>, vector<16xi32>,
      %swap3A_96 = vector.shape_cast %swap3A_95 : vector<16xi32> to vector<16xi32>
      %swap3A_97 = vector.shape_cast %add3A_94 : vector<16xi32> to vector<16xi32>
      tpu.vector_store %arg11[%swap3A], %swap3A_97 {strides = array<i32>} : memref<128xi32, #tpu.memory_space<vmem>>, vector<16xi32>,
      %get3A_98 = arith.index_cast %add3A_89 : i32 to index
      %get3A_99 = arith.constant 16 : index
      %get3A_100 = tpu.vector_load %arg9[%get3A_98, %get3A_99] {strides = array<i32>} : memref<64x128xi32, #tpu.memory_space<vmem>>, vector<1x16xi32>,
      %get3A_101 = vector.shape_cast %get3A_100 : vector<1x16xi32> to vector<16xi32>
      %add3A_102 = vector.broadcast %while3A_70 : i32 to vector<16xi32>
      %add3A_103 = arith.addi %get3A_101, %add3A_102 : vector<16xi32>
      %swap3A_104 = arith.constant 16 : index
      %swap3A_105 = tpu.vector_load %arg11[%swap3A_104] {strides = array<i32>} : memref<128xi32, #tpu.memory_space<vmem>>, vector<16xi32>,
      %swap3A_106 = vector.shape_cast %swap3A_105 : vector<16xi32> to vector<16xi32>
      %swap3A_107 = vector.shape_cast %add3A_103 : vector<16xi32> to vector<16xi32>
      tpu.vector_store %arg11[%swap3A_104], %swap3A_107 {strides = array<i32>} : memref<128xi32, #tpu.memory_space<vmem>>, vector<16xi32>,
      %get3A_108 = arith.index_cast %add3A_89 : i32 to index
      %get3A_109 = arith.constant 32 : index
      %get3A_110 = tpu.vector_load %arg9[%get3A_108, %get3A_109] {strides = array<i32>} : memref<64x128xi32, #tpu.memory_space<vmem>>, vector<1x16xi32>,
      %get3A_111 = vector.shape_cast %get3A_110 : vector<1x16xi32> to vector<16xi32>
      %add3A_112 = vector.broadcast %while3A_70 : i32 to vector<16xi32>
      %add3A_113 = arith.addi %get3A_111, %add3A_112 : vector<16xi32>
      %swap3A_114 = arith.constant 32 : index
      %swap3A_115 = tpu.vector_load %arg11[%swap3A_114] {strides = array<i32>} : memref<128xi32, #tpu.memory_space<vmem>>, vector<16xi32>,
      %swap3A_116 = vector.shape_cast %swap3A_115 : vector<16xi32> to vector<16xi32>
      %swap3A_117 = vector.shape_cast %add3A_113 : vector<16xi32> to vector<16xi32>
      tpu.vector_store %arg11[%swap3A_114], %swap3A_117 {strides = array<i32>} : memref<128xi32, #tpu.memory_space<vmem>>, vector<16xi32>,
      %get3A_118 = arith.index_cast %add3A_89 : i32 to index
      %get3A_119 = arith.constant 48 : index
      %get3A_120 = tpu.vector_load %arg9[%get3A_118, %get3A_119] {strides = array<i32>} : memref<64x128xi32, #tpu.memory_space<vmem>>, vector<1x16xi32>,
      %get3A_121 = vector.shape_cast %get3A_120 : vector<1x16xi32> to vector<16xi32>
      %add3A_122 = vector.broadcast %while3A_70 : i32 to vector<16xi32>
      %add3A_123 = arith.addi %get3A_121, %add3A_122 : vector<16xi32>
      %swap3A_124 = arith.constant 48 : index
      %swap3A_125 = tpu.vector_load %arg11[%swap3A_124] {strides = array<i32>} : memref<128xi32, #tpu.memory_space<vmem>>, vector<16xi32>,
      %swap3A_126 = vector.shape_cast %swap3A_125 : vector<16xi32> to vector<16xi32>
      %swap3A_127 = vector.shape_cast %add3A_123 : vector<16xi32> to vector<16xi32>
      tpu.vector_store %arg11[%swap3A_124], %swap3A_127 {strides = array<i32>} : memref<128xi32, #tpu.memory_space<vmem>>, vector<16xi32>,
      %get3A_128 = arith.index_cast %add3A_89 : i32 to index
      %get3A_129 = arith.constant 64 : index
      %get3A_130 = tpu.vector_load %arg9[%get3A_128, %get3A_129] {strides = array<i32>} : memref<64x128xi32, #tpu.memory_space<vmem>>, vector<1x16xi32>,
      %get3A_131 = vector.shape_cast %get3A_130 : vector<1x16xi32> to vector<16xi32>
      %add3A_132 = vector.broadcast %while3A_70 : i32 to vector<16xi32>
      %add3A_133 = arith.addi %get3A_131, %add3A_132 : vector<16xi32>
      %swap3A_134 = arith.constant 64 : index
      %swap3A_135 = tpu.vector_load %arg11[%swap3A_134] {strides = array<i32>} : memref<128xi32, #tpu.memory_space<vmem>>, vector<16xi32>,
      %swap3A_136 = vector.shape_cast %swap3A_135 : vector<16xi32> to vector<16xi32>
      %swap3A_137 = vector.shape_cast %add3A_133 : vector<16xi32> to vector<16xi32>
      tpu.vector_store %arg11[%swap3A_134], %swap3A_137 {strides = array<i32>} : memref<128xi32, #tpu.memory_space<vmem>>, vector<16xi32>,
      %get3A_138 = arith.index_cast %add3A_89 : i32 to index
      %get3A_139 = arith.constant 80 : index
      %get3A_140 = tpu.vector_load %arg9[%get3A_138, %get3A_139] {strides = array<i32>} : memref<64x128xi32, #tpu.memory_space<vmem>>, vector<1x16xi32>,
      %get3A_141 = vector.shape_cast %get3A_140 : vector<1x16xi32> to vector<16xi32>
      %add3A_142 = vector.broadcast %while3A_70 : i32 to vector<16xi32>
      %add3A_143 = arith.addi %get3A_141, %add3A_142 : vector<16xi32>
      %swap3A_144 = arith.constant 80 : index
      %swap3A_145 = tpu.vector_load %arg11[%swap3A_144] {strides = array<i32>} : memref<128xi32, #tpu.memory_space<vmem>>, vector<16xi32>,
      %swap3A_146 = vector.shape_cast %swap3A_145 : vector<16xi32> to vector<16xi32>
      %swap3A_147 = vector.shape_cast %add3A_143 : vector<16xi32> to vector<16xi32>
      tpu.vector_store %arg11[%swap3A_144], %swap3A_147 {strides = array<i32>} : memref<128xi32, #tpu.memory_space<vmem>>, vector<16xi32>,
      %get3A_148 = arith.index_cast %add3A_89 : i32 to index
      %get3A_149 = arith.constant 96 : index
      %get3A_150 = tpu.vector_load %arg9[%get3A_148, %get3A_149] {strides = array<i32>} : memref<64x128xi32, #tpu.memory_space<vmem>>, vector<1x16xi32>,
      %get3A_151 = vector.shape_cast %get3A_150 : vector<1x16xi32> to vector<16xi32>
      %add3A_152 = vector.broadcast %while3A_70 : i32 to vector<16xi32>
      %add3A_153 = arith.addi %get3A_151, %add3A_152 : vector<16xi32>
      %swap3A_154 = arith.constant 96 : index
      %swap3A_155 = tpu.vector_load %arg11[%swap3A_154] {strides = array<i32>} : memref<128xi32, #tpu.memory_space<vmem>>, vector<16xi32>,
      %swap3A_156 = vector.shape_cast %swap3A_155 : vector<16xi32> to vector<16xi32>
      %swap3A_157 = vector.shape_cast %add3A_153 : vector<16xi32> to vector<16xi32>
      tpu.vector_store %arg11[%swap3A_154], %swap3A_157 {strides = array<i32>} : memref<128xi32, #tpu.memory_space<vmem>>, vector<16xi32>,
      %get3A_158 = arith.index_cast %add3A_89 : i32 to index
      %get3A_159 = arith.constant 112 : index
      %get3A_160 = tpu.vector_load %arg9[%get3A_158, %get3A_159] {strides = array<i32>} : memref<64x128xi32, #tpu.memory_space<vmem>>, vector<1x16xi32>,
      %get3A_161 = vector.shape_cast %get3A_160 : vector<1x16xi32> to vector<16xi32>
      %add3A_162 = vector.broadcast %while3A_70 : i32 to vector<16xi32>
      %add3A_163 = arith.addi %get3A_161, %add3A_162 : vector<16xi32>
      %swap3A_164 = arith.constant 112 : index
      %swap3A_165 = tpu.vector_load %arg11[%swap3A_164] {strides = array<i32>} : memref<128xi32, #tpu.memory_space<vmem>>, vector<16xi32>,
      %swap3A_166 = vector.shape_cast %swap3A_165 : vector<16xi32> to vector<16xi32>
      %swap3A_167 = vector.shape_cast %add3A_163 : vector<16xi32> to vector<16xi32>
      tpu.vector_store %arg11[%swap3A_164], %swap3A_167 {strides = array<i32>} : memref<128xi32, #tpu.memory_space<vmem>>, vector<16xi32>,
      %dma_start3A = arith.constant 0 : i32
      %dma_start3A_168 = arith.constant 0 : i32
      %dma_start3A_169 = tpu.memref_slice %arg2[%dma_start3A, %dma_start3A_168] : memref<40960x128xf32, #tpu.memory_space<hbm>> -> memref<40960x128xf32, #tpu.memory_space<hbm>>
      tpu.enqueue_indirect_dma source(%dma_start3A_169 : memref<40960x128xf32, #tpu.memory_space<hbm>>) target(%arg12 : memref<128x128xf32, #tpu.memory_space<vmem>>) offsets(%arg11 : memref<128xi32, #tpu.memory_space<vmem>>) semaphore(%arg14 : memref<!tpu.dma_semaphore, #tpu.memory_space<semaphore_mem>>)
      %dma_wait3A = arith.constant 0 : i32
      %dma_wait3A_170 = arith.constant 0 : i32
      %dma_wait3A_171 = tpu.memref_slice %arg2[%dma_wait3A, %dma_wait3A_170] : memref<40960x128xf32, #tpu.memory_space<hbm>> -> memref<40960x128xf32, #tpu.memory_space<hbm>>
      tpu.wait_indirect_dma semaphore(%arg14 : memref<!tpu.dma_semaphore, #tpu.memory_space<semaphore_mem>>) src(%dma_wait3A_171 : memref<40960x128xf32, #tpu.memory_space<hbm>>) dst(%arg12 : memref<128x128xf32, #tpu.memory_space<vmem>>)
      %mul3A_172 = arith.constant 1 : i32
      %mul3A_173 = arith.muli %while3A_86, %mul3A_172 : i32
      %add3A_174 = arith.constant 0 : i32
      %add3A_175 = arith.addi %mul3A_173, %add3A_174 : i32
      "tpu.region"() ({
        %run_scoped3A_176 = tpu.sem_alloc : memref<!tpu.dma_semaphore, #tpu.memory_space<semaphore_mem>>
        %dma_start3A_177 = arith.constant 0 : i32
        %dma_start3A_178 = tpu.memref_slice %arg10[%add3A_175, %dma_start3A_177] : memref<64x128xi32, #tpu.memory_space<vmem>> -> memref<1x128xi32, #tpu.memory_space<vmem>>
        %dma_start3A_179 = tpu.memref_squeeze %dma_start3A_178 : memref<1x128xi32, #tpu.memory_space<vmem>> -> memref<128xi32, #tpu.memory_space<vmem>>
        %dma_start3A_180 = arith.constant 0 : i32
        %dma_start3A_181 = arith.constant 0 : i32
        %dma_start3A_182 = tpu.memref_slice %arg13[%dma_start3A_180, %dma_start3A_181] : memref<10240x128xf32, #tpu.memory_space<vmem_shared>> -> memref<10240x128xf32, #tpu.memory_space<vmem_shared>>
        tpu.enqueue_indirect_dma source(%arg12 : memref<128x128xf32, #tpu.memory_space<vmem>>) target(%dma_start3A_182 : memref<10240x128xf32, #tpu.memory_space<vmem_shared>>) offsets(%dma_start3A_179 : memref<128xi32, #tpu.memory_space<vmem>>) semaphore(%run_scoped3A_176 : memref<!tpu.dma_semaphore, #tpu.memory_space<semaphore_mem>>) {add = true}
        %dma_wait3A_183 = arith.constant 0 : i32
        %dma_wait3A_184 = tpu.memref_slice %arg10[%add3A_175, %dma_wait3A_183] : memref<64x128xi32, #tpu.memory_space<vmem>> -> memref<1x128xi32, #tpu.memory_space<vmem>>
        %dma_wait3A_185 = tpu.memref_squeeze %dma_wait3A_184 : memref<1x128xi32, #tpu.memory_space<vmem>> -> memref<128xi32, #tpu.memory_space<vmem>>
        %dma_wait3A_186 = arith.constant 0 : i32
        %dma_wait3A_187 = arith.constant 0 : i32
        %dma_wait3A_188 = tpu.memref_slice %arg13[%dma_wait3A_186, %dma_wait3A_187] : memref<10240x128xf32, #tpu.memory_space<vmem_shared>> -> memref<10240x128xf32, #tpu.memory_space<vmem_shared>>
        tpu.wait_indirect_dma semaphore(%run_scoped3A_176 : memref<!tpu.dma_semaphore, #tpu.memory_space<semaphore_mem>>) src(%arg12 : memref<128x128xf32, #tpu.memory_space<vmem>>) dst(%dma_wait3A_188 : memref<10240x128xf32, #tpu.memory_space<vmem_shared>>)
        tpu.yield
      }) : () -> ()
    }
    %barrier3A_80 = arith.constant 0 : index
    tpu.barrier barrier_id(%barrier3A_80)
    %mul3A_81 = arith.constant 640 : i32
    %mul3A_82 = arith.muli %arg1, %mul3A_81 : i32
    %mul3A_83 = arith.constant 640 : i32
    %mul3A_84 = arith.muli %arg1, %mul3A_83 : i32
    %run_scoped3A_85 = arith.constant 3 : i32
    "tpu.region"() ({
      %run_scoped3A_86 = tpu.sem_alloc : memref<!tpu.dma_semaphore, #tpu.memory_space<semaphore_mem>>
      %dma_start3A = arith.constant 0 : i32
      %dma_start3A_87 = tpu.memref_slice %arg8[%arg0, %run_scoped3A_85, %mul3A_84, %dma_start3A] : memref<2x4x10240x128xf32, #tpu.memory_space<hbm>> -> memref<1x1x640x128xf32, #tpu.memory_space<hbm>>
      %dma_start3A_88 = tpu.memref_squeeze %dma_start3A_87 : memref<1x1x640x128xf32, #tpu.memory_space<hbm>> -> memref<640x128xf32, #tpu.memory_space<hbm>>
      %dma_start3A_89 = arith.constant 0 : i32
      %dma_start3A_90 = tpu.memref_slice %arg13[%mul3A_82, %dma_start3A_89] : memref<10240x128xf32, #tpu.memory_space<vmem_shared>> -> memref<640x128xf32, #tpu.memory_space<vmem_shared>>
      tpu.enqueue_dma source(%dma_start3A_90 : memref<640x128xf32, #tpu.memory_space<vmem_shared>>) target(%dma_start3A_88 : memref<640x128xf32, #tpu.memory_space<hbm>>) target_semaphore(%run_scoped3A_86 : memref<!tpu.dma_semaphore, #tpu.memory_space<semaphore_mem>>)
      %dma_wait3A = arith.constant 0 : i32
      %dma_wait3A_91 = tpu.memref_slice %arg8[%arg0, %run_scoped3A_85, %mul3A_84, %dma_wait3A] : memref<2x4x10240x128xf32, #tpu.memory_space<hbm>> -> memref<1x1x640x128xf32, #tpu.memory_space<hbm>>
      %dma_wait3A_92 = tpu.memref_squeeze %dma_wait3A_91 : memref<1x1x640x128xf32, #tpu.memory_space<hbm>> -> memref<640x128xf32, #tpu.memory_space<hbm>>
      %dma_wait3A_93 = arith.constant 0 : i32
      %dma_wait3A_94 = tpu.memref_slice %arg13[%mul3A_82, %dma_wait3A_93] : memref<10240x128xf32, #tpu.memory_space<vmem_shared>> -> memref<640x128xf32, #tpu.memory_space<vmem_shared>>
      tpu.wait_dma2 semaphore(%run_scoped3A_86 : memref<!tpu.dma_semaphore, #tpu.memory_space<semaphore_mem>>) src(%dma_wait3A_94 : memref<640x128xf32, #tpu.memory_space<vmem_shared>>) dst(%dma_wait3A_92 : memref<640x128xf32, #tpu.memory_space<hbm>>)
      tpu.yield
    }) : () -> ()
    return
  }
}

module attributes {stable_mosaic.version = 14 : i64} {
  func.func @_mm1_body(%arg0: i32, %arg1: i32, %arg2: memref<512x256xf32, #tpu.memory_space<vmem>>, %arg3: memref<256x128xf32, #tpu.memory_space<vmem>>, %arg4: memref<2x512x128xf32, #tpu.memory_space<vmem>>, %arg5: memref<1x512x128xf32, #tpu.memory_space<vmem>>) attributes {dimension_semantics = [#tpu.dimension_semantics<arbitrary>, #tpu.dimension_semantics<arbitrary>], iteration_bounds = array<i64: 4, 20>, scalar_prefetch = 0 : i64, scratch_operands = 0 : i64, tpu.core_type = #tpu.core_type<tc>, window_params = [{transform_indices = @transform_0, window_bounds = array<i64: 512, 256>}, {transform_indices = @transform_1, window_bounds = array<i64: 256, 128>}, {transform_indices = @transform_2, window_bounds = array<i64: 2, 512, 128>}, {transform_indices = @transform_3, window_bounds = array<i64: 1, 512, 128>}]} {
    %get3A = arith.constant 0 : index
    %get3A_0 = arith.constant 0 : index
    %get3A_1 = arith.constant 0 : index
    %get3A_2 = vector.load %arg4[%get3A, %get3A_0, %get3A_1] : memref<2x512x128xf32, #tpu.memory_space<vmem>>, vector<2x512x128xf32>
    %slice3A = vector.extract_strided_slice %get3A_2 {offsets = [0, 0, 0], sizes = [1, 512, 1], strides = [1, 1, 1]} : vector<2x512x128xf32> to vector<1x512x1xf32>
    %squeeze3A = vector.shape_cast %slice3A : vector<1x512x1xf32> to vector<512x1xf32>
    %slice3A_3 = vector.extract_strided_slice %get3A_2 {offsets = [1, 0, 0], sizes = [1, 512, 1], strides = [1, 1, 1]} : vector<2x512x128xf32> to vector<1x512x1xf32>
    %squeeze3A_4 = vector.shape_cast %slice3A_3 : vector<1x512x1xf32> to vector<512x1xf32>
    %add3A = arith.addf %squeeze3A, %squeeze3A_4 : vector<512x1xf32>
    %gt3A = arith.constant 0.000000e+00 : f32
    %gt3A_5 = vector.broadcast %gt3A : f32 to vector<512x1xf32>
    %gt3A_6 = arith.cmpf ogt, %add3A, %gt3A_5 : vector<512x1xf32>
    %max3A = arith.constant 9.99999996E-13 : f32
    %max3A_7 = vector.broadcast %max3A : f32 to vector<512x1xf32>
    %max3A_8 = arith.maximumf %add3A, %max3A_7 : vector<512x1xf32>
    %rsqrt3A = math.rsqrt %max3A_8 : vector<512x1xf32>
    %jit3A = arith.constant 0.000000e+00 : f32
    %broadcast_in_dim3A = vector.broadcast %jit3A : f32 to vector<512x1xf32>
    %select_n3A = arith.select %gt3A_6, %rsqrt3A, %broadcast_in_dim3A : vector<512x1xi1>, vector<512x1xf32>
    %get3A_9 = arith.constant 0 : index
    %get3A_10 = arith.constant 0 : index
    %get3A_11 = vector.load %arg2[%get3A_9, %get3A_10] : memref<512x256xf32, #tpu.memory_space<vmem>>, vector<512x256xf32>
    %get3A_12 = arith.constant 0 : index
    %get3A_13 = arith.constant 0 : index
    %get3A_14 = vector.load %arg3[%get3A_12, %get3A_13] : memref<256x128xf32, #tpu.memory_space<vmem>>, vector<256x128xf32>
    %dot_general3A = arith.constant dense<0.000000e+00> : vector<512x128xf32>
    %dot_general3A_15 = tpu.matmul %get3A_11, %get3A_14, %dot_general3A {dimension_numbers = #tpu.dot_dimension_numbers<[1], [0], [0], [1], [0, 0, 1, 1], [], []>, transpose_lhs_hint = false} : vector<512x256xf32>, vector<256x128xf32>, vector<512x128xf32> -> vector<512x128xf32>
    %mul3A = vector.broadcast %select_n3A : vector<512x1xf32> to vector<512x128xf32>
    %mul3A_16 = arith.mulf %dot_general3A_15, %mul3A : vector<512x128xf32>
    %swap3A = arith.constant 0 : index
    %swap3A_17 = arith.constant 0 : index
    %swap3A_18 = arith.constant 0 : index
    %swap3A_19 = vector.load %arg5[%swap3A, %swap3A_17, %swap3A_18] : memref<1x512x128xf32, #tpu.memory_space<vmem>>, vector<1x512x128xf32>
    %swap3A_20 = vector.shape_cast %swap3A_19 : vector<1x512x128xf32> to vector<512x128xf32>
    %swap3A_21 = vector.shape_cast %mul3A_16 : vector<512x128xf32> to vector<1x512x128xf32>
    tpu.vector_store %arg5[%swap3A, %swap3A_17, %swap3A_18], %swap3A_21 {strides = array<i32>} : memref<1x512x128xf32, #tpu.memory_space<vmem>>, vector<1x512x128xf32>,
    return
  }
  func.func @transform_0(%arg0: i32, %arg1: i32) -> (i32, i32) {
    %c0_i32 = arith.constant 0 : i32
    %c0_i32_0 = arith.constant 0 : i32
    return %arg1, %c0_i32 : i32, i32
  }
  func.func @transform_1(%arg0: i32, %arg1: i32) -> (i32, i32) {
    %c0_i32 = arith.constant 0 : i32
    %c0_i32_0 = arith.constant 0 : i32
    return %c0_i32, %arg0 : i32, i32
  }
  func.func @transform_2(%arg0: i32, %arg1: i32) -> (i32, i32, i32) {
    %c0_i32 = arith.constant 0 : i32
    %c0_i32_0 = arith.constant 0 : i32
    %c0_i32_1 = arith.constant 0 : i32
    return %c0_i32, %arg1, %c0_i32_0 : i32, i32, i32
  }
  func.func @transform_3(%arg0: i32, %arg1: i32) -> (i32, i32, i32) {
    %c0_i32 = arith.constant 0 : i32
    %c0_i32_0 = arith.constant 0 : i32
    return %arg0, %arg1, %c0_i32 : i32, i32, i32
  }
}

module attributes {stable_mosaic.version = 14 : i64} {
  func.func @_mm2_body(%arg0: i32, %arg1: i32, %arg2: memref<2x4x512x128xf32, #tpu.memory_space<vmem>>, %arg3: memref<2x512x128xf32, #tpu.memory_space<vmem>>, %arg4: memref<1x512xf32, #tpu.memory_space<vmem>>, %arg5: memref<512x128xf32, #tpu.memory_space<vmem>>, %arg6: memref<1x512x128xf32, #tpu.memory_space<vmem>>) attributes {dimension_semantics = [#tpu.dimension_semantics<arbitrary>, #tpu.dimension_semantics<arbitrary>], iteration_bounds = array<i64: 2, 20>, scalar_prefetch = 0 : i64, scratch_operands = 0 : i64, tpu.core_type = #tpu.core_type<tc>, window_params = [{transform_indices = @transform_0, window_bounds = array<i64: 2, 4, 512, 128>}, {transform_indices = @transform_1, window_bounds = array<i64: 2, 512, 128>}, {pipeline_mode = #tpu.pipeline_mode<synchronous>, transform_indices = @transform_2, window_bounds = array<i64: 1, 512>}, {transform_indices = @transform_3, window_bounds = array<i64: 512, 128>}, {transform_indices = @transform_4, window_bounds = array<i64: 1, 512, 128>}]} {
    %get3A = arith.constant 0 : index
    %get3A_0 = arith.constant 0 : index
    %get3A_1 = arith.constant 0 : index
    %get3A_2 = vector.load %arg3[%get3A, %get3A_0, %get3A_1] : memref<2x512x128xf32, #tpu.memory_space<vmem>>, vector<2x512x128xf32>
    %slice3A = vector.extract_strided_slice %get3A_2 {offsets = [0, 0, 0], sizes = [1, 512, 1], strides = [1, 1, 1]} : vector<2x512x128xf32> to vector<1x512x1xf32>
    %squeeze3A = vector.shape_cast %slice3A : vector<1x512x1xf32> to vector<512x1xf32>
    %slice3A_3 = vector.extract_strided_slice %get3A_2 {offsets = [1, 0, 0], sizes = [1, 512, 1], strides = [1, 1, 1]} : vector<2x512x128xf32> to vector<1x512x1xf32>
    %squeeze3A_4 = vector.shape_cast %slice3A_3 : vector<1x512x1xf32> to vector<512x1xf32>
    %add3A = arith.addf %squeeze3A, %squeeze3A_4 : vector<512x1xf32>
    %gt3A = arith.constant 0.000000e+00 : f32
    %gt3A_5 = vector.broadcast %gt3A : f32 to vector<512x1xf32>
    %gt3A_6 = arith.cmpf ogt, %add3A, %gt3A_5 : vector<512x1xf32>
    %max3A = arith.constant 9.99999996E-13 : f32
    %max3A_7 = vector.broadcast %max3A : f32 to vector<512x1xf32>
    %max3A_8 = arith.maximumf %add3A, %max3A_7 : vector<512x1xf32>
    %rsqrt3A = math.rsqrt %max3A_8 : vector<512x1xf32>
    %jit3A = arith.constant 0.000000e+00 : f32
    %broadcast_in_dim3A = vector.broadcast %jit3A : f32 to vector<512x1xf32>
    %select_n3A = arith.select %gt3A_6, %rsqrt3A, %broadcast_in_dim3A : vector<512x1xi1>, vector<512x1xf32>
    %get3A_9 = arith.constant 0 : index
    %get3A_10 = arith.constant 0 : index
    %get3A_11 = arith.constant 0 : index
    %get3A_12 = arith.constant 0 : index
    %get3A_13 = vector.load %arg2[%get3A_9, %get3A_10, %get3A_11, %get3A_12] : memref<2x4x512x128xf32, #tpu.memory_space<vmem>>, vector<2x4x512x128xf32>
    %slice3A_14 = vector.extract_strided_slice %get3A_13 {offsets = [0, 0, 0, 0], sizes = [1, 1, 512, 128], strides = [1, 1, 1, 1]} : vector<2x4x512x128xf32> to vector<1x1x512x128xf32>
    %squeeze3A_15 = vector.shape_cast %slice3A_14 : vector<1x1x512x128xf32> to vector<512x128xf32>
    %slice3A_16 = vector.extract_strided_slice %get3A_13 {offsets = [1, 0, 0, 0], sizes = [1, 1, 512, 128], strides = [1, 1, 1, 1]} : vector<2x4x512x128xf32> to vector<1x1x512x128xf32>
    %squeeze3A_17 = vector.shape_cast %slice3A_16 : vector<1x1x512x128xf32> to vector<512x128xf32>
    %add3A_18 = arith.addf %squeeze3A_15, %squeeze3A_17 : vector<512x128xf32>
    %slice3A_19 = vector.extract_strided_slice %get3A_13 {offsets = [0, 1, 0, 0], sizes = [1, 1, 512, 128], strides = [1, 1, 1, 1]} : vector<2x4x512x128xf32> to vector<1x1x512x128xf32>
    %squeeze3A_20 = vector.shape_cast %slice3A_19 : vector<1x1x512x128xf32> to vector<512x128xf32>
    %slice3A_21 = vector.extract_strided_slice %get3A_13 {offsets = [1, 1, 0, 0], sizes = [1, 1, 512, 128], strides = [1, 1, 1, 1]} : vector<2x4x512x128xf32> to vector<1x1x512x128xf32>
    %squeeze3A_22 = vector.shape_cast %slice3A_21 : vector<1x1x512x128xf32> to vector<512x128xf32>
    %add3A_23 = arith.addf %squeeze3A_20, %squeeze3A_22 : vector<512x128xf32>
    %slice3A_24 = vector.extract_strided_slice %get3A_13 {offsets = [0, 2, 0, 0], sizes = [1, 1, 512, 128], strides = [1, 1, 1, 1]} : vector<2x4x512x128xf32> to vector<1x1x512x128xf32>
    %squeeze3A_25 = vector.shape_cast %slice3A_24 : vector<1x1x512x128xf32> to vector<512x128xf32>
    %slice3A_26 = vector.extract_strided_slice %get3A_13 {offsets = [1, 2, 0, 0], sizes = [1, 1, 512, 128], strides = [1, 1, 1, 1]} : vector<2x4x512x128xf32> to vector<1x1x512x128xf32>
    %squeeze3A_27 = vector.shape_cast %slice3A_26 : vector<1x1x512x128xf32> to vector<512x128xf32>
    %add3A_28 = arith.addf %squeeze3A_25, %squeeze3A_27 : vector<512x128xf32>
    %slice3A_29 = vector.extract_strided_slice %get3A_13 {offsets = [0, 3, 0, 0], sizes = [1, 1, 512, 128], strides = [1, 1, 1, 1]} : vector<2x4x512x128xf32> to vector<1x1x512x128xf32>
    %squeeze3A_30 = vector.shape_cast %slice3A_29 : vector<1x1x512x128xf32> to vector<512x128xf32>
    %slice3A_31 = vector.extract_strided_slice %get3A_13 {offsets = [1, 3, 0, 0], sizes = [1, 1, 512, 128], strides = [1, 1, 1, 1]} : vector<2x4x512x128xf32> to vector<1x1x512x128xf32>
    %squeeze3A_32 = vector.shape_cast %slice3A_31 : vector<1x1x512x128xf32> to vector<512x128xf32>
    %add3A_33 = arith.addf %squeeze3A_30, %squeeze3A_32 : vector<512x128xf32>
    %concatenate3A = tpu.concatenate %add3A_18, %add3A_23, %add3A_28, %add3A_33 in 1 : vector<512x128xf32>, vector<512x128xf32>, vector<512x128xf32>, vector<512x128xf32> -> vector<512x512xf32>
    %mul3A = vector.broadcast %select_n3A : vector<512x1xf32> to vector<512x512xf32>
    %mul3A_34 = arith.mulf %concatenate3A, %mul3A : vector<512x512xf32>
    %get3A_35 = arith.constant 0 : index
    %get3A_36 = arith.constant 0 : index
    %get3A_37 = vector.load %arg4[%get3A_35, %get3A_36] : memref<1x512xf32, #tpu.memory_space<vmem>>, vector<1x512xf32>
    %add3A_38 = vector.broadcast %get3A_37 : vector<1x512xf32> to vector<512x512xf32>
    %add3A_39 = arith.addf %mul3A_34, %add3A_38 : vector<512x512xf32>
    %max3A_40 = arith.constant 0.000000e+00 : f32
    %max3A_41 = vector.broadcast %max3A_40 : f32 to vector<512x512xf32>
    %max3A_42 = arith.maximumf %add3A_39, %max3A_41 : vector<512x512xf32>
    %get3A_43 = arith.constant 0 : index
    %get3A_44 = arith.constant 0 : index
    %get3A_45 = vector.load %arg5[%get3A_43, %get3A_44] : memref<512x128xf32, #tpu.memory_space<vmem>>, vector<512x128xf32>
    %dot_general3A = arith.constant dense<0.000000e+00> : vector<512x128xf32>
    %dot_general3A_46 = tpu.matmul %max3A_42, %get3A_45, %dot_general3A {dimension_numbers = #tpu.dot_dimension_numbers<[1], [0], [0], [1], [0, 0, 1, 1], [], []>, transpose_lhs_hint = false} : vector<512x512xf32>, vector<512x128xf32>, vector<512x128xf32> -> vector<512x128xf32>
    %mul3A_47 = vector.broadcast %select_n3A : vector<512x1xf32> to vector<512x128xf32>
    %mul3A_48 = arith.mulf %dot_general3A_46, %mul3A_47 : vector<512x128xf32>
    %swap3A = arith.constant 0 : index
    %swap3A_49 = arith.constant 0 : index
    %swap3A_50 = arith.constant 0 : index
    %swap3A_51 = vector.load %arg6[%swap3A, %swap3A_49, %swap3A_50] : memref<1x512x128xf32, #tpu.memory_space<vmem>>, vector<1x512x128xf32>
    %swap3A_52 = vector.shape_cast %swap3A_51 : vector<1x512x128xf32> to vector<512x128xf32>
    %swap3A_53 = vector.shape_cast %mul3A_48 : vector<512x128xf32> to vector<1x512x128xf32>
    tpu.vector_store %arg6[%swap3A, %swap3A_49, %swap3A_50], %swap3A_53 {strides = array<i32>} : memref<1x512x128xf32, #tpu.memory_space<vmem>>, vector<1x512x128xf32>,
    return
  }
  func.func @transform_0(%arg0: i32, %arg1: i32) -> (i32, i32, i32, i32) {
    %c0_i32 = arith.constant 0 : i32
    %c0_i32_0 = arith.constant 0 : i32
    %c0_i32_1 = arith.constant 0 : i32
    %c0_i32_2 = arith.constant 0 : i32
    return %c0_i32, %c0_i32_0, %arg1, %c0_i32_1 : i32, i32, i32, i32
  }
  func.func @transform_1(%arg0: i32, %arg1: i32) -> (i32, i32, i32) {
    %c0_i32 = arith.constant 0 : i32
    %c0_i32_0 = arith.constant 0 : i32
    %c0_i32_1 = arith.constant 0 : i32
    return %c0_i32, %arg1, %c0_i32_0 : i32, i32, i32
  }
  func.func @transform_2(%arg0: i32, %arg1: i32) -> (i32, i32) {
    %c0_i32 = arith.constant 0 : i32
    %c0_i32_0 = arith.constant 0 : i32
    %c0_i32_1 = arith.constant 0 : i32
    return %c0_i32, %c0_i32_0 : i32, i32
  }
  func.func @transform_3(%arg0: i32, %arg1: i32) -> (i32, i32) {
    %c0_i32 = arith.constant 0 : i32
    %c0_i32_0 = arith.constant 0 : i32
    return %c0_i32, %arg0 : i32, i32
  }
  func.func @transform_4(%arg0: i32, %arg1: i32) -> (i32, i32, i32) {
    %c0_i32 = arith.constant 0 : i32
    %c0_i32_0 = arith.constant 0 : i32
    return %arg0, %arg1, %c0_i32 : i32, i32, i32
  }
}

module attributes {stable_mosaic.version = 14 : i64} {
  func.func @_fin_body(%arg0: i32, %arg1: memref<2x2x512x128xf32, #tpu.memory_space<vmem>>, %arg2: memref<2x512x128xf32, #tpu.memory_space<vmem>>, %arg3: memref<1x256xf32, #tpu.memory_space<vmem>>, %arg4: memref<512x256xf32, #tpu.memory_space<vmem>>) attributes {dimension_semantics = [#tpu.dimension_semantics<arbitrary>], iteration_bounds = array<i64: 20>, scalar_prefetch = 0 : i64, scratch_operands = 0 : i64, tpu.core_type = #tpu.core_type<tc>, window_params = [{transform_indices = @transform_0, window_bounds = array<i64: 2, 2, 512, 128>}, {transform_indices = @transform_1, window_bounds = array<i64: 2, 512, 128>}, {pipeline_mode = #tpu.pipeline_mode<synchronous>, transform_indices = @transform_2, window_bounds = array<i64: 1, 256>}, {transform_indices = @transform_3, window_bounds = array<i64: 512, 256>}]} {
    %get3A = arith.constant 0 : index
    %get3A_0 = arith.constant 0 : index
    %get3A_1 = arith.constant 0 : index
    %get3A_2 = vector.load %arg2[%get3A, %get3A_0, %get3A_1] : memref<2x512x128xf32, #tpu.memory_space<vmem>>, vector<2x512x128xf32>
    %slice3A = vector.extract_strided_slice %get3A_2 {offsets = [0, 0, 0], sizes = [1, 512, 1], strides = [1, 1, 1]} : vector<2x512x128xf32> to vector<1x512x1xf32>
    %squeeze3A = vector.shape_cast %slice3A : vector<1x512x1xf32> to vector<512x1xf32>
    %slice3A_3 = vector.extract_strided_slice %get3A_2 {offsets = [1, 0, 0], sizes = [1, 512, 1], strides = [1, 1, 1]} : vector<2x512x128xf32> to vector<1x512x1xf32>
    %squeeze3A_4 = vector.shape_cast %slice3A_3 : vector<1x512x1xf32> to vector<512x1xf32>
    %add3A = arith.addf %squeeze3A, %squeeze3A_4 : vector<512x1xf32>
    %gt3A = arith.constant 0.000000e+00 : f32
    %gt3A_5 = vector.broadcast %gt3A : f32 to vector<512x1xf32>
    %gt3A_6 = arith.cmpf ogt, %add3A, %gt3A_5 : vector<512x1xf32>
    %max3A = arith.constant 9.99999996E-13 : f32
    %max3A_7 = vector.broadcast %max3A : f32 to vector<512x1xf32>
    %max3A_8 = arith.maximumf %add3A, %max3A_7 : vector<512x1xf32>
    %rsqrt3A = math.rsqrt %max3A_8 : vector<512x1xf32>
    %jit3A = arith.constant 0.000000e+00 : f32
    %broadcast_in_dim3A = vector.broadcast %jit3A : f32 to vector<512x1xf32>
    %select_n3A = arith.select %gt3A_6, %rsqrt3A, %broadcast_in_dim3A : vector<512x1xi1>, vector<512x1xf32>
    %get3A_9 = arith.constant 0 : index
    %get3A_10 = arith.constant 0 : index
    %get3A_11 = arith.constant 0 : index
    %get3A_12 = arith.constant 0 : index
    %get3A_13 = vector.load %arg1[%get3A_9, %get3A_10, %get3A_11, %get3A_12] : memref<2x2x512x128xf32, #tpu.memory_space<vmem>>, vector<2x2x512x128xf32>
    %slice3A_14 = vector.extract_strided_slice %get3A_13 {offsets = [0, 0, 0, 0], sizes = [1, 1, 512, 128], strides = [1, 1, 1, 1]} : vector<2x2x512x128xf32> to vector<1x1x512x128xf32>
    %squeeze3A_15 = vector.shape_cast %slice3A_14 : vector<1x1x512x128xf32> to vector<512x128xf32>
    %slice3A_16 = vector.extract_strided_slice %get3A_13 {offsets = [1, 0, 0, 0], sizes = [1, 1, 512, 128], strides = [1, 1, 1, 1]} : vector<2x2x512x128xf32> to vector<1x1x512x128xf32>
    %squeeze3A_17 = vector.shape_cast %slice3A_16 : vector<1x1x512x128xf32> to vector<512x128xf32>
    %add3A_18 = arith.addf %squeeze3A_15, %squeeze3A_17 : vector<512x128xf32>
    %slice3A_19 = vector.extract_strided_slice %get3A_13 {offsets = [0, 1, 0, 0], sizes = [1, 1, 512, 128], strides = [1, 1, 1, 1]} : vector<2x2x512x128xf32> to vector<1x1x512x128xf32>
    %squeeze3A_20 = vector.shape_cast %slice3A_19 : vector<1x1x512x128xf32> to vector<512x128xf32>
    %slice3A_21 = vector.extract_strided_slice %get3A_13 {offsets = [1, 1, 0, 0], sizes = [1, 1, 512, 128], strides = [1, 1, 1, 1]} : vector<2x2x512x128xf32> to vector<1x1x512x128xf32>
    %squeeze3A_22 = vector.shape_cast %slice3A_21 : vector<1x1x512x128xf32> to vector<512x128xf32>
    %add3A_23 = arith.addf %squeeze3A_20, %squeeze3A_22 : vector<512x128xf32>
    %concatenate3A = tpu.concatenate %add3A_18, %add3A_23 in 1 : vector<512x128xf32>, vector<512x128xf32> -> vector<512x256xf32>
    %mul3A = vector.broadcast %select_n3A : vector<512x1xf32> to vector<512x256xf32>
    %mul3A_24 = arith.mulf %concatenate3A, %mul3A : vector<512x256xf32>
    %get3A_25 = arith.constant 0 : index
    %get3A_26 = arith.constant 0 : index
    %get3A_27 = vector.load %arg3[%get3A_25, %get3A_26] : memref<1x256xf32, #tpu.memory_space<vmem>>, vector<1x256xf32>
    %add3A_28 = vector.broadcast %get3A_27 : vector<1x256xf32> to vector<512x256xf32>
    %add3A_29 = arith.addf %mul3A_24, %add3A_28 : vector<512x256xf32>
    %max3A_30 = arith.constant 0.000000e+00 : f32
    %max3A_31 = vector.broadcast %max3A_30 : f32 to vector<512x256xf32>
    %max3A_32 = arith.maximumf %add3A_29, %max3A_31 : vector<512x256xf32>
    %swap3A = arith.constant 0 : index
    %swap3A_33 = arith.constant 0 : index
    %swap3A_34 = vector.load %arg4[%swap3A, %swap3A_33] : memref<512x256xf32, #tpu.memory_space<vmem>>, vector<512x256xf32>
    tpu.vector_store %arg4[%swap3A, %swap3A_33], %max3A_32 {strides = array<i32>} : memref<512x256xf32, #tpu.memory_space<vmem>>, vector<512x256xf32>,
    return
  }
  func.func @transform_0(%arg0: i32) -> (i32, i32, i32, i32) {
    %c0_i32 = arith.constant 0 : i32
    %c0_i32_0 = arith.constant 0 : i32
    %c0_i32_1 = arith.constant 0 : i32
    %c0_i32_2 = arith.constant 0 : i32
    return %c0_i32, %c0_i32_0, %arg0, %c0_i32_1 : i32, i32, i32, i32
  }
  func.func @transform_1(%arg0: i32) -> (i32, i32, i32) {
    %c0_i32 = arith.constant 0 : i32
    %c0_i32_0 = arith.constant 0 : i32
    %c0_i32_1 = arith.constant 0 : i32
    return %c0_i32, %arg0, %c0_i32_0 : i32, i32, i32
  }
  func.func @transform_2(%arg0: i32) -> (i32, i32) {
    %c0_i32 = arith.constant 0 : i32
    %c0_i32_0 = arith.constant 0 : i32
    %c0_i32_1 = arith.constant 0 : i32
    return %c0_i32, %c0_i32_0 : i32, i32
  }
  func.func @transform_3(%arg0: i32) -> (i32, i32) {
    %c0_i32 = arith.constant 0 : i32
    %c0_i32_0 = arith.constant 0 : i32
    return %arg0, %c0_i32 : i32, i32
  }
}

</mosaic_0001>

<sc_bundles>
// kernel: kernel.11.cloned.1.call-start
scs
__scs_entry_jumppad:
0x0: {  	(pc) =	sbr.rel $0x88, $3  }
0x1: {  	(tag) =	ssettag $0x0;
	lr =	simm.s32 $0x1  }
0x2: {  	[smem:$0x3F9B] =	sst lr;
	_ =	strace $0xD0000000  }
0x3: {  	_ = 	snop  }
0x4: {  	_ = 	snop  }
0x5: {  	_ = 	snop  }
0x6: {  	_ = 	snop  }
0x7: {  	_ = 	snop  }
__scs_overlays_trampoline_lowered:
0x8: {  	[smem:$0x3FAA] =	sst s0  }
0x9: {  	[smem:$0x3FAB] =	sst s1  }
0xa: {  	[smem:$0x3FAC] =	sst s2  }
0xb: {  	[smem:$0x3FAD] =	sst s3  }
0xc: {  	[smem:$0x3FAE] =	sst s4  }
0xd: {  	[smem:$0x3FAF] =	sst s5  }
0xe: {  	[smem:$0x3FB0] =	sst s6  }
0xf: {  	[smem:$0x3FB1] =	sst s7  }
0x10: {  	[smem:$0x3FB2] =	sst s8  }
0x11: {  	[smem:$0x3FB3] =	sst s9;
	s0 =	simm.s32 @!p0 $0x0  }
0x12: {  	s1 =	sld [smem:$0x3F99];
	s0 =	simm.s32 @p0 $0x1  }
0x13: {  	[smem:$0x3FB4] =	sst s0;
	s0 =	simm.s32 @!p1 $0x0  }
0x14: {  	s2 =	sld [smem:$0x3F98];
	s0 =	simm.s32 @p1 $0x1  }
0x15: {  	[smem:$0x3FB5] =	sst s0;
	s0 =	simm.s32 @!p2 $0x0  }
0x16: {  	s3 =	sld [smem:$0x3FDB];
	s0 =	simm.s32 @p2 $0x1  }
0x17: {  	s4 =	simm.s32 $0x1BF5;
	[smem:$0x3FB7] =	sst s0  }
0x18: {  	s0 =	sld [smem:$0x3F9A];
	_ =	swait.ge [sflag:s4], $0x0  }
0x19: {  	s7 =	sld [smem:$0x3F9B]  }
0x1a: {  	s8 =	sadd.s32 $0xFFFFE003, lr  }
0x1b: {  	s9 =	sadd.s32 $0xFFFFFEF7, lr;
	s5 =	simm.s32 $0xFFFFFFFF;
	p2 =	slt.u32 s8, $0xFFFFF086  }
0x1c: {  	p1 =	slt.u32 s9, $0xF7A;
	s5 =	simm.s32 @!p2 $0x0  }
0x1d: {  	s5 =	simm.s32 @p1 $0x1;
	p0 =	seq.s32 s7, s2  }
0x1e: {  	s7 =	smul.u32 @!p0 $0xF7A, s2;
	p2 =	seq.s32 @!p0 s5, $0x0  }
0x1f: {  	s9 =	smul.u32 $0xF7A, s1;
	s8 =	simm.s32 @!p0 $0x1BF5;
	p2 =	por !p2, p0  }
0x20: {  	[sflag:s8] =	ssyncset.s32 @!p0 $0xFFFFF086;
	s6 =	sadd.s32 @!p0 s3, s7;
	s7 =	simm.s32 @!p0 $0x108  }
0x21: {  	s3 =	sadd.s32 s3, s9;
	s6 =	sadd.s32 @!p0 $0x88, s6;
	s7 =	simm.s32 @p2 $0x1082  }
0x22: {  	[simem:s7], [sflag:s8] =	dma.local @!p0 [hbm:s6], $0xF7A  }
0x23: {  	s9 =	sor.u32 $0xD0000000, s2;
	s6 =	simm.s32 $0x108;
	_ =	swait.ge @!p0 [sflag:s8], $0x0  }
0x24: {  	s3 =	sadd.s32 $0x88, s3;
	s6 =	simm.s32 @!p1 $0x1082;
	[sflag:s4] =	ssyncset.s32 $0xFFFFF086  }
0x25: {  	[simem:s6], [sflag:s4] =	dma.local [hbm:s3], $0xF7A  }
0x26: {  	[smem:$0x3F9B] =	sst s1;
	(tag) =	ssettag s2;
	_ =	strace s9  }
0x27: {  	s1 =	sld [smem:$0x3FAB]  }
0x28: {  	s2 =	sld [smem:$0x3FAC]  }
0x29: {  	s4 =	sld [smem:$0x3FAE]  }
0x2a: {  	p0 =	seq.s32 s5, $0x0;
	s5 =	sld [smem:$0x3FAF]  }
0x2b: {  	s6 =	sld [smem:$0x3FB0]  }
0x2c: {  	s7 =	sld [smem:$0x3FB1]  }
0x2d: {  	s3 =	simm.s32 $0x108;
	s8 =	sld [smem:$0x3FB2]  }
0x2e: {  	s3 =	simm.s32 @!p0 $0x1082;
	s9 =	sld [smem:$0x3FB3]  }
0x2f: {  	lr =	sadd.s32 s0, s3;
	s0 =	sld [smem:$0x3FAA]  }
0x30: {  	s3 =	sld [smem:$0x3FAD]  }
0x31: {  	[smem:$0x3FB6] =	sst s10  }
0x32: {  	s10 =	sld [smem:$0x3FB4];
	_ =	sdelay $0x3  }
0x33: {  	p0 =	seq.s32 s10, $0x1;
	s10 =	sld [smem:$0x3FB6];
	_ =	sdelay $0x3  }
0x34: {  	[smem:$0x3FB6] =	sst s10  }
0x35: {  	s10 =	sld [smem:$0x3FB5];
	_ =	sdelay $0x3  }
0x36: {  	p1 =	seq.s32 s10, $0x1;
	s10 =	sld [smem:$0x3FB6];
	_ =	sdelay $0x3  }
0x37: {  	[smem:$0x3FB6] =	sst s10  }
0x38: {  	s10 =	sld [smem:$0x3FB7]  }
0x39: {  	_ = 	snop;
	(pc) =	sbr.ind lr, $3  }
0x3a: {  	_ = 	snop  }
0x3b: {  	_ = 	snop  }
0x3c: {  	p2 =	seq.s32 s10, $0x1;
	s10 =	sld [smem:$0x3FB6]  }
0x3d: {  	_ =	shalt  }
0x3e: {  	_ =	shalt  }
0x3f: {  	_ =	shalt  }
0x40: {  	_ =	shalt  }
0x41: {  	_ =	shalt  }
0x42: {  	_ =	shalt  }
0x43: {  	_ =	shalt  }
0x44: {  	_ =	shalt  }
0x45: {  	_ =	shalt  }
0x46: {  	_ =	shalt  }
0x47: {  	_ =	shalt  }
0x48: {  	_ =	shalt  }
0x49: {  	_ =	shalt  }
0x4a: {  	_ =	shalt  }
0x4b: {  	_ =	shalt  }
0x4c: {  	_ =	shalt  }
0x4d: {  	_ =	shalt  }
0x4e: {  	_ =	shalt  }
0x4f: {  	_ =	shalt  }
0x50: {  	_ =	shalt  }
0x51: {  	_ =	shalt  }
0x52: {  	_ =	shalt  }
0x53: {  	_ =	shalt  }
0x54: {  	_ =	shalt  }
0x55: {  	_ =	shalt  }
0x56: {  	_ =	shalt  }
0x57: {  	_ =	shalt  }
0x58: {  	_ =	shalt  }
0x59: {  	_ =	shalt  }
0x5a: {  	_ =	shalt  }
0x5b: {  	_ =	shalt  }
0x5c: {  	_ =	shalt  }
0x5d: {  	_ =	shalt  }
0x5e: {  	_ =	shalt  }
0x5f: {  	_ =	shalt  }
0x60: {  	_ =	shalt  }
0x61: {  	_ =	shalt  }
0x62: {  	_ =	shalt  }
0x63: {  	_ =	shalt  }
0x64: {  	_ =	shalt  }
0x65: {  	_ =	shalt  }
0x66: {  	_ =	shalt  }
0x67: {  	_ =	shalt  }
0x68: {  	_ =	shalt  }
0x69: {  	_ =	shalt  }
0x6a: {  	_ =	shalt  }
0x6b: {  	_ =	shalt  }
0x6c: {  	_ =	shalt  }
0x6d: {  	_ =	shalt  }
0x6e: {  	_ =	shalt  }
0x6f: {  	_ =	shalt  }
0x70: {  	_ =	shalt  }
0x71: {  	_ =	shalt  }
0x72: {  	_ =	shalt  }
0x73: {  	_ =	shalt  }
0x74: {  	_ =	shalt  }
0x75: {  	_ =	shalt  }
0x76: {  	_ =	shalt  }
0x77: {  	_ =	shalt  }
0x78: {  	_ =	shalt  }
0x79: {  	_ =	shalt  }
0x7a: {  	_ =	shalt  }
0x7b: {  	_ =	shalt  }
0x7c: {  	_ =	shalt  }
0x7d: {  	_ =	shalt  }
0x7e: {  	_ =	shalt  }
0x7f: {  	_ =	shalt  }
0x80: {  	_ =	shalt  }
0x81: {  	_ =	shalt  }
0x82: {  	_ =	shalt  }
0x83: {  	_ =	shalt  }
0x84: {  	_ =	shalt  }
0x85: {  	_ =	shalt  }
0x86: {  	_ =	shalt  }
0x87: {  	_ =	shalt  }
.Lfunc_end0:
.L_simem_size_0:
called_computation.1_lowered:
.L_overlay_start_0:
0x88: {  	s2 =	sld [smem:$0x3FD9]  }
0x89: {  	s3 =	sld [smem:$0x3FFE];
	_ =	sdelay $0x1  }
0x8a: {  	s1 =	srdreg.scid  }
0x8b: {  	s0 =	sand.u32 $0x1, s1  }
0x8c: {  	s16 =	sshll.u32 s0, $0xA;
	s2 =	sadd.s32 s3, s2  }
0x8d: {  	s2 =	sadd.s32 s2, s16  }
0x8e: {  	[smem:$0x3FC2] =	sst s2  }
0x8f: {  	_ = 	snop  }
0x90: {  	(tm) =	ssettm $0x1  }
0x91: {  	s17 =	sld [smem:$0x3FFB];
	_ =	sdelay $0x3  }
0x92: {  	_ =	strace s17  }
0x93: {  	s2 =	sld [smem:$0x3FFC];
	_ =	sdelay $0x3  }
0x94: {  	_ =	strace s2  }
0x95: {  	s2 =	sld [smem:$0x3FFD];
	_ =	sdelay $0x3  }
0x96: {  	_ =	strace s2  }
0x97: {  	_ =	strace $0x8FFFFFFF  }
0x98: {  	s18 =	sld [smem:$0x3FDB];
	_ =	sdelay $0x1  }
0x99: {  	s19 =	simm.s32 $_scs_section_size  }
0x9a: {  	s4 =	simm.s32 $_size__tile_overlayer_lowered;
	s5 =	simm.s32 $_tile_overlayer_lowered  }
0x9b: {  	s22 =	simm.s32 $0x1BFF;
	s21 =	sshll.u32 s5, $0x1;
	s2 =	sadd.s32 s19, s18  }
0x9c: {  	s6 =	simm.s32 $0x0;
	s20 =	sshll.u32 s4, $0x1;
	s4 =	sadd.s32 s21, s2  }
0x9d: {  	[timem:s6], [sflag:s22] =	dma.local [hbm:s4], s20  }
0x9e: {  	_ =	swait.ge [sflag:s22], s20  }
0x9f: {  	s3 =	ssub.s32 $0x0, s20;
	[sflag:s22] =	ssyncset.done $0x0  }
0xa0: {  	[sflag:s22] =	ssyncadd.s32 s3;
	_ =	sdelay $0x1  }
0xa1: {  	s23 =	simm.s32 $0x1B8B  }
0xa2: {  	_ =	swait.ge [sflag:s23], $0x1  }
0xa3: {  	[sflag:s23] =	ssyncset.done $0x0  }
0xa4: {  	s25 =	simm.s32 $0x1B8E;
	s24 =	sld [smem:$0x3FFE];
	[sflag:s23] =	ssyncadd.s32 $0xFFFFFFFF  }
0xa5: {  	s26 =	simm.s32 $execute0_lowered;
	[smem:$0x3FD2] =	sst s25  }
0xa6: {  	s4 =	sshll.u32 s26, $0x1;
	_ =	strace $0x80000049;
	[dreg:$0x1] =	wrdreg $0xFFFFFFFF  }
0xa7: {  	s28 =	simm.s32 $_size_execute0_lowered;
	s2 =	sadd.s32 s2, s4;
	[dreg:$0x0] =	wrdreg $0x0  }
0xa8: {  	s4 =	sshll.u32 s28, $0x1;
	[dreg:$0x2] =	wrdreg s2  }
0xa9: {  	[dreg:$0x3] =	wrdreg s4  }
0xaa: {  	[dreg:$0x4] =	wrdreg $0xC0  }
0xab: {  	_ =	task [dreg:s6], $0x5FFFF  }
0xac: {  	[dreg:$0x1] =	wrdreg $0xFFFFFFFF  }
0xad: {  	[dreg:$0x0] =	wrdreg $0x60  }
0xae: {  	[dreg:$0x2] =	wrdreg s24  }
0xaf: {  	[dreg:$0x3] =	wrdreg $0x80800  }
0xb0: {  	[dreg:$0x4] =	wrdreg $0x9  }
0xb1: {  	_ =	task.clear_ibuf [dreg:s6], $0x5FFFF;
	_ =	strace $0x90000049  }
0xb2: {  	s29 =	simm.s32 $0x9;
	_ =	strace $0x8000004B  }
0xb3: {  	_ =	swait.ge [sflag:s29], $0x1  }
0xb4: {  	[sflag:s29] =	ssyncadd.s32 $0xFFFFFFFF  }
0xb5: {  	_ =	strace $0x9000004B  }
0xb6: {  	_ =	sfence  }
0xb7: {  	s30 =	sld [smem:$0x0];
	_ =	sdelay $0x2  }
0xb8: {  	s31 =	sshll.u32 s1, $0xD;
	s1 =	sshrl.u32 s1, $0x2  }
0xb9: {  	s3 =	sand.u32 $0x4000, s31;
	s1 =	sadd.s32 s1, s30  }
0xba: {  	s0 =	sor.u32 s3, s0;
	s1 =	sshll.u32 s1, $0x11  }
0xbb: {  	s0 =	sor.u32 s1, s0  }
0xbc: {  	s0 =	sadd.s32 $0x8F2B, s0  }
0xbd: {  	[sflag:s0] =	ssyncadd.remote.s32 $0x1  }
0xbe: {  	_ =	sfence.sel $0xFFFF  }
0xbf: {  	[dreg:$0x0] =	wrdreg $0xFFFFFFFF;
	(pc) =	sbr.abs _section_cstart, $3  }
0xc0: {  	[dreg:$0x1] =	wrdreg $0xFFFFFFFF  }
0xc1: {  	_ =	task.clear_ibuf [dreg:s6], $0x2FFFF;
	_ =	strace $0x9FFFFFFF  }
0xc2: {  	(tm) =	ssettm $0x7FFFFFFF  }
0xc3: {  	_ =	shalt  }
tec
execute0_lowered:
.L_overlay_start_1:
0x0: {  	(tag) =	ssettag $0x1  }
0x1: {  	s6 =	rddreg [dreg:$0x0]  }
0x2: {  	s0 =	stileid.u32;
	s1 =	srdreg.scid  }
0x3: {  	s2 =	rddreg [dreg:$0x1];
	s3 =	simm.s32 $0x0;
	s20 =	simm.s32 $0x80  }
0x4: {  	s21 =	simm.s32 $0x4000;
	s22 =	simm.s32 $0x4080;
	s23 =	simm.s32 $0x1  }
0x5: {  	s5 =	smul.u32 $0x180, s0;
	s17 =	sand.u32 $0x1, s1;
	s1 =	rddreg [dreg:$0x2]  }
0x6: {  	[smem:$0x7FF] =	sst s3;
	s8 =	sshll.u32 s0, $0xA;
	s9 =	smul.u32 $0x14000, s0  }
0x7: {  	s4 =	sadd.s32 $0x60000, s6;
	s12 =	smul.u32 $0x50000, s0;
	s19 =	sshll.u32 s0, $0x6  }
0x8: {  	s7 =	smul.u32 $0x500000, s17;
	_ =	strace $0x8000004A;
	s11 =	sadd.s32 s8, s6  }
0x9: {  	s30 =	ssub.s32 $0x2, s17;
	p0 =	seq.s32 s17, $0x0;
	s10 =	sadd.s32 s5, s6  }
0xa: {  	s5 =	sadd.s32 $0x2800, s6;
	s31 =	sshrl.u32 s30, $0x1;
	s12 =	sshrl.u32 s12, $0x2  }
0xb: {  	s7 =	sadd.s32 s9, s7;
	s16 =	ssub.s32 s30, s31;
	s8 =	sadd.s32 $0x55000, s10  }
0xc: {  	s9 =	sadd.s32 $0x56800, s10;
	s10 =	sadd.s32 $0x5C000, s11;
	s11 =	sadd.s32 $0x58000, s11  }
0xd: {  	s18 =	sadd.s32 s12, s2;
	s7 =	sshrl.u32 s7, $0x3;
	s16 =	smax.u32 s16, $0x1  }
0xe: {  	s18 =	sshrl.u32 s18, $0x3;
	s15 =	sadd.s32 s7, s6;
	s7 =	simm.s32 $0x40  }
0xf: {  	s6 =	simm.s32 $0x40;
	s7 =	simm.s32 @!p0 $0x14;
	s12 =	sadd.s32 $0x100000, s15  }
0x10: {  	s13 =	sadd.s32 $0x128000, s15;
	s14 =	sadd.s32 $0x150000, s15;
	s15 =	sadd.s32 $0x178000, s15  }
0x11: {  	p0 =	sne.s32 s17, $0x0;
	s17 =	sor.u32 $0x1C02, s19;
	s19 =	simm.s32 $0x2  }
.LBB2_1:
0x12: {  	s24 =	simm.s32 @p0 $0x0;
	s25 =	simm.s32 @p0 $0x2  }
0x13: {  	[tilespmem:s24], [sflag:$0x2] =	stream.linear.gather @p0 [hbm4b:s8+s24], $0xA00, $0x38;
	[tilespmem:$0x1C080] =	vst v63  }
0x14: {  	_ =	swait.ge @p0 [sflag:s25], $0xA00  }
0x15: {  	[sflag:s25] =	ssyncset.done @p0 $0x0  }
0x16: {  	s26 =	simm.s32 @p0 $0x2000;
	[sflag:s25] =	ssyncadd.s32 @p0 $0xFFFFF600  }
0x17: {  	[tilespmem:s26], [sflag:$0x2] =	stream.linear.gather @p0 [hbm4b:s9+s24], $0xA00, $0x38;
	[tilespmem:$0x1C080] =	vst v63  }
0x18: {  	_ =	swait.ge @p0 [sflag:s25], $0xA00  }
0x19: {  	[sflag:s25] =	ssyncset.done @p0 $0x0  }
0x1a: {  	s24 =	simm.s32 @!p0 $0x0;
	[sflag:s25] =	ssyncadd.s32 @p0 $0xFFFFF600;
	s25 =	simm.s32 @!p0 $0x2  }
0x1b: {  	[tilespmem:s24], [sflag:$0x2] =	stream.linear.gather @!p0 [hbm4b:s10+s24], $0x2000, $0x38;
	[tilespmem:$0x1C080] =	vst v63  }
0x1c: {  	_ =	swait.ge @!p0 [sflag:s25], $0x2000  }
0x1d: {  	[sflag:s25] =	ssyncset.done @!p0 $0x0  }
0x1e: {  	s26 =	simm.s32 @!p0 $0x2000;
	[sflag:s25] =	ssyncadd.s32 @!p0 $0xFFFFE000  }
0x1f: {  	[tilespmem:s26], [sflag:$0x2] =	stream.linear.gather @!p0 [hbm4b:s11+s24], $0x2000, $0x38;
	[tilespmem:$0x1C080] =	vst v63  }
0x20: {  	_ =	swait.ge @!p0 [sflag:s25], $0x2000  }
0x21: {  	[sflag:s25] =	ssyncset.done @!p0 $0x0  }
0x22: {  	[sflag:s25] =	ssyncadd.s32 @!p0 $0xFFFFE000  }
0x23: {  	[spmem:s18], [sflag:s17] =	dma.local [hbm:s5], $0x2800  }
0x24: {  	_ =	swait.ge [sflag:s19], $0x2800  }
0x25: {  	[sflag:s19] =	ssyncset.done $0x0  }
0x26: {  	[sflag:s19] =	ssyncadd.s32 $0xFFFFD800  }
0x27: {  	[bflag:$0x0] =	sbarrier.arrive $0xFFFF  }
0x28: {  	v0 =	vld [tilespmem:s6+$0xFFFFFFC0];
	_ =	sdelay $0x4  }
0x29: {  	[tilespmem:$0x4000] =	vst v0  }
0x2a: {  	v0 =	vld [tilespmem:s6+$0xFFFFFFD0];
	_ =	sdelay $0x4  }
0x2b: {  	[tilespmem:$0x4010] =	vst v0  }
0x2c: {  	v0 =	vld [tilespmem:s6+$0xFFFFFFE0];
	_ =	sdelay $0x4  }
0x2d: {  	[tilespmem:$0x4020] =	vst v0  }
0x2e: {  	v0 =	vld [tilespmem:s6+$0xFFFFFFF0];
	_ =	sdelay $0x4  }
0x2f: {  	[tilespmem:$0x4030] =	vst v0  }
0x30: {  	v0 =	vld [tilespmem:s6+$0x0];
	_ =	sdelay $0x4  }
0x31: {  	[tilespmem:$0x4040] =	vst v0  }
0x32: {  	v0 =	vld [tilespmem:s6+$0x10];
	_ =	sdelay $0x4  }
0x33: {  	[tilespmem:$0x4050] =	vst v0  }
0x34: {  	v0 =	vld [tilespmem:s6+$0x20];
	_ =	sdelay $0x4  }
0x35: {  	[tilespmem:$0x4060] =	vst v0  }
0x36: {  	v0 =	vld [tilespmem:s6+$0x30];
	_ =	sdelay $0x4  }
0x37: {  	[tilespmem:$0x4070] =	vst v0  }
0x38: {  	[tilespmem:s22], [sflag:$0x1] =	stream.indirect.gather [hbm4b:s4+s20], $0x80, s21, s20, $0xb8;
	[tilespmem:$0x1C080] =	vst v63  }
0x39: {  	p1 =	sne.s32 s7, $0x1;
	_ =	swait.ge [sflag:s23], $0x4000  }
.Ltmp0:
0x3a: {  	[sflag:s23] =	ssyncset.done $0x0;
	(pc) =	sbr.rel @!p1 .LBB2_3-.Ltmp0, $4  }
0x3b: {  	s25 =	simm.s32 $0x2000;
	[sflag:s23] =	ssyncadd.s32 $0xFFFFC000  }
0x3c: {  	[spmem:s2] =	stream.indirect.scatter.add.f32 [tilespmem:s22], [sflag:$0x2], $0x80, s25, s20, $0xb8;
	[tilespmem:$0x1C080] =	vst v63  }
0x3d: {  	s28 =	simm.s32 $0x40;
	_ =	swait.ge [sflag:s19], $0x4000  }
0x3e: {  	s24 =	sadd.s32 $0xFFFFFFFF, s7;
	s26 =	simm.s32 $0x2000;
	[sflag:s19] =	ssyncset.done $0x0  }
.LBB2_2:
0x3f: {  	[sflag:s19] =	ssyncadd.s32 $0xFFFFC000;
	s26 =	sadd.s32 $0x80, s26;
	s28 =	sadd.s32 $0x80, s28  }
0x40: {  	p2 =	sne.s32 s24, $0x1;
	s24 =	sadd.s32 $0xFFFFFFFF, s24;
	v0 =	vld [tilespmem:s28+$0xFFFFFFC0];
	_ =	sdelay $0x4  }
0x41: {  	[tilespmem:$0x4000] =	vst v0  }
0x42: {  	v0 =	vld [tilespmem:s28+$0xFFFFFFD0];
	_ =	sdelay $0x4  }
0x43: {  	[tilespmem:$0x4010] =	vst v0  }
0x44: {  	v0 =	vld [tilespmem:s28+$0xFFFFFFE0];
	_ =	sdelay $0x4  }
0x45: {  	[tilespmem:$0x4020] =	vst v0  }
0x46: {  	v0 =	vld [tilespmem:s28+$0xFFFFFFF0];
	_ =	sdelay $0x4  }
0x47: {  	[tilespmem:$0x4030] =	vst v0  }
0x48: {  	v0 =	vld [tilespmem:s28+$0x0];
	_ =	sdelay $0x4  }
0x49: {  	[tilespmem:$0x4040] =	vst v0  }
0x4a: {  	v0 =	vld [tilespmem:s28+$0x10];
	_ =	sdelay $0x4  }
0x4b: {  	[tilespmem:$0x4050] =	vst v0  }
0x4c: {  	v0 =	vld [tilespmem:s28+$0x20];
	_ =	sdelay $0x4  }
0x4d: {  	[tilespmem:$0x4060] =	vst v0  }
0x4e: {  	v0 =	vld [tilespmem:s28+$0x30];
	_ =	sdelay $0x4  }
0x4f: {  	[tilespmem:$0x4070] =	vst v0  }
0x50: {  	[tilespmem:s22], [sflag:$0x1] =	stream.indirect.gather [hbm4b:s4+s20], $0x80, s21, s20, $0xb8;
	[tilespmem:$0x1C080] =	vst v63  }
0x51: {  	_ =	swait.ge [sflag:s23], $0x4000  }
.Ltmp1:
0x52: {  	[sflag:s23] =	ssyncset.done $0x0;
	(pc) =	sbr.rel @p2 .LBB2_2-.Ltmp1, $4  }
0x53: {  	[sflag:s23] =	ssyncadd.s32 $0xFFFFC000  }
0x54: {  	[spmem:s2] =	stream.indirect.scatter.add.f32 [tilespmem:s22], [sflag:$0x2], $0x80, s26, s20, $0xb8;
	[tilespmem:$0x1C080] =	vst v63  }
0x55: {  	_ =	swait.ge [sflag:s19], $0x4000  }
0x56: {  	[sflag:s19] =	ssyncset.done $0x0  }
.LBB2_3:
0x57: {  	[sflag:s19] =	ssyncadd.s32 $0xFFFFC000  }
0x58: {  	[bflag:$0x0] =	sbarrier.arrive $0xFFFF  }
0x59: {  	[hbm:s12], [sflag:s17] =	dma.local [spmem:s18], $0x2800  }
0x5a: {  	_ =	swait.ge [sflag:s19], $0x2800  }
0x5b: {  	[sflag:s19] =	ssyncset.done $0x0  }
0x5c: {  	[sflag:s19] =	ssyncadd.s32 $0xFFFFD800  }
0x5d: {  	[spmem:s18], [sflag:s17] =	dma.local [hbm:s5], $0x2800  }
0x5e: {  	_ =	swait.ge [sflag:s19], $0x2800  }
0x5f: {  	[sflag:s19] =	ssyncset.done $0x0  }
0x60: {  	[sflag:s19] =	ssyncadd.s32 $0xFFFFD800  }
0x61: {  	s24 =	simm.s32 $0x40;
	[bflag:$0x0] =	sbarrier.arrive $0xFFFF  }
0x62: {  	v0 =	vld [tilespmem:s24+$0xFFFFFFC0];
	_ =	sdelay $0x4  }
0x63: {  	v0 =	vadd.s32 $0x2800, v0  }
0x64: {  	[tilespmem:$0x4000] =	vst v0  }
0x65: {  	v0 =	vld [tilespmem:s24+$0xFFFFFFD0];
	_ =	sdelay $0x4  }
0x66: {  	v0 =	vadd.s32 $0x2800, v0  }
0x67: {  	[tilespmem:$0x4010] =	vst v0  }
0x68: {  	v0 =	vld [tilespmem:s24+$0xFFFFFFE0];
	_ =	sdelay $0x4  }
0x69: {  	v0 =	vadd.s32 $0x2800, v0  }
0x6a: {  	[tilespmem:$0x4020] =	vst v0  }
0x6b: {  	v0 =	vld [tilespmem:s24+$0xFFFFFFF0];
	_ =	sdelay $0x4  }
0x6c: {  	v0 =	vadd.s32 $0x2800, v0  }
0x6d: {  	[tilespmem:$0x4030] =	vst v0  }
0x6e: {  	v0 =	vld [tilespmem:s24+$0x0];
	_ =	sdelay $0x4  }
0x6f: {  	v0 =	vadd.s32 $0x2800, v0  }
0x70: {  	[tilespmem:$0x4040] =	vst v0  }
0x71: {  	v0 =	vld [tilespmem:s24+$0x10];
	_ =	sdelay $0x4  }
0x72: {  	v0 =	vadd.s32 $0x2800, v0  }
0x73: {  	[tilespmem:$0x4050] =	vst v0  }
0x74: {  	v0 =	vld [tilespmem:s24+$0x20];
	_ =	sdelay $0x4  }
0x75: {  	v0 =	vadd.s32 $0x2800, v0  }
0x76: {  	[tilespmem:$0x4060] =	vst v0  }
0x77: {  	v0 =	vld [tilespmem:s24+$0x30];
	_ =	sdelay $0x4  }
0x78: {  	v0 =	vadd.s32 $0x2800, v0  }
0x79: {  	[tilespmem:$0x4070] =	vst v0  }
0x7a: {  	[tilespmem:s22], [sflag:$0x1] =	stream.indirect.gather [hbm4b:s4+s20], $0x80, s21, s20, $0xb8;
	[tilespmem:$0x1C080] =	vst v63  }
0x7b: {  	_ =	swait.ge [sflag:s23], $0x4000  }
.Ltmp2:
0x7c: {  	[sflag:s23] =	ssyncset.done $0x0;
	(pc) =	sbr.rel @!p1 .LBB2_5-.Ltmp2, $4  }
0x7d: {  	[sflag:s23] =	ssyncadd.s32 $0xFFFFC000  }
0x7e: {  	[spmem:s2] =	stream.indirect.scatter.add.f32 [tilespmem:s22], [sflag:$0x2], $0x80, s25, s20, $0xb8;
	[tilespmem:$0x1C080] =	vst v63  }
0x7f: {  	_ =	swait.ge [sflag:s19], $0x4000  }
0x80: {  	s26 =	sadd.s32 $0xFFFFFFFF, s7;
	s28 =	simm.s32 $0x40;
	[sflag:s19] =	ssyncset.done $0x0  }
.LBB2_4:
0x81: {  	[sflag:s19] =	ssyncadd.s32 $0xFFFFC000;
	s25 =	sadd.s32 $0x80, s25;
	s28 =	sadd.s32 $0x80, s28  }
0x82: {  	p2 =	sne.s32 s26, $0x1;
	s26 =	sadd.s32 $0xFFFFFFFF, s26;
	v0 =	vld [tilespmem:s28+$0xFFFFFFC0];
	_ =	sdelay $0x4  }
0x83: {  	v0 =	vadd.s32 $0x2800, v0  }
0x84: {  	[tilespmem:$0x4000] =	vst v0  }
0x85: {  	v0 =	vld [tilespmem:s28+$0xFFFFFFD0];
	_ =	sdelay $0x4  }
0x86: {  	v0 =	vadd.s32 $0x2800, v0  }
0x87: {  	[tilespmem:$0x4010] =	vst v0  }
0x88: {  	v0 =	vld [tilespmem:s28+$0xFFFFFFE0];
	_ =	sdelay $0x4  }
0x89: {  	v0 =	vadd.s32 $0x2800, v0  }
0x8a: {  	[tilespmem:$0x4020] =	vst v0  }
0x8b: {  	v0 =	vld [tilespmem:s28+$0xFFFFFFF0];
	_ =	sdelay $0x4  }
0x8c: {  	v0 =	vadd.s32 $0x2800, v0  }
0x8d: {  	[tilespmem:$0x4030] =	vst v0  }
0x8e: {  	v0 =	vld [tilespmem:s28+$0x0];
	_ =	sdelay $0x4  }
0x8f: {  	v0 =	vadd.s32 $0x2800, v0  }
0x90: {  	[tilespmem:$0x4040] =	vst v0  }
0x91: {  	v0 =	vld [tilespmem:s28+$0x10];
	_ =	sdelay $0x4  }
0x92: {  	v0 =	vadd.s32 $0x2800, v0  }
0x93: {  	[tilespmem:$0x4050] =	vst v0  }
0x94: {  	v0 =	vld [tilespmem:s28+$0x20];
	_ =	sdelay $0x4  }
0x95: {  	v0 =	vadd.s32 $0x2800, v0  }
0x96: {  	[tilespmem:$0x4060] =	vst v0  }
0x97: {  	v0 =	vld [tilespmem:s28+$0x30];
	_ =	sdelay $0x4  }
0x98: {  	v0 =	vadd.s32 $0x2800, v0  }
0x99: {  	[tilespmem:$0x4070] =	vst v0  }
0x9a: {  	[tilespmem:s22], [sflag:$0x1] =	stream.indirect.gather [hbm4b:s4+s20], $0x80, s21, s20, $0xb8;
	[tilespmem:$0x1C080] =	vst v63  }
0x9b: {  	_ =	swait.ge [sflag:s23], $0x4000  }
.Ltmp3:
0x9c: {  	[sflag:s23] =	ssyncset.done $0x0;
	(pc) =	sbr.rel @p2 .LBB2_4-.Ltmp3, $4  }
0x9d: {  	[sflag:s23] =	ssyncadd.s32 $0xFFFFC000  }
0x9e: {  	[spmem:s2] =	stream.indirect.scatter.add.f32 [tilespmem:s22], [sflag:$0x2], $0x80, s25, s20, $0xb8;
	[tilespmem:$0x1C080] =	vst v63  }
0x9f: {  	_ =	swait.ge [sflag:s19], $0x4000  }
0xa0: {  	[sflag:s19] =	ssyncset.done $0x0  }
.LBB2_5:
0xa1: {  	[sflag:s19] =	ssyncadd.s32 $0xFFFFC000  }
0xa2: {  	[bflag:$0x0] =	sbarrier.arrive $0xFFFF  }
0xa3: {  	[hbm:s13], [sflag:s17] =	dma.local [spmem:s18], $0x2800  }
0xa4: {  	_ =	swait.ge [sflag:s19], $0x2800  }
0xa5: {  	[sflag:s19] =	ssyncset.done $0x0  }
0xa6: {  	[sflag:s19] =	ssyncadd.s32 $0xFFFFD800  }
0xa7: {  	[spmem:s18], [sflag:s17] =	dma.local [hbm:s5], $0x2800  }
0xa8: {  	_ =	swait.ge [sflag:s19], $0x2800  }
0xa9: {  	[sflag:s19] =	ssyncset.done $0x0  }
0xaa: {  	[sflag:s19] =	ssyncadd.s32 $0xFFFFD800  }
0xab: {  	[bflag:$0x0] =	sbarrier.arrive $0xFFFF  }
0xac: {  	v0 =	vld [tilespmem:s24+$0xFFFFFFC0];
	_ =	sdelay $0x4  }
0xad: {  	v0 =	vadd.s32 $0x5000, v0  }
0xae: {  	[tilespmem:$0x4000] =	vst v0  }
0xaf: {  	v0 =	vld [tilespmem:s24+$0xFFFFFFD0];
	_ =	sdelay $0x4  }
0xb0: {  	v0 =	vadd.s32 $0x5000, v0  }
0xb1: {  	[tilespmem:$0x4010] =	vst v0  }
0xb2: {  	v0 =	vld [tilespmem:s24+$0xFFFFFFE0];
	_ =	sdelay $0x4  }
0xb3: {  	v0 =	vadd.s32 $0x5000, v0  }
0xb4: {  	[tilespmem:$0x4020] =	vst v0  }
0xb5: {  	v0 =	vld [tilespmem:s24+$0xFFFFFFF0];
	_ =	sdelay $0x4  }
0xb6: {  	v0 =	vadd.s32 $0x5000, v0  }
0xb7: {  	[tilespmem:$0x4030] =	vst v0  }
0xb8: {  	v0 =	vld [tilespmem:s24+$0x0];
	_ =	sdelay $0x4  }
0xb9: {  	v0 =	vadd.s32 $0x5000, v0  }
0xba: {  	[tilespmem:$0x4040] =	vst v0  }
0xbb: {  	v0 =	vld [tilespmem:s24+$0x10];
	_ =	sdelay $0x4  }
0xbc: {  	v0 =	vadd.s32 $0x5000, v0  }
0xbd: {  	[tilespmem:$0x4050] =	vst v0  }
0xbe: {  	v0 =	vld [tilespmem:s24+$0x20];
	_ =	sdelay $0x4  }
0xbf: {  	v0 =	vadd.s32 $0x5000, v0  }
0xc0: {  	[tilespmem:$0x4060] =	vst v0  }
0xc1: {  	v0 =	vld [tilespmem:s24+$0x30];
	_ =	sdelay $0x4  }
0xc2: {  	v0 =	vadd.s32 $0x5000, v0  }
0xc3: {  	[tilespmem:$0x4070] =	vst v0  }
0xc4: {  	[tilespmem:s22], [sflag:$0x1] =	stream.indirect.gather [hbm4b:s4+s20], $0x80, s21, s20, $0xb8;
	[tilespmem:$0x1C080] =	vst v63  }
0xc5: {  	_ =	swait.ge [sflag:s23], $0x4000  }
.Ltmp4:
0xc6: {  	[sflag:s23] =	ssyncset.done $0x0;
	(pc) =	sbr.rel @!p1 .LBB2_7-.Ltmp4, $4  }
0xc7: {  	s25 =	simm.s32 $0x2000;
	[sflag:s23] =	ssyncadd.s32 $0xFFFFC000  }
0xc8: {  	[spmem:s2] =	stream.indirect.scatter.add.f32 [tilespmem:s22], [sflag:$0x2], $0x80, s25, s20, $0xb8;
	[tilespmem:$0x1C080] =	vst v63  }
0xc9: {  	_ =	swait.ge [sflag:s19], $0x4000  }
0xca: {  	s26 =	sadd.s32 $0xFFFFFFFF, s7;
	s28 =	simm.s32 $0x2000;
	[sflag:s19] =	ssyncset.done $0x0  }
.LBB2_6:
0xcb: {  	[sflag:s19] =	ssyncadd.s32 $0xFFFFC000;
	s28 =	sadd.s32 $0x80, s28;
	s24 =	sadd.s32 $0x80, s24  }
0xcc: {  	p2 =	sne.s32 s26, $0x1;
	s26 =	sadd.s32 $0xFFFFFFFF, s26;
	v0 =	vld [tilespmem:s24+$0xFFFFFFC0];
	_ =	sdelay $0x4  }
0xcd: {  	v0 =	vadd.s32 $0x5000, v0  }
0xce: {  	[tilespmem:$0x4000] =	vst v0  }
0xcf: {  	v0 =	vld [tilespmem:s24+$0xFFFFFFD0];
	_ =	sdelay $0x4  }
0xd0: {  	v0 =	vadd.s32 $0x5000, v0  }
0xd1: {  	[tilespmem:$0x4010] =	vst v0  }
0xd2: {  	v0 =	vld [tilespmem:s24+$0xFFFFFFE0];
	_ =	sdelay $0x4  }
0xd3: {  	v0 =	vadd.s32 $0x5000, v0  }
0xd4: {  	[tilespmem:$0x4020] =	vst v0  }
0xd5: {  	v0 =	vld [tilespmem:s24+$0xFFFFFFF0];
	_ =	sdelay $0x4  }
0xd6: {  	v0 =	vadd.s32 $0x5000, v0  }
0xd7: {  	[tilespmem:$0x4030] =	vst v0  }
0xd8: {  	v0 =	vld [tilespmem:s24+$0x0];
	_ =	sdelay $0x4  }
0xd9: {  	v0 =	vadd.s32 $0x5000, v0  }
0xda: {  	[tilespmem:$0x4040] =	vst v0  }
0xdb: {  	v0 =	vld [tilespmem:s24+$0x10];
	_ =	sdelay $0x4  }
0xdc: {  	v0 =	vadd.s32 $0x5000, v0  }
0xdd: {  	[tilespmem:$0x4050] =	vst v0  }
0xde: {  	v0 =	vld [tilespmem:s24+$0x20];
	_ =	sdelay $0x4  }
0xdf: {  	v0 =	vadd.s32 $0x5000, v0  }
0xe0: {  	[tilespmem:$0x4060] =	vst v0  }
0xe1: {  	v0 =	vld [tilespmem:s24+$0x30];
	_ =	sdelay $0x4  }
0xe2: {  	v0 =	vadd.s32 $0x5000, v0  }
0xe3: {  	[tilespmem:$0x4070] =	vst v0  }
0xe4: {  	[tilespmem:s22], [sflag:$0x1] =	stream.indirect.gather [hbm4b:s4+s20], $0x80, s21, s20, $0xb8;
	[tilespmem:$0x1C080] =	vst v63  }
0xe5: {  	_ =	swait.ge [sflag:s23], $0x4000  }
.Ltmp5:
0xe6: {  	[sflag:s23] =	ssyncset.done $0x0;
	(pc) =	sbr.rel @p2 .LBB2_6-.Ltmp5, $4  }
0xe7: {  	[sflag:s23] =	ssyncadd.s32 $0xFFFFC000  }
0xe8: {  	[spmem:s2] =	stream.indirect.scatter.add.f32 [tilespmem:s22], [sflag:$0x2], $0x80, s28, s20, $0xb8;
	[tilespmem:$0x1C080] =	vst v63  }
0xe9: {  	_ =	swait.ge [sflag:s19], $0x4000  }
0xea: {  	[sflag:s19] =	ssyncset.done $0x0  }
.LBB2_7:
0xeb: {  	[sflag:s19] =	ssyncadd.s32 $0xFFFFC000  }
0xec: {  	[bflag:$0x0] =	sbarrier.arrive $0xFFFF  }
0xed: {  	[hbm:s14], [sflag:s17] =	dma.local [spmem:s18], $0x2800  }
0xee: {  	_ =	swait.ge [sflag:s19], $0x2800  }
0xef: {  	[sflag:s19] =	ssyncset.done $0x0  }
0xf0: {  	[sflag:s19] =	ssyncadd.s32 $0xFFFFD800  }
0xf1: {  	[spmem:s18], [sflag:s17] =	dma.local [hbm:s5], $0x2800  }
0xf2: {  	_ =	swait.ge [sflag:s19], $0x2800  }
0xf3: {  	[sflag:s19] =	ssyncset.done $0x0  }
0xf4: {  	[sflag:s19] =	ssyncadd.s32 $0xFFFFD800  }
0xf5: {  	s24 =	simm.s32 $0x40;
	[bflag:$0x0] =	sbarrier.arrive $0xFFFF  }
0xf6: {  	v0 =	vld [tilespmem:s24+$0xFFFFFFC0];
	_ =	sdelay $0x4  }
0xf7: {  	v0 =	vadd.s32 $0x7800, v0  }
0xf8: {  	[tilespmem:$0x4000] =	vst v0  }
0xf9: {  	v0 =	vld [tilespmem:s24+$0xFFFFFFD0];
	_ =	sdelay $0x4  }
0xfa: {  	v0 =	vadd.s32 $0x7800, v0  }
0xfb: {  	[tilespmem:$0x4010] =	vst v0  }
0xfc: {  	v0 =	vld [tilespmem:s24+$0xFFFFFFE0];
	_ =	sdelay $0x4  }
0xfd: {  	v0 =	vadd.s32 $0x7800, v0  }
0xfe: {  	[tilespmem:$0x4020] =	vst v0  }
0xff: {  	v0 =	vld [tilespmem:s24+$0xFFFFFFF0];
	_ =	sdelay $0x4  }
0x100: {  	v0 =	vadd.s32 $0x7800, v0  }
0x101: {  	[tilespmem:$0x4030] =	vst v0  }
0x102: {  	v0 =	vld [tilespmem:s24+$0x0];
	_ =	sdelay $0x4  }
0x103: {  	v0 =	vadd.s32 $0x7800, v0  }
0x104: {  	[tilespmem:$0x4040] =	vst v0  }
0x105: {  	v0 =	vld [tilespmem:s24+$0x10];
	_ =	sdelay $0x4  }
0x106: {  	v0 =	vadd.s32 $0x7800, v0  }
0x107: {  	[tilespmem:$0x4050] =	vst v0  }
0x108: {  	v0 =	vld [tilespmem:s24+$0x20];
	_ =	sdelay $0x4  }
0x109: {  	v0 =	vadd.s32 $0x7800, v0  }
0x10a: {  	[tilespmem:$0x4060] =	vst v0  }
0x10b: {  	v0 =	vld [tilespmem:s24+$0x30];
	_ =	sdelay $0x4  }
0x10c: {  	v0 =	vadd.s32 $0x7800, v0  }
0x10d: {  	[tilespmem:$0x4070] =	vst v0  }
0x10e: {  	[tilespmem:s22], [sflag:$0x1] =	stream.indirect.gather [hbm4b:s4+s20], $0x80, s21, s20, $0xb8;
	[tilespmem:$0x1C080] =	vst v63  }
0x10f: {  	_ =	swait.ge [sflag:s23], $0x4000  }
.Ltmp6:
0x110: {  	[sflag:s23] =	ssyncset.done $0x0;
	(pc) =	sbr.rel @!p1 .LBB2_9-.Ltmp6, $4  }
0x111: {  	[sflag:s23] =	ssyncadd.s32 $0xFFFFC000  }
0x112: {  	[spmem:s2] =	stream.indirect.scatter.add.f32 [tilespmem:s22], [sflag:$0x2], $0x80, s25, s20, $0xb8;
	[tilespmem:$0x1C080] =	vst v63  }
0x113: {  	_ =	swait.ge [sflag:s19], $0x4000  }
0x114: {  	s26 =	sadd.s32 $0xFFFFFFFF, s7;
	[sflag:s19] =	ssyncset.done $0x0  }
.LBB2_8:
0x115: {  	[sflag:s19] =	ssyncadd.s32 $0xFFFFC000;
	s25 =	sadd.s32 $0x80, s25;
	s24 =	sadd.s32 $0x80, s24  }
0x116: {  	p1 =	sne.s32 s26, $0x1;
	s26 =	sadd.s32 $0xFFFFFFFF, s26;
	v0 =	vld [tilespmem:s24+$0xFFFFFFC0];
	_ =	sdelay $0x4  }
0x117: {  	v0 =	vadd.s32 $0x7800, v0  }
0x118: {  	[tilespmem:$0x4000] =	vst v0  }
0x119: {  	v0 =	vld [tilespmem:s24+$0xFFFFFFD0];
	_ =	sdelay $0x4  }
0x11a: {  	v0 =	vadd.s32 $0x7800, v0  }
0x11b: {  	[tilespmem:$0x4010] =	vst v0  }
0x11c: {  	v0 =	vld [tilespmem:s24+$0xFFFFFFE0];
	_ =	sdelay $0x4  }
0x11d: {  	v0 =	vadd.s32 $0x7800, v0  }
0x11e: {  	[tilespmem:$0x4020] =	vst v0  }
0x11f: {  	v0 =	vld [tilespmem:s24+$0xFFFFFFF0];
	_ =	sdelay $0x4  }
0x120: {  	v0 =	vadd.s32 $0x7800, v0  }
0x121: {  	[tilespmem:$0x4030] =	vst v0  }
0x122: {  	v0 =	vld [tilespmem:s24+$0x0];
	_ =	sdelay $0x4  }
0x123: {  	v0 =	vadd.s32 $0x7800, v0  }
0x124: {  	[tilespmem:$0x4040] =	vst v0  }
0x125: {  	v0 =	vld [tilespmem:s24+$0x10];
	_ =	sdelay $0x4  }
0x126: {  	v0 =	vadd.s32 $0x7800, v0  }
0x127: {  	[tilespmem:$0x4050] =	vst v0  }
0x128: {  	v0 =	vld [tilespmem:s24+$0x20];
	_ =	sdelay $0x4  }
0x129: {  	v0 =	vadd.s32 $0x7800, v0  }
0x12a: {  	[tilespmem:$0x4060] =	vst v0  }
0x12b: {  	v0 =	vld [tilespmem:s24+$0x30];
	_ =	sdelay $0x4  }
0x12c: {  	v0 =	vadd.s32 $0x7800, v0  }
0x12d: {  	[tilespmem:$0x4070] =	vst v0  }
0x12e: {  	[tilespmem:s22], [sflag:$0x1] =	stream.indirect.gather [hbm4b:s4+s20], $0x80, s21, s20, $0xb8;
	[tilespmem:$0x1C080] =	vst v63  }
0x12f: {  	_ =	swait.ge [sflag:s23], $0x4000  }
.Ltmp7:
0x130: {  	[sflag:s23] =	ssyncset.done $0x0;
	(pc) =	sbr.rel @p1 .LBB2_8-.Ltmp7, $4  }
0x131: {  	[sflag:s23] =	ssyncadd.s32 $0xFFFFC000  }
0x132: {  	[spmem:s2] =	stream.indirect.scatter.add.f32 [tilespmem:s22], [sflag:$0x2], $0x80, s25, s20, $0xb8;
	[tilespmem:$0x1C080] =	vst v63  }
0x133: {  	_ =	swait.ge [sflag:s19], $0x4000  }
0x134: {  	[sflag:s19] =	ssyncset.done $0x0  }
.LBB2_9:
0x135: {  	s3 =	sadd.s32 $0x1, s3  }
0x136: {  	[sflag:s19] =	ssyncadd.s32 $0xFFFFC000;
	p1 =	sne.s32 s3, s16  }
.Ltmp8:
0x137: {  	[bflag:$0x0] =	sbarrier.arrive $0xFFFF;
	(pc) =	sbr.rel @p1 .LBB2_1-.Ltmp8, $4  }
0x138: {  	[hbm:s15], [sflag:s17] =	dma.local [spmem:s18], $0x2800  }
0x139: {  	_ =	swait.ge [sflag:s19], $0x2800  }
0x13a: {  	[sflag:s19] =	ssyncset.done $0x0  }
0x13b: {  	[sflag:s19] =	ssyncadd.s32 $0xFFFFD800  }
0x13c: {  	_ =	sfence.sel $0x180000  }
0x13d: {  	[bflag:$0x0] =	sbarrier.arrive $0xFFFF  }
0x13e: {  	p0 =	sne.s32 s0, $0x0;
	_ =	strace $0x9000004A  }
0x13f: {  	s0 =	sadd.s32 @!p0 $0x100000, s1;
	[bflag:$0x2] =	sbarrier.arrive $0xFFFF  }
0x140: {  	[sflag:s0] =	ssyncadd.tile.s32 @!p0 $0x1;
	_ =	shalt  }
.Lfunc_end2:
_tile_overlayer_lowered:
.L_overlay_start_2:
0x141: {  	(tag) =	ssettag $0x2  }
0x142: {  	s0 =	rddreg [dreg:$0x0];
	s2 =	stileid.u32  }
0x143: {  	s1 =	rddreg [dreg:$0x1];
	p0 =	sne.s32 s2, $0x0  }
0x144: {  	s3 =	rddreg [dreg:$0x2];
	[bflag:$0x3] =	sbarrier.arrive $0xFFFF;
	s2 =	simm.s32 @!p0 $0x1C02  }
0x145: {  	[timem:s3], [sflag:s2] =	dma.local @!p0 [hbm:s0], s1  }
0x146: {  	s0 =	simm.s32 @!p0 $0x2  }
0x147: {  	_ =	swait.ge @!p0 [sflag:s0], s1  }
0x148: {  	s1 =	ssub.s32 @!p0 $0x0, s1;
	[sflag:s0] =	ssyncset.done @!p0 $0x0  }
0x149: {  	[sflag:s0] =	ssyncadd.s32 @!p0 s1  }
0x14a: {  	[bflag:$0x3] =	sbarrier.arrive $0xFFFF  }
0x14b: {  	_ =	shalt  }

// kernel: kernel.14.cloned.1.call-start
scs
__scs_entry_jumppad:
0x0: {  	(pc) =	sbr.rel $0x88, $3  }
0x1: {  	(tag) =	ssettag $0x0;
	lr =	simm.s32 $0x1  }
0x2: {  	[smem:$0x3F9B] =	sst lr;
	_ =	strace $0xD0000000  }
0x3: {  	_ = 	snop  }
0x4: {  	_ = 	snop  }
0x5: {  	_ = 	snop  }
0x6: {  	_ = 	snop  }
0x7: {  	_ = 	snop  }
__scs_overlays_trampoline_lowered:
0x8: {  	[smem:$0x3FAA] =	sst s0  }
0x9: {  	[smem:$0x3FAB] =	sst s1  }
0xa: {  	[smem:$0x3FAC] =	sst s2  }
0xb: {  	[smem:$0x3FAD] =	sst s3  }
0xc: {  	[smem:$0x3FAE] =	sst s4  }
0xd: {  	[smem:$0x3FAF] =	sst s5  }
0xe: {  	[smem:$0x3FB0] =	sst s6  }
0xf: {  	[smem:$0x3FB1] =	sst s7  }
0x10: {  	[smem:$0x3FB2] =	sst s8  }
0x11: {  	[smem:$0x3FB3] =	sst s9;
	s0 =	simm.s32 @!p0 $0x0  }
0x12: {  	s1 =	sld [smem:$0x3F99];
	s0 =	simm.s32 @p0 $0x1  }
0x13: {  	[smem:$0x3FB4] =	sst s0;
	s0 =	simm.s32 @!p1 $0x0  }
0x14: {  	s2 =	sld [smem:$0x3F98];
	s0 =	simm.s32 @p1 $0x1  }
0x15: {  	[smem:$0x3FB5] =	sst s0;
	s0 =	simm.s32 @!p2 $0x0  }
0x16: {  	s3 =	sld [smem:$0x3FDB];
	s0 =	simm.s32 @p2 $0x1  }
0x17: {  	s4 =	simm.s32 $0x1BF5;
	[smem:$0x3FB7] =	sst s0  }
0x18: {  	s0 =	sld [smem:$0x3F9A];
	_ =	swait.ge [sflag:s4], $0x0  }
0x19: {  	s7 =	sld [smem:$0x3F9B]  }
0x1a: {  	s8 =	sadd.s32 $0xFFFFE003, lr  }
0x1b: {  	s9 =	sadd.s32 $0xFFFFFEF7, lr;
	s5 =	simm.s32 $0xFFFFFFFF;
	p2 =	slt.u32 s8, $0xFFFFF086  }
0x1c: {  	p1 =	slt.u32 s9, $0xF7A;
	s5 =	simm.s32 @!p2 $0x0  }
0x1d: {  	s5 =	simm.s32 @p1 $0x1;
	p0 =	seq.s32 s7, s2  }
0x1e: {  	s7 =	smul.u32 @!p0 $0xF7A, s2;
	p2 =	seq.s32 @!p0 s5, $0x0  }
0x1f: {  	s9 =	smul.u32 $0xF7A, s1;
	s8 =	simm.s32 @!p0 $0x1BF5;
	p2 =	por !p2, p0  }
0x20: {  	[sflag:s8] =	ssyncset.s32 @!p0 $0xFFFFF086;
	s6 =	sadd.s32 @!p0 s3, s7;
	s7 =	simm.s32 @!p0 $0x108  }
0x21: {  	s3 =	sadd.s32 s3, s9;
	s6 =	sadd.s32 @!p0 $0x88, s6;
	s7 =	simm.s32 @p2 $0x1082  }
0x22: {  	[simem:s7], [sflag:s8] =	dma.local @!p0 [hbm:s6], $0xF7A  }
0x23: {  	s9 =	sor.u32 $0xD0000000, s2;
	s6 =	simm.s32 $0x108;
	_ =	swait.ge @!p0 [sflag:s8], $0x0  }
0x24: {  	s3 =	sadd.s32 $0x88, s3;
	s6 =	simm.s32 @!p1 $0x1082;
	[sflag:s4] =	ssyncset.s32 $0xFFFFF086  }
0x25: {  	[simem:s6], [sflag:s4] =	dma.local [hbm:s3], $0xF7A  }
0x26: {  	[smem:$0x3F9B] =	sst s1;
	(tag) =	ssettag s2;
	_ =	strace s9  }
0x27: {  	s1 =	sld [smem:$0x3FAB]  }
0x28: {  	s2 =	sld [smem:$0x3FAC]  }
0x29: {  	s4 =	sld [smem:$0x3FAE]  }
0x2a: {  	p0 =	seq.s32 s5, $0x0;
	s5 =	sld [smem:$0x3FAF]  }
0x2b: {  	s6 =	sld [smem:$0x3FB0]  }
0x2c: {  	s7 =	sld [smem:$0x3FB1]  }
0x2d: {  	s3 =	simm.s32 $0x108;
	s8 =	sld [smem:$0x3FB2]  }
0x2e: {  	s3 =	simm.s32 @!p0 $0x1082;
	s9 =	sld [smem:$0x3FB3]  }
0x2f: {  	lr =	sadd.s32 s0, s3;
	s0 =	sld [smem:$0x3FAA]  }
0x30: {  	s3 =	sld [smem:$0x3FAD]  }
0x31: {  	[smem:$0x3FB6] =	sst s10  }
0x32: {  	s10 =	sld [smem:$0x3FB4];
	_ =	sdelay $0x3  }
0x33: {  	p0 =	seq.s32 s10, $0x1;
	s10 =	sld [smem:$0x3FB6];
	_ =	sdelay $0x3  }
0x34: {  	[smem:$0x3FB6] =	sst s10  }
0x35: {  	s10 =	sld [smem:$0x3FB5];
	_ =	sdelay $0x3  }
0x36: {  	p1 =	seq.s32 s10, $0x1;
	s10 =	sld [smem:$0x3FB6];
	_ =	sdelay $0x3  }
0x37: {  	[smem:$0x3FB6] =	sst s10  }
0x38: {  	s10 =	sld [smem:$0x3FB7]  }
0x39: {  	_ = 	snop;
	(pc) =	sbr.ind lr, $3  }
0x3a: {  	_ = 	snop  }
0x3b: {  	_ = 	snop  }
0x3c: {  	p2 =	seq.s32 s10, $0x1;
	s10 =	sld [smem:$0x3FB6]  }
0x3d: {  	_ =	shalt  }
0x3e: {  	_ =	shalt  }
0x3f: {  	_ =	shalt  }
0x40: {  	_ =	shalt  }
0x41: {  	_ =	shalt  }
0x42: {  	_ =	shalt  }
0x43: {  	_ =	shalt  }
0x44: {  	_ =	shalt  }
0x45: {  	_ =	shalt  }
0x46: {  	_ =	shalt  }
0x47: {  	_ =	shalt  }
0x48: {  	_ =	shalt  }
0x49: {  	_ =	shalt  }
0x4a: {  	_ =	shalt  }
0x4b: {  	_ =	shalt  }
0x4c: {  	_ =	shalt  }
0x4d: {  	_ =	shalt  }
0x4e: {  	_ =	shalt  }
0x4f: {  	_ =	shalt  }
0x50: {  	_ =	shalt  }
0x51: {  	_ =	shalt  }
0x52: {  	_ =	shalt  }
0x53: {  	_ =	shalt  }
0x54: {  	_ =	shalt  }
0x55: {  	_ =	shalt  }
0x56: {  	_ =	shalt  }
0x57: {  	_ =	shalt  }
0x58: {  	_ =	shalt  }
0x59: {  	_ =	shalt  }
0x5a: {  	_ =	shalt  }
0x5b: {  	_ =	shalt  }
0x5c: {  	_ =	shalt  }
0x5d: {  	_ =	shalt  }
0x5e: {  	_ =	shalt  }
0x5f: {  	_ =	shalt  }
0x60: {  	_ =	shalt  }
0x61: {  	_ =	shalt  }
0x62: {  	_ =	shalt  }
0x63: {  	_ =	shalt  }
0x64: {  	_ =	shalt  }
0x65: {  	_ =	shalt  }
0x66: {  	_ =	shalt  }
0x67: {  	_ =	shalt  }
0x68: {  	_ =	shalt  }
0x69: {  	_ =	shalt  }
0x6a: {  	_ =	shalt  }
0x6b: {  	_ =	shalt  }
0x6c: {  	_ =	shalt  }
0x6d: {  	_ =	shalt  }
0x6e: {  	_ =	shalt  }
0x6f: {  	_ =	shalt  }
0x70: {  	_ =	shalt  }
0x71: {  	_ =	shalt  }
0x72: {  	_ =	shalt  }
0x73: {  	_ =	shalt  }
0x74: {  	_ =	shalt  }
0x75: {  	_ =	shalt  }
0x76: {  	_ =	shalt  }
0x77: {  	_ =	shalt  }
0x78: {  	_ =	shalt  }
0x79: {  	_ =	shalt  }
0x7a: {  	_ =	shalt  }
0x7b: {  	_ =	shalt  }
0x7c: {  	_ =	shalt  }
0x7d: {  	_ =	shalt  }
0x7e: {  	_ =	shalt  }
0x7f: {  	_ =	shalt  }
0x80: {  	_ =	shalt  }
0x81: {  	_ =	shalt  }
0x82: {  	_ =	shalt  }
0x83: {  	_ =	shalt  }
0x84: {  	_ =	shalt  }
0x85: {  	_ =	shalt  }
0x86: {  	_ =	shalt  }
0x87: {  	_ =	shalt  }
.Lfunc_end0:
.L_simem_size_0:
called_computation.2_lowered:
.L_overlay_start_0:
0x88: {  	s2 =	sld [smem:$0x3FD9]  }
0x89: {  	s3 =	sld [smem:$0x3FFE];
	_ =	sdelay $0x1  }
0x8a: {  	s1 =	srdreg.scid  }
0x8b: {  	s0 =	sand.u32 $0x1, s1  }
0x8c: {  	s16 =	sshll.u32 s0, $0xA;
	s2 =	sadd.s32 s3, s2  }
0x8d: {  	s2 =	sadd.s32 s2, s16  }
0x8e: {  	[smem:$0x3FC2] =	sst s2  }
0x8f: {  	_ = 	snop  }
0x90: {  	(tm) =	ssettm $0x1  }
0x91: {  	s17 =	sld [smem:$0x3FFB];
	_ =	sdelay $0x3  }
0x92: {  	_ =	strace s17  }
0x93: {  	s2 =	sld [smem:$0x3FFC];
	_ =	sdelay $0x3  }
0x94: {  	_ =	strace s2  }
0x95: {  	s2 =	sld [smem:$0x3FFD];
	_ =	sdelay $0x3  }
0x96: {  	_ =	strace s2  }
0x97: {  	_ =	strace $0x8FFFFFFF  }
0x98: {  	s18 =	sld [smem:$0x3FDB];
	_ =	sdelay $0x1  }
0x99: {  	s19 =	simm.s32 $_scs_section_size  }
0x9a: {  	s4 =	simm.s32 $_size__tile_overlayer_lowered;
	s5 =	simm.s32 $_tile_overlayer_lowered  }
0x9b: {  	s22 =	simm.s32 $0x1BFF;
	s21 =	sshll.u32 s5, $0x1;
	s2 =	sadd.s32 s19, s18  }
0x9c: {  	s6 =	simm.s32 $0x0;
	s20 =	sshll.u32 s4, $0x1;
	s4 =	sadd.s32 s21, s2  }
0x9d: {  	[timem:s6], [sflag:s22] =	dma.local [hbm:s4], s20  }
0x9e: {  	_ =	swait.ge [sflag:s22], s20  }
0x9f: {  	s3 =	ssub.s32 $0x0, s20;
	[sflag:s22] =	ssyncset.done $0x0  }
0xa0: {  	[sflag:s22] =	ssyncadd.s32 s3;
	_ =	sdelay $0x1  }
0xa1: {  	s23 =	simm.s32 $0x1B8B  }
0xa2: {  	_ =	swait.ge [sflag:s23], $0x1  }
0xa3: {  	[sflag:s23] =	ssyncset.done $0x0  }
0xa4: {  	s25 =	simm.s32 $0x1B8E;
	s24 =	sld [smem:$0x3FFE];
	[sflag:s23] =	ssyncadd.s32 $0xFFFFFFFF  }
0xa5: {  	s26 =	simm.s32 $execute0_lowered;
	[smem:$0x3FD2] =	sst s25  }
0xa6: {  	s4 =	sshll.u32 s26, $0x1;
	_ =	strace $0x8000004C;
	[dreg:$0x1] =	wrdreg $0xFFFFFFFF  }
0xa7: {  	s28 =	simm.s32 $_size_execute0_lowered;
	s2 =	sadd.s32 s2, s4;
	[dreg:$0x0] =	wrdreg $0x0  }
0xa8: {  	s4 =	sshll.u32 s28, $0x1;
	[dreg:$0x2] =	wrdreg s2  }
0xa9: {  	[dreg:$0x3] =	wrdreg s4  }
0xaa: {  	[dreg:$0x4] =	wrdreg $0xC0  }
0xab: {  	_ =	task [dreg:s6], $0x5FFFF  }
0xac: {  	[dreg:$0x1] =	wrdreg $0xFFFFFFFF  }
0xad: {  	[dreg:$0x0] =	wrdreg $0x60  }
0xae: {  	[dreg:$0x2] =	wrdreg s24  }
0xaf: {  	[dreg:$0x3] =	wrdreg $0x80800  }
0xb0: {  	[dreg:$0x4] =	wrdreg $0x9  }
0xb1: {  	_ =	task.clear_ibuf [dreg:s6], $0x5FFFF;
	_ =	strace $0x9000004C  }
0xb2: {  	s29 =	simm.s32 $0x9;
	_ =	strace $0x8000004E  }
0xb3: {  	_ =	swait.ge [sflag:s29], $0x1  }
0xb4: {  	[sflag:s29] =	ssyncadd.s32 $0xFFFFFFFF  }
0xb5: {  	_ =	strace $0x9000004E  }
0xb6: {  	_ =	sfence  }
0xb7: {  	s30 =	sld [smem:$0x0];
	_ =	sdelay $0x2  }
0xb8: {  	s31 =	sshll.u32 s1, $0xD;
	s1 =	sshrl.u32 s1, $0x2  }
0xb9: {  	s3 =	sand.u32 $0x4000, s31;
	s1 =	sadd.s32 s1, s30  }
0xba: {  	s0 =	sor.u32 s3, s0;
	s1 =	sshll.u32 s1, $0x11  }
0xbb: {  	s0 =	sor.u32 s1, s0  }
0xbc: {  	s0 =	sadd.s32 $0x8F2B, s0  }
0xbd: {  	[sflag:s0] =	ssyncadd.remote.s32 $0x1  }
0xbe: {  	_ =	sfence.sel $0xFFFF  }
0xbf: {  	[dreg:$0x0] =	wrdreg $0xFFFFFFFF;
	(pc) =	sbr.abs _section_cstart, $3  }
0xc0: {  	[dreg:$0x1] =	wrdreg $0xFFFFFFFF  }
0xc1: {  	_ =	task.clear_ibuf [dreg:s6], $0x2FFFF;
	_ =	strace $0x9FFFFFFF  }
0xc2: {  	(tm) =	ssettm $0x7FFFFFFF  }
0xc3: {  	_ =	shalt  }
tec
execute0_lowered:
.L_overlay_start_1:
0x0: {  	(tag) =	ssettag $0x1  }
0x1: {  	s6 =	rddreg [dreg:$0x0]  }
0x2: {  	s1 =	rddreg [dreg:$0x1]  }
0x3: {  	s2 =	srdreg.scid;
	s0 =	rddreg [dreg:$0x2]  }
0x4: {  	s3 =	simm.s32 $0x0;
	s18 =	simm.s32 $0x80;
	s19 =	simm.s32 $0x4000  }
0x5: {  	s20 =	simm.s32 $0x4080;
	s15 =	sand.u32 $0x1, s2;
	s2 =	stileid.u32  }
0x6: {  	s21 =	simm.s32 $0x1;
	[smem:$0x7FF] =	sst s3;
	s5 =	smul.u32 $0x280000, s15  }
0x7: {  	s4 =	sadd.s32 $0x5000, s6;
	s7 =	smul.u32 $0x14000, s2;
	_ =	strace $0x8000004D  }
0x8: {  	s8 =	sshll.u32 s2, $0xA;
	s9 =	smul.u32 $0x180, s2;
	s30 =	ssub.s32 $0x2, s15  }
0x9: {  	p0 =	seq.s32 s15, $0x0;
	s10 =	smul.u32 $0x50000, s2;
	s17 =	sshll.u32 s2, $0x6  }
0xa: {  	s11 =	sadd.s32 s8, s6;
	s31 =	sshrl.u32 s30, $0x1;
	s5 =	sadd.s32 s7, s5  }
0xb: {  	s9 =	sadd.s32 s9, s6;
	s14 =	ssub.s32 s30, s31;
	s12 =	sshrl.u32 s10, $0x2  }
0xc: {  	s10 =	sadd.s32 $0x5C000, s11;
	s11 =	sadd.s32 $0x58000, s11;
	s7 =	sshrl.u32 s5, $0x3  }
0xd: {  	s5 =	sadd.s32 $0x2800, s6;
	s8 =	sadd.s32 $0x55000, s9;
	s9 =	sadd.s32 $0x56800, s9  }
0xe: {  	s16 =	sadd.s32 s12, s1;
	s14 =	smax.u32 s14, $0x1;
	s13 =	sadd.s32 s7, s6  }
0xf: {  	s6 =	simm.s32 $0x40;
	s7 =	simm.s32 $0x40;
	s16 =	sshrl.u32 s16, $0x3  }
0x10: {  	s6 =	simm.s32 @!p0 $0x14;
	s12 =	sadd.s32 $0x60000, s13;
	s13 =	sadd.s32 $0x88000, s13  }
0x11: {  	p0 =	sne.s32 s15, $0x0;
	s15 =	sor.u32 $0x1C02, s17;
	s17 =	simm.s32 $0x2  }
.LBB2_1:
0x12: {  	s22 =	simm.s32 @p0 $0x0;
	s23 =	simm.s32 @p0 $0x2  }
0x13: {  	[tilespmem:s22], [sflag:$0x2] =	stream.linear.gather @p0 [hbm4b:s8+s22], $0xA00, $0x38;
	[tilespmem:$0x1C080] =	vst v63  }
0x14: {  	_ =	swait.ge @p0 [sflag:s23], $0xA00  }
0x15: {  	[sflag:s23] =	ssyncset.done @p0 $0x0  }
0x16: {  	s24 =	simm.s32 @p0 $0x2000;
	[sflag:s23] =	ssyncadd.s32 @p0 $0xFFFFF600  }
0x17: {  	[tilespmem:s24], [sflag:$0x2] =	stream.linear.gather @p0 [hbm4b:s9+s22], $0xA00, $0x38;
	[tilespmem:$0x1C080] =	vst v63  }
0x18: {  	_ =	swait.ge @p0 [sflag:s23], $0xA00  }
0x19: {  	[sflag:s23] =	ssyncset.done @p0 $0x0  }
0x1a: {  	s22 =	simm.s32 @!p0 $0x0;
	[sflag:s23] =	ssyncadd.s32 @p0 $0xFFFFF600;
	s23 =	simm.s32 @!p0 $0x2  }
0x1b: {  	[tilespmem:s22], [sflag:$0x2] =	stream.linear.gather @!p0 [hbm4b:s10+s22], $0x2000, $0x38;
	[tilespmem:$0x1C080] =	vst v63  }
0x1c: {  	_ =	swait.ge @!p0 [sflag:s23], $0x2000  }
0x1d: {  	[sflag:s23] =	ssyncset.done @!p0 $0x0  }
0x1e: {  	s24 =	simm.s32 @!p0 $0x2000;
	[sflag:s23] =	ssyncadd.s32 @!p0 $0xFFFFE000  }
0x1f: {  	[tilespmem:s24], [sflag:$0x2] =	stream.linear.gather @!p0 [hbm4b:s11+s22], $0x2000, $0x38;
	[tilespmem:$0x1C080] =	vst v63  }
0x20: {  	_ =	swait.ge @!p0 [sflag:s23], $0x2000  }
0x21: {  	[sflag:s23] =	ssyncset.done @!p0 $0x0  }
0x22: {  	[sflag:s23] =	ssyncadd.s32 @!p0 $0xFFFFE000  }
0x23: {  	[spmem:s16], [sflag:s15] =	dma.local [hbm:s5], $0x2800  }
0x24: {  	_ =	swait.ge [sflag:s17], $0x2800  }
0x25: {  	[sflag:s17] =	ssyncset.done $0x0  }
0x26: {  	[sflag:s17] =	ssyncadd.s32 $0xFFFFD800  }
0x27: {  	[bflag:$0x0] =	sbarrier.arrive $0xFFFF  }
0x28: {  	v0 =	vld [tilespmem:s7+$0xFFFFFFC0];
	_ =	sdelay $0x4  }
0x29: {  	[tilespmem:$0x4000] =	vst v0  }
0x2a: {  	v0 =	vld [tilespmem:s7+$0xFFFFFFD0];
	_ =	sdelay $0x4  }
0x2b: {  	[tilespmem:$0x4010] =	vst v0  }
0x2c: {  	v0 =	vld [tilespmem:s7+$0xFFFFFFE0];
	_ =	sdelay $0x4  }
0x2d: {  	[tilespmem:$0x4020] =	vst v0  }
0x2e: {  	v0 =	vld [tilespmem:s7+$0xFFFFFFF0];
	_ =	sdelay $0x4  }
0x2f: {  	[tilespmem:$0x4030] =	vst v0  }
0x30: {  	v0 =	vld [tilespmem:s7+$0x0];
	_ =	sdelay $0x4  }
0x31: {  	[tilespmem:$0x4040] =	vst v0  }
0x32: {  	v0 =	vld [tilespmem:s7+$0x10];
	_ =	sdelay $0x4  }
0x33: {  	[tilespmem:$0x4050] =	vst v0  }
0x34: {  	v0 =	vld [tilespmem:s7+$0x20];
	_ =	sdelay $0x4  }
0x35: {  	[tilespmem:$0x4060] =	vst v0  }
0x36: {  	v0 =	vld [tilespmem:s7+$0x30];
	_ =	sdelay $0x4  }
0x37: {  	[tilespmem:$0x4070] =	vst v0  }
0x38: {  	[tilespmem:s20], [sflag:$0x1] =	stream.indirect.gather [hbm4b:s4+s18], $0x80, s19, s18, $0xb8;
	[tilespmem:$0x1C080] =	vst v63  }
0x39: {  	p1 =	sne.s32 s6, $0x1;
	_ =	swait.ge [sflag:s21], $0x4000  }
.Ltmp0:
0x3a: {  	[sflag:s21] =	ssyncset.done $0x0;
	(pc) =	sbr.rel @!p1 .LBB2_3-.Ltmp0, $4  }
0x3b: {  	s22 =	simm.s32 $0x2000;
	[sflag:s21] =	ssyncadd.s32 $0xFFFFC000  }
0x3c: {  	[spmem:s1] =	stream.indirect.scatter.add.f32 [tilespmem:s20], [sflag:$0x2], $0x80, s22, s18, $0xb8;
	[tilespmem:$0x1C080] =	vst v63  }
0x3d: {  	s25 =	simm.s32 $0x40;
	_ =	swait.ge [sflag:s17], $0x4000  }
0x3e: {  	s24 =	simm.s32 $0x2000;
	s23 =	sadd.s32 $0xFFFFFFFF, s6;
	[sflag:s17] =	ssyncset.done $0x0  }
.LBB2_2:
0x3f: {  	[sflag:s17] =	ssyncadd.s32 $0xFFFFC000;
	s24 =	sadd.s32 $0x80, s24;
	s25 =	sadd.s32 $0x80, s25  }
0x40: {  	p2 =	sne.s32 s23, $0x1;
	s23 =	sadd.s32 $0xFFFFFFFF, s23;
	v0 =	vld [tilespmem:s25+$0xFFFFFFC0];
	_ =	sdelay $0x4  }
0x41: {  	[tilespmem:$0x4000] =	vst v0  }
0x42: {  	v0 =	vld [tilespmem:s25+$0xFFFFFFD0];
	_ =	sdelay $0x4  }
0x43: {  	[tilespmem:$0x4010] =	vst v0  }
0x44: {  	v0 =	vld [tilespmem:s25+$0xFFFFFFE0];
	_ =	sdelay $0x4  }
0x45: {  	[tilespmem:$0x4020] =	vst v0  }
0x46: {  	v0 =	vld [tilespmem:s25+$0xFFFFFFF0];
	_ =	sdelay $0x4  }
0x47: {  	[tilespmem:$0x4030] =	vst v0  }
0x48: {  	v0 =	vld [tilespmem:s25+$0x0];
	_ =	sdelay $0x4  }
0x49: {  	[tilespmem:$0x4040] =	vst v0  }
0x4a: {  	v0 =	vld [tilespmem:s25+$0x10];
	_ =	sdelay $0x4  }
0x4b: {  	[tilespmem:$0x4050] =	vst v0  }
0x4c: {  	v0 =	vld [tilespmem:s25+$0x20];
	_ =	sdelay $0x4  }
0x4d: {  	[tilespmem:$0x4060] =	vst v0  }
0x4e: {  	v0 =	vld [tilespmem:s25+$0x30];
	_ =	sdelay $0x4  }
0x4f: {  	[tilespmem:$0x4070] =	vst v0  }
0x50: {  	[tilespmem:s20], [sflag:$0x1] =	stream.indirect.gather [hbm4b:s4+s18], $0x80, s19, s18, $0xb8;
	[tilespmem:$0x1C080] =	vst v63  }
0x51: {  	_ =	swait.ge [sflag:s21], $0x4000  }
.Ltmp1:
0x52: {  	[sflag:s21] =	ssyncset.done $0x0;
	(pc) =	sbr.rel @p2 .LBB2_2-.Ltmp1, $4  }
0x53: {  	[sflag:s21] =	ssyncadd.s32 $0xFFFFC000  }
0x54: {  	[spmem:s1] =	stream.indirect.scatter.add.f32 [tilespmem:s20], [sflag:$0x2], $0x80, s24, s18, $0xb8;
	[tilespmem:$0x1C080] =	vst v63  }
0x55: {  	_ =	swait.ge [sflag:s17], $0x4000  }
0x56: {  	[sflag:s17] =	ssyncset.done $0x0  }
.LBB2_3:
0x57: {  	[sflag:s17] =	ssyncadd.s32 $0xFFFFC000  }
0x58: {  	[bflag:$0x0] =	sbarrier.arrive $0xFFFF  }
0x59: {  	[hbm:s12], [sflag:s15] =	dma.local [spmem:s16], $0x2800  }
0x5a: {  	_ =	swait.ge [sflag:s17], $0x2800  }
0x5b: {  	[sflag:s17] =	ssyncset.done $0x0  }
0x5c: {  	[sflag:s17] =	ssyncadd.s32 $0xFFFFD800  }
0x5d: {  	[spmem:s16], [sflag:s15] =	dma.local [hbm:s5], $0x2800  }
0x5e: {  	_ =	swait.ge [sflag:s17], $0x2800  }
0x5f: {  	[sflag:s17] =	ssyncset.done $0x0  }
0x60: {  	[sflag:s17] =	ssyncadd.s32 $0xFFFFD800  }
0x61: {  	s23 =	simm.s32 $0x40;
	[bflag:$0x0] =	sbarrier.arrive $0xFFFF  }
0x62: {  	v0 =	vld [tilespmem:s23+$0xFFFFFFC0];
	_ =	sdelay $0x4  }
0x63: {  	v0 =	vadd.s32 $0x2800, v0  }
0x64: {  	[tilespmem:$0x4000] =	vst v0  }
0x65: {  	v0 =	vld [tilespmem:s23+$0xFFFFFFD0];
	_ =	sdelay $0x4  }
0x66: {  	v0 =	vadd.s32 $0x2800, v0  }
0x67: {  	[tilespmem:$0x4010] =	vst v0  }
0x68: {  	v0 =	vld [tilespmem:s23+$0xFFFFFFE0];
	_ =	sdelay $0x4  }
0x69: {  	v0 =	vadd.s32 $0x2800, v0  }
0x6a: {  	[tilespmem:$0x4020] =	vst v0  }
0x6b: {  	v0 =	vld [tilespmem:s23+$0xFFFFFFF0];
	_ =	sdelay $0x4  }
0x6c: {  	v0 =	vadd.s32 $0x2800, v0  }
0x6d: {  	[tilespmem:$0x4030] =	vst v0  }
0x6e: {  	v0 =	vld [tilespmem:s23+$0x0];
	_ =	sdelay $0x4  }
0x6f: {  	v0 =	vadd.s32 $0x2800, v0  }
0x70: {  	[tilespmem:$0x4040] =	vst v0  }
0x71: {  	v0 =	vld [tilespmem:s23+$0x10];
	_ =	sdelay $0x4  }
0x72: {  	v0 =	vadd.s32 $0x2800, v0  }
0x73: {  	[tilespmem:$0x4050] =	vst v0  }
0x74: {  	v0 =	vld [tilespmem:s23+$0x20];
	_ =	sdelay $0x4  }
0x75: {  	v0 =	vadd.s32 $0x2800, v0  }
0x76: {  	[tilespmem:$0x4060] =	vst v0  }
0x77: {  	v0 =	vld [tilespmem:s23+$0x30];
	_ =	sdelay $0x4  }
0x78: {  	v0 =	vadd.s32 $0x2800, v0  }
0x79: {  	[tilespmem:$0x4070] =	vst v0  }
0x7a: {  	[tilespmem:s20], [sflag:$0x1] =	stream.indirect.gather [hbm4b:s4+s18], $0x80, s19, s18, $0xb8;
	[tilespmem:$0x1C080] =	vst v63  }
0x7b: {  	_ =	swait.ge [sflag:s21], $0x4000  }
.Ltmp2:
0x7c: {  	[sflag:s21] =	ssyncset.done $0x0;
	(pc) =	sbr.rel @!p1 .LBB2_5-.Ltmp2, $4  }
0x7d: {  	[sflag:s21] =	ssyncadd.s32 $0xFFFFC000  }
0x7e: {  	[spmem:s1] =	stream.indirect.scatter.add.f32 [tilespmem:s20], [sflag:$0x2], $0x80, s22, s18, $0xb8;
	[tilespmem:$0x1C080] =	vst v63  }
0x7f: {  	_ =	swait.ge [sflag:s17], $0x4000  }
0x80: {  	s24 =	sadd.s32 $0xFFFFFFFF, s6;
	[sflag:s17] =	ssyncset.done $0x0  }
.LBB2_4:
0x81: {  	[sflag:s17] =	ssyncadd.s32 $0xFFFFC000;
	s22 =	sadd.s32 $0x80, s22;
	s23 =	sadd.s32 $0x80, s23  }
0x82: {  	p1 =	sne.s32 s24, $0x1;
	s24 =	sadd.s32 $0xFFFFFFFF, s24;
	v0 =	vld [tilespmem:s23+$0xFFFFFFC0];
	_ =	sdelay $0x4  }
0x83: {  	v0 =	vadd.s32 $0x2800, v0  }
0x84: {  	[tilespmem:$0x4000] =	vst v0  }
0x85: {  	v0 =	vld [tilespmem:s23+$0xFFFFFFD0];
	_ =	sdelay $0x4  }
0x86: {  	v0 =	vadd.s32 $0x2800, v0  }
0x87: {  	[tilespmem:$0x4010] =	vst v0  }
0x88: {  	v0 =	vld [tilespmem:s23+$0xFFFFFFE0];
	_ =	sdelay $0x4  }
0x89: {  	v0 =	vadd.s32 $0x2800, v0  }
0x8a: {  	[tilespmem:$0x4020] =	vst v0  }
0x8b: {  	v0 =	vld [tilespmem:s23+$0xFFFFFFF0];
	_ =	sdelay $0x4  }
0x8c: {  	v0 =	vadd.s32 $0x2800, v0  }
0x8d: {  	[tilespmem:$0x4030] =	vst v0  }
0x8e: {  	v0 =	vld [tilespmem:s23+$0x0];
	_ =	sdelay $0x4  }
0x8f: {  	v0 =	vadd.s32 $0x2800, v0  }
0x90: {  	[tilespmem:$0x4040] =	vst v0  }
0x91: {  	v0 =	vld [tilespmem:s23+$0x10];
	_ =	sdelay $0x4  }
0x92: {  	v0 =	vadd.s32 $0x2800, v0  }
0x93: {  	[tilespmem:$0x4050] =	vst v0  }
0x94: {  	v0 =	vld [tilespmem:s23+$0x20];
	_ =	sdelay $0x4  }
0x95: {  	v0 =	vadd.s32 $0x2800, v0  }
0x96: {  	[tilespmem:$0x4060] =	vst v0  }
0x97: {  	v0 =	vld [tilespmem:s23+$0x30];
	_ =	sdelay $0x4  }
0x98: {  	v0 =	vadd.s32 $0x2800, v0  }
0x99: {  	[tilespmem:$0x4070] =	vst v0  }
0x9a: {  	[tilespmem:s20], [sflag:$0x1] =	stream.indirect.gather [hbm4b:s4+s18], $0x80, s19, s18, $0xb8;
	[tilespmem:$0x1C080] =	vst v63  }
0x9b: {  	_ =	swait.ge [sflag:s21], $0x4000  }
.Ltmp3:
0x9c: {  	[sflag:s21] =	ssyncset.done $0x0;
	(pc) =	sbr.rel @p1 .LBB2_4-.Ltmp3, $4  }
0x9d: {  	[sflag:s21] =	ssyncadd.s32 $0xFFFFC000  }
0x9e: {  	[spmem:s1] =	stream.indirect.scatter.add.f32 [tilespmem:s20], [sflag:$0x2], $0x80, s22, s18, $0xb8;
	[tilespmem:$0x1C080] =	vst v63  }
0x9f: {  	_ =	swait.ge [sflag:s17], $0x4000  }
0xa0: {  	[sflag:s17] =	ssyncset.done $0x0  }
.LBB2_5:
0xa1: {  	s3 =	sadd.s32 $0x1, s3  }
0xa2: {  	[sflag:s17] =	ssyncadd.s32 $0xFFFFC000;
	p1 =	sne.s32 s3, s14  }
.Ltmp4:
0xa3: {  	[bflag:$0x0] =	sbarrier.arrive $0xFFFF;
	(pc) =	sbr.rel @p1 .LBB2_1-.Ltmp4, $4  }
0xa4: {  	[hbm:s13], [sflag:s15] =	dma.local [spmem:s16], $0x2800  }
0xa5: {  	_ =	swait.ge [sflag:s17], $0x2800  }
0xa6: {  	[sflag:s17] =	ssyncset.done $0x0  }
0xa7: {  	[sflag:s17] =	ssyncadd.s32 $0xFFFFD800  }
0xa8: {  	_ =	sfence.sel $0x180000  }
0xa9: {  	[bflag:$0x0] =	sbarrier.arrive $0xFFFF  }
0xaa: {  	p0 =	sne.s32 s2, $0x0;
	_ =	strace $0x9000004D  }
0xab: {  	s0 =	sadd.s32 @!p0 $0x100000, s0;
	[bflag:$0x2] =	sbarrier.arrive $0xFFFF  }
0xac: {  	[sflag:s0] =	ssyncadd.tile.s32 @!p0 $0x1;
	_ =	shalt  }
.Lfunc_end2:
_tile_overlayer_lowered:
.L_overlay_start_2:
0xad: {  	(tag) =	ssettag $0x2  }
0xae: {  	s0 =	rddreg [dreg:$0x0];
	s2 =	stileid.u32  }
0xaf: {  	s1 =	rddreg [dreg:$0x1];
	p0 =	sne.s32 s2, $0x0  }
0xb0: {  	s3 =	rddreg [dreg:$0x2];
	[bflag:$0x3] =	sbarrier.arrive $0xFFFF;
	s2 =	simm.s32 @!p0 $0x1C02  }
0xb1: {  	[timem:s3], [sflag:s2] =	dma.local @!p0 [hbm:s0], s1  }
0xb2: {  	s0 =	simm.s32 @!p0 $0x2  }
0xb3: {  	_ =	swait.ge @!p0 [sflag:s0], s1  }
0xb4: {  	s1 =	ssub.s32 @!p0 $0x0, s1;
	[sflag:s0] =	ssyncset.done @!p0 $0x0  }
0xb5: {  	[sflag:s0] =	ssyncadd.s32 @!p0 s1  }
0xb6: {  	[bflag:$0x3] =	sbarrier.arrive $0xFFFF  }
0xb7: {  	_ =	shalt  }

// kernel: kernel.8.cloned.1.call-start
scs
__scs_entry_jumppad:
0x0: {  	(pc) =	sbr.rel $0x88, $3  }
0x1: {  	(tag) =	ssettag $0x0;
	lr =	simm.s32 $0x1  }
0x2: {  	[smem:$0x3F9B] =	sst lr;
	_ =	strace $0xD0000000  }
0x3: {  	_ = 	snop  }
0x4: {  	_ = 	snop  }
0x5: {  	_ = 	snop  }
0x6: {  	_ = 	snop  }
0x7: {  	_ = 	snop  }
__scs_overlays_trampoline_lowered:
0x8: {  	[smem:$0x3FAA] =	sst s0  }
0x9: {  	[smem:$0x3FAB] =	sst s1  }
0xa: {  	[smem:$0x3FAC] =	sst s2  }
0xb: {  	[smem:$0x3FAD] =	sst s3  }
0xc: {  	[smem:$0x3FAE] =	sst s4  }
0xd: {  	[smem:$0x3FAF] =	sst s5  }
0xe: {  	[smem:$0x3FB0] =	sst s6  }
0xf: {  	[smem:$0x3FB1] =	sst s7  }
0x10: {  	[smem:$0x3FB2] =	sst s8  }
0x11: {  	[smem:$0x3FB3] =	sst s9;
	s0 =	simm.s32 @!p0 $0x0  }
0x12: {  	s1 =	sld [smem:$0x3F99];
	s0 =	simm.s32 @p0 $0x1  }
0x13: {  	[smem:$0x3FB4] =	sst s0;
	s0 =	simm.s32 @!p1 $0x0  }
0x14: {  	s2 =	sld [smem:$0x3F98];
	s0 =	simm.s32 @p1 $0x1  }
0x15: {  	[smem:$0x3FB5] =	sst s0;
	s0 =	simm.s32 @!p2 $0x0  }
0x16: {  	s3 =	sld [smem:$0x3FDB];
	s0 =	simm.s32 @p2 $0x1  }
0x17: {  	s4 =	simm.s32 $0x1BF5;
	[smem:$0x3FB7] =	sst s0  }
0x18: {  	s0 =	sld [smem:$0x3F9A];
	_ =	swait.ge [sflag:s4], $0x0  }
0x19: {  	s7 =	sld [smem:$0x3F9B]  }
0x1a: {  	s8 =	sadd.s32 $0xFFFFE003, lr  }
0x1b: {  	s9 =	sadd.s32 $0xFFFFFEF7, lr;
	s5 =	simm.s32 $0xFFFFFFFF;
	p2 =	slt.u32 s8, $0xFFFFF086  }
0x1c: {  	p1 =	slt.u32 s9, $0xF7A;
	s5 =	simm.s32 @!p2 $0x0  }
0x1d: {  	s5 =	simm.s32 @p1 $0x1;
	p0 =	seq.s32 s7, s2  }
0x1e: {  	s7 =	smul.u32 @!p0 $0xF7A, s2;
	p2 =	seq.s32 @!p0 s5, $0x0  }
0x1f: {  	s9 =	smul.u32 $0xF7A, s1;
	s8 =	simm.s32 @!p0 $0x1BF5;
	p2 =	por !p2, p0  }
0x20: {  	[sflag:s8] =	ssyncset.s32 @!p0 $0xFFFFF086;
	s6 =	sadd.s32 @!p0 s3, s7;
	s7 =	simm.s32 @!p0 $0x108  }
0x21: {  	s3 =	sadd.s32 s3, s9;
	s6 =	sadd.s32 @!p0 $0x88, s6;
	s7 =	simm.s32 @p2 $0x1082  }
0x22: {  	[simem:s7], [sflag:s8] =	dma.local @!p0 [hbm:s6], $0xF7A  }
0x23: {  	s9 =	sor.u32 $0xD0000000, s2;
	s6 =	simm.s32 $0x108;
	_ =	swait.ge @!p0 [sflag:s8], $0x0  }
0x24: {  	s3 =	sadd.s32 $0x88, s3;
	s6 =	simm.s32 @!p1 $0x1082;
	[sflag:s4] =	ssyncset.s32 $0xFFFFF086  }
0x25: {  	[simem:s6], [sflag:s4] =	dma.local [hbm:s3], $0xF7A  }
0x26: {  	[smem:$0x3F9B] =	sst s1;
	(tag) =	ssettag s2;
	_ =	strace s9  }
0x27: {  	s1 =	sld [smem:$0x3FAB]  }
0x28: {  	s2 =	sld [smem:$0x3FAC]  }
0x29: {  	s4 =	sld [smem:$0x3FAE]  }
0x2a: {  	p0 =	seq.s32 s5, $0x0;
	s5 =	sld [smem:$0x3FAF]  }
0x2b: {  	s6 =	sld [smem:$0x3FB0]  }
0x2c: {  	s7 =	sld [smem:$0x3FB1]  }
0x2d: {  	s3 =	simm.s32 $0x108;
	s8 =	sld [smem:$0x3FB2]  }
0x2e: {  	s3 =	simm.s32 @!p0 $0x1082;
	s9 =	sld [smem:$0x3FB3]  }
0x2f: {  	lr =	sadd.s32 s0, s3;
	s0 =	sld [smem:$0x3FAA]  }
0x30: {  	s3 =	sld [smem:$0x3FAD]  }
0x31: {  	[smem:$0x3FB6] =	sst s10  }
0x32: {  	s10 =	sld [smem:$0x3FB4];
	_ =	sdelay $0x3  }
0x33: {  	p0 =	seq.s32 s10, $0x1;
	s10 =	sld [smem:$0x3FB6];
	_ =	sdelay $0x3  }
0x34: {  	[smem:$0x3FB6] =	sst s10  }
0x35: {  	s10 =	sld [smem:$0x3FB5];
	_ =	sdelay $0x3  }
0x36: {  	p1 =	seq.s32 s10, $0x1;
	s10 =	sld [smem:$0x3FB6];
	_ =	sdelay $0x3  }
0x37: {  	[smem:$0x3FB6] =	sst s10  }
0x38: {  	s10 =	sld [smem:$0x3FB7]  }
0x39: {  	_ = 	snop;
	(pc) =	sbr.ind lr, $3  }
0x3a: {  	_ = 	snop  }
0x3b: {  	_ = 	snop  }
0x3c: {  	p2 =	seq.s32 s10, $0x1;
	s10 =	sld [smem:$0x3FB6]  }
0x3d: {  	_ =	shalt  }
0x3e: {  	_ =	shalt  }
0x3f: {  	_ =	shalt  }
0x40: {  	_ =	shalt  }
0x41: {  	_ =	shalt  }
0x42: {  	_ =	shalt  }
0x43: {  	_ =	shalt  }
0x44: {  	_ =	shalt  }
0x45: {  	_ =	shalt  }
0x46: {  	_ =	shalt  }
0x47: {  	_ =	shalt  }
0x48: {  	_ =	shalt  }
0x49: {  	_ =	shalt  }
0x4a: {  	_ =	shalt  }
0x4b: {  	_ =	shalt  }
0x4c: {  	_ =	shalt  }
0x4d: {  	_ =	shalt  }
0x4e: {  	_ =	shalt  }
0x4f: {  	_ =	shalt  }
0x50: {  	_ =	shalt  }
0x51: {  	_ =	shalt  }
0x52: {  	_ =	shalt  }
0x53: {  	_ =	shalt  }
0x54: {  	_ =	shalt  }
0x55: {  	_ =	shalt  }
0x56: {  	_ =	shalt  }
0x57: {  	_ =	shalt  }
0x58: {  	_ =	shalt  }
0x59: {  	_ =	shalt  }
0x5a: {  	_ =	shalt  }
0x5b: {  	_ =	shalt  }
0x5c: {  	_ =	shalt  }
0x5d: {  	_ =	shalt  }
0x5e: {  	_ =	shalt  }
0x5f: {  	_ =	shalt  }
0x60: {  	_ =	shalt  }
0x61: {  	_ =	shalt  }
0x62: {  	_ =	shalt  }
0x63: {  	_ =	shalt  }
0x64: {  	_ =	shalt  }
0x65: {  	_ =	shalt  }
0x66: {  	_ =	shalt  }
0x67: {  	_ =	shalt  }
0x68: {  	_ =	shalt  }
0x69: {  	_ =	shalt  }
0x6a: {  	_ =	shalt  }
0x6b: {  	_ =	shalt  }
0x6c: {  	_ =	shalt  }
0x6d: {  	_ =	shalt  }
0x6e: {  	_ =	shalt  }
0x6f: {  	_ =	shalt  }
0x70: {  	_ =	shalt  }
0x71: {  	_ =	shalt  }
0x72: {  	_ =	shalt  }
0x73: {  	_ =	shalt  }
0x74: {  	_ =	shalt  }
0x75: {  	_ =	shalt  }
0x76: {  	_ =	shalt  }
0x77: {  	_ =	shalt  }
0x78: {  	_ =	shalt  }
0x79: {  	_ =	shalt  }
0x7a: {  	_ =	shalt  }
0x7b: {  	_ =	shalt  }
0x7c: {  	_ =	shalt  }
0x7d: {  	_ =	shalt  }
0x7e: {  	_ =	shalt  }
0x7f: {  	_ =	shalt  }
0x80: {  	_ =	shalt  }
0x81: {  	_ =	shalt  }
0x82: {  	_ =	shalt  }
0x83: {  	_ =	shalt  }
0x84: {  	_ =	shalt  }
0x85: {  	_ =	shalt  }
0x86: {  	_ =	shalt  }
0x87: {  	_ =	shalt  }
.Lfunc_end0:
.L_simem_size_0:
called_computation_lowered:
.L_overlay_start_0:
0x88: {  	s2 =	sld [smem:$0x3FD9]  }
0x89: {  	s3 =	sld [smem:$0x3FFE];
	_ =	sdelay $0x1  }
0x8a: {  	s1 =	srdreg.scid  }
0x8b: {  	s0 =	sand.u32 $0x1, s1  }
0x8c: {  	s17 =	sshll.u32 s0, $0xA;
	s2 =	sadd.s32 s3, s2  }
0x8d: {  	s2 =	sadd.s32 s2, s17  }
0x8e: {  	[smem:$0x3FC2] =	sst s2  }
0x8f: {  	_ = 	snop  }
0x90: {  	s2 =	sld [smem:$0x3FD0];
	(tm) =	ssettm $0x1  }
0x91: {  	s18 =	sld [smem:$0x3FFB];
	_ =	sdelay $0x3  }
0x92: {  	_ =	strace s18  }
0x93: {  	s3 =	sld [smem:$0x3FFC];
	_ =	sdelay $0x3  }
0x94: {  	_ =	strace s3  }
0x95: {  	s3 =	sld [smem:$0x3FFD];
	_ =	sdelay $0x3  }
0x96: {  	_ =	strace s3  }
0x97: {  	_ =	strace $0x8FFFFFFF  }
0x98: {  	s19 =	sld [smem:$0x3FDB];
	_ =	sdelay $0x1  }
0x99: {  	s4 =	simm.s32 $_scs_section_size  }
0x9a: {  	s5 =	simm.s32 $_size__tile_overlayer_lowered;
	s6 =	simm.s32 $_tile_overlayer_lowered  }
0x9b: {  	s22 =	simm.s32 $0x1BFF;
	s21 =	sshll.u32 s6, $0x1;
	s3 =	sadd.s32 s4, s19  }
0x9c: {  	s7 =	simm.s32 $0x0;
	s20 =	sshll.u32 s5, $0x1;
	s5 =	sadd.s32 s21, s3  }
0x9d: {  	[timem:s7], [sflag:s22] =	dma.local [hbm:s5], s20  }
0x9e: {  	_ =	swait.ge [sflag:s22], s20  }
0x9f: {  	s4 =	ssub.s32 $0x0, s20;
	[sflag:s22] =	ssyncset.done $0x0  }
0xa0: {  	[sflag:s22] =	ssyncadd.s32 s4;
	_ =	sdelay $0x1  }
0xa1: {  	s23 =	simm.s32 $0x1B8B  }
0xa2: {  	_ =	swait.ge [sflag:s23], $0x1  }
0xa3: {  	[sflag:s23] =	ssyncset.done $0x0  }
0xa4: {  	s25 =	simm.s32 $0x1B8E;
	s24 =	sld [smem:$0x3FFE];
	[sflag:s23] =	ssyncadd.s32 $0xFFFFFFFF  }
0xa5: {  	s26 =	simm.s32 $execute0_lowered;
	[smem:$0x3FD2] =	sst s25  }
0xa6: {  	s5 =	sshll.u32 s26, $0x1;
	_ =	strace $0x80000046;
	[dreg:$0x1] =	wrdreg $0xFFFFFFFF  }
0xa7: {  	s28 =	simm.s32 $_size_execute0_lowered;
	s3 =	sadd.s32 s3, s5;
	[dreg:$0x0] =	wrdreg $0x0  }
0xa8: {  	s5 =	sshll.u32 s28, $0x1;
	[dreg:$0x2] =	wrdreg s3  }
0xa9: {  	[dreg:$0x3] =	wrdreg s5  }
0xaa: {  	[dreg:$0x4] =	wrdreg $0xC0  }
0xab: {  	_ =	task [dreg:s7], $0x5FFFF  }
0xac: {  	[dreg:$0x1] =	wrdreg $0xFFFFFFFF  }
0xad: {  	[dreg:$0x0] =	wrdreg $0x60  }
0xae: {  	[dreg:$0x2] =	wrdreg s2  }
0xaf: {  	[dreg:$0x3] =	wrdreg s24  }
0xb0: {  	[dreg:$0x4] =	wrdreg $0x58000  }
0xb1: {  	[dreg:$0x5] =	wrdreg $0x9  }
0xb2: {  	_ =	task.clear_ibuf [dreg:s7], $0x6FFFF;
	_ =	strace $0x90000046  }
0xb3: {  	s29 =	simm.s32 $0x9;
	_ =	strace $0x80000048  }
0xb4: {  	_ =	swait.ge [sflag:s29], $0x1  }
0xb5: {  	[sflag:s29] =	ssyncadd.s32 $0xFFFFFFFF  }
0xb6: {  	_ =	strace $0x90000048  }
0xb7: {  	_ =	sfence  }
0xb8: {  	s30 =	sld [smem:$0x0];
	_ =	sdelay $0x2  }
0xb9: {  	s31 =	sshll.u32 s1, $0xD;
	s1 =	sshrl.u32 s1, $0x2  }
0xba: {  	s3 =	sand.u32 $0x4000, s31;
	s1 =	sadd.s32 s1, s30  }
0xbb: {  	s0 =	sor.u32 s3, s0;
	s1 =	sshll.u32 s1, $0x11  }
0xbc: {  	s0 =	sor.u32 s1, s0  }
0xbd: {  	s0 =	sadd.s32 $0x8F2B, s0  }
0xbe: {  	[sflag:s0] =	ssyncadd.remote.s32 $0x1  }
0xbf: {  	_ =	sfence.sel $0xFFFF  }
0xc0: {  	[dreg:$0x0] =	wrdreg $0xFFFFFFFF;
	(pc) =	sbr.abs _section_cstart, $3  }
0xc1: {  	[dreg:$0x1] =	wrdreg $0xFFFFFFFF  }
0xc2: {  	_ =	task.clear_ibuf [dreg:s7], $0x2FFFF;
	_ =	strace $0x9FFFFFFF  }
0xc3: {  	(tm) =	ssettm $0x7FFFFFFF  }
tec
execute0_lowered:
.L_overlay_start_1:
0x0: {  	(tag) =	ssettag $0x1  }
0x1: {  	s6 =	rddreg [dreg:$0x0]  }
0x2: {  	s7 =	rddreg [dreg:$0x1]  }
0x3: {  	s1 =	rddreg [dreg:$0x2]  }
0x4: {  	s0 =	rddreg [dreg:$0x3];
	s3 =	simm.s32 $0x0;
	s2 =	srdreg.scid  }
0x5: {  	s13 =	simm.s32 $0x80;
	[smem:$0x7FF] =	sst s3;
	s8 =	sand.u32 $0x1, s2  }
0x6: {  	s14 =	simm.s32 $0x0;
	s2 =	stileid.u32;
	s9 =	smul.u32 $0x140000, s8  }
0x7: {  	s4 =	sadd.s32 $0x2000, s7;
	s5 =	sadd.s32 $0x2800, s7;
	s10 =	smul.u32 $0x14000, s2  }
0x8: {  	_ =	strace $0x80000047;
	s11 =	sshll.u32 s8, $0x4;
	s29 =	smul.u32 $0x50000, s2  }
0x9: {  	s8 =	ssub.s32 $0x2, s8;
	s31 =	sshll.u32 s2, $0x6;
	s28 =	sor.u32 s2, s11  }
0xa: {  	s30 =	sshrl.u32 s8, $0x1;
	s9 =	sadd.s32 s10, s9;
	s10 =	smul.u32 $0x300, s28  }
0xb: {  	s11 =	sshrl.u32 s29, $0x2;
	s8 =	ssub.s32 s8, s30;
	s9 =	sshrl.u32 s9, $0x3  }
0xc: {  	s12 =	sadd.s32 s11, s1;
	s8 =	smax.u32 s8, $0x1;
	s11 =	sor.u32 $0x1C01, s31  }
0xd: {  	s7 =	sadd.s32 s9, s7;
	s6 =	sadd.s32 s6, s10;
	s9 =	simm.s32 $0x1  }
0xe: {  	s10 =	simm.s32 $0x1800;
	s12 =	sshrl.u32 s12, $0x3;
	s7 =	sadd.s32 $0x5000, s7  }
.LBB2_1:
0xf: {  	[tilespmem:s3], [sflag:$0x1] =	stream.linear.gather [hbm4b:s6+s3], $0x1500, $0x38;
	[tilespmem:$0x19800] =	vst v63  }
0x10: {  	_ =	swait.ge [sflag:s9], $0x1500  }
0x11: {  	[sflag:s9] =	ssyncset.done $0x0  }
0x12: {  	[sflag:s9] =	ssyncadd.s32 $0xFFFFEB00  }
0x13: {  	[tilespmem:s10], [sflag:$0x1] =	stream.linear.gather [hbm4b:s4+s3], $0x4000, $0x38;
	[tilespmem:$0x19800] =	vst v63  }
0x14: {  	_ =	swait.ge [sflag:s9], $0x4000  }
0x15: {  	[sflag:s9] =	ssyncset.done $0x0  }
0x16: {  	[sflag:s9] =	ssyncadd.s32 $0xFFFFC000  }
0x17: {  	[spmem:s12], [sflag:s11] =	dma.local [hbm:s5], $0x2800  }
0x18: {  	_ =	swait.ge [sflag:s9], $0x2800  }
0x19: {  	[sflag:s9] =	ssyncset.done $0x0  }
0x1a: {  	[sflag:s9] =	ssyncadd.s32 $0xFFFFD800  }
0x1b: {  	s15 =	simm.s32 $0x0;
	[bflag:$0x0] =	sbarrier.arrive $0xFFFF  }
0x1c: {  	[spmem:s1] =	stream.indirect.scatter.add.f32 [tilespmem:s10], [sflag:$0x1], $0x80, s15, s13, $0xb8;
	[tilespmem:$0x19800] =	vst v63  }
0x1d: {  	_ =	swait.ge [sflag:s9], $0x4000  }
0x1e: {  	s15 =	simm.s32 $0x200;
	[sflag:s9] =	ssyncset.done $0x0  }
.LBB2_2:
0x1f: {  	s16 =	sshra.s32 s15, $0x2;
	[sflag:s9] =	ssyncadd.s32 $0xFFFFC000;
	p0 =	sne.s32 s15, $0x5200  }
0x20: {  	[spmem:s1] =	stream.indirect.scatter.add.f32 [tilespmem:s10], [sflag:$0x1], $0x80, s16, s13, $0xb8;
	[tilespmem:$0x19800] =	vst v63  }
.Ltmp0:
0x21: {  	_ = 	snop;
	(pc) =	sbr.rel @p0 .LBB2_2-.Ltmp0, $4  }
0x22: {  	_ = 	snop  }
0x23: {  	s15 =	sadd.s32 $0x200, s15  }
0x24: {  	_ =	swait.ge [sflag:s9], $0x4000  }
0x25: {  	[sflag:s9] =	ssyncset.done $0x0  }
0x26: {  	s14 =	sadd.s32 $0x1, s14  }
0x27: {  	[sflag:s9] =	ssyncadd.s32 $0xFFFFC000;
	p0 =	sne.s32 s14, s8  }
.Ltmp1:
0x28: {  	[bflag:$0x0] =	sbarrier.arrive $0xFFFF;
	(pc) =	sbr.rel @p0 .LBB2_1-.Ltmp1, $4  }
0x29: {  	[hbm:s7], [sflag:s11] =	dma.local [spmem:s12], $0x2800  }
0x2a: {  	_ =	swait.ge [sflag:s9], $0x2800  }
0x2b: {  	[sflag:s9] =	ssyncset.done $0x0  }
0x2c: {  	[sflag:s9] =	ssyncadd.s32 $0xFFFFD800  }
0x2d: {  	_ =	sfence.sel $0x180000  }
0x2e: {  	[bflag:$0x0] =	sbarrier.arrive $0xFFFF  }
0x2f: {  	p0 =	sne.s32 s2, $0x0;
	_ =	strace $0x90000047  }
0x30: {  	s0 =	sadd.s32 @!p0 $0x100000, s0;
	[bflag:$0x2] =	sbarrier.arrive $0xFFFF  }
0x31: {  	[sflag:s0] =	ssyncadd.tile.s32 @!p0 $0x1;
	_ =	shalt  }
.Lfunc_end2:
_tile_overlayer_lowered:
.L_overlay_start_2:
0x32: {  	(tag) =	ssettag $0x2  }
0x33: {  	s0 =	rddreg [dreg:$0x0];
	s2 =	stileid.u32  }
0x34: {  	s1 =	rddreg [dreg:$0x1];
	p0 =	sne.s32 s2, $0x0  }
0x35: {  	s3 =	rddreg [dreg:$0x2];
	[bflag:$0x3] =	sbarrier.arrive $0xFFFF;
	s2 =	simm.s32 @!p0 $0x1C01  }
0x36: {  	[timem:s3], [sflag:s2] =	dma.local @!p0 [hbm:s0], s1  }
0x37: {  	s0 =	simm.s32 @!p0 $0x1  }
0x38: {  	_ =	swait.ge @!p0 [sflag:s0], s1  }
0x39: {  	s1 =	ssub.s32 @!p0 $0x0, s1;
	[sflag:s0] =	ssyncset.done @!p0 $0x0  }
0x3a: {  	[sflag:s0] =	ssyncadd.s32 @!p0 s1  }
0x3b: {  	[bflag:$0x3] =	sbarrier.arrive $0xFFFF  }
0x3c: {  	_ =	shalt  }

</sc_bundles>
